<compile_context>
chip_gen: v7x
topology: tpu7x:2x2x1
jax: 0.10.2.dev20260603
libtpu: 0.0.44.dev20260713+nightly
codegen_flags: <defaults>
</compile_context>

<pallas_src>
import functools

import jax
import jax.numpy as jnp
from jax import lax
from jax.experimental import pallas as pl
from jax.experimental.pallas import tpu as pltpu
from jax.experimental.pallas import tpu_sc as plsc

_N_ROWS = 4096 * 200
_D = 128
_NC, _NS = 2, 16
_NW = _NC * _NS
_ROWS_PER_W = _N_ROWS // _NW
_CHUNK = 128
_NIT = _ROWS_PER_W // _CHUNK
_NB = 4
_K = 128
_NSL = _ROWS_PER_W // 16
_GRP = _K // 16
_TROWS = 3 * _K
_STG = _TROWS // _NS


_mesh = plsc.VectorSubcoreMesh(core_axis_name="c", subcore_axis_name="s")


@functools.partial(
    pl.kernel,
    mesh=_mesh,
    out_type=jax.ShapeDtypeStruct((_N_ROWS, _D), jnp.float32),
    scratch_types=[
        pltpu.VMEM((_ROWS_PER_W,), jnp.int32),
        pltpu.VMEM((_NB, _CHUNK, _D), jnp.float32),
        pltpu.VMEM_SHARED((_TROWS, _D), jnp.float32),
        pltpu.SemaphoreType.DMA,
        pltpu.SemaphoreType.DMA,
        pltpu.SemaphoreType.DMA,
        pltpu.SemaphoreType.DMA,
        pltpu.SemaphoreType.DMA,
        pltpu.SemaphoreType.DMA,
        pltpu.SemaphoreType.DMA,
        pltpu.SemaphoreType.DMA,
    ],
)
def _gather_rows(idx_hbm, table_hbm, out_hbm, idx_v, rows_v, table_sh, *sems):
    gsem = sems[:_NB]
    ssem = sems[_NB:]
    sid = lax.axis_index("s")
    wid = sid * _NC + lax.axis_index("c")
    base = wid * _ROWS_PER_W
    pltpu.sync_copy(
        table_hbm.at[pl.ds(sid * _STG, _STG)],
        table_sh.at[pl.ds(sid * _STG, _STG)],
    )
    pltpu.sync_copy(idx_hbm.at[pl.ds(base, _ROWS_PER_W)], idx_v)

    plsc.subcore_barrier()

    lane_off = 3 * lax.iota(jnp.int32, 16)

    def fire_gather(it, b):
        for u in range(_CHUNK // 16):
            sl = pl.ds(it * _CHUNK + u * 16, 16)
            idx_v[sl] = idx_v[sl] + lane_off
        pltpu.async_copy(
            table_sh.at[idx_v.at[pl.ds(it * _CHUNK, _CHUNK)]],
            rows_v.at[b],
            gsem[b],
        )

    def wait_gather(b):
        pltpu.make_async_copy(
            out_hbm.at[pl.ds(0, _CHUNK)], rows_v.at[b], gsem[b]
        ).wait()

    def fire_store(it, b):
        pltpu.async_copy(
            rows_v.at[b], out_hbm.at[pl.ds(base + it * _CHUNK, _CHUNK)], ssem[b]
        )

    def wait_store(b):
        pltpu.make_async_copy(
            rows_v.at[b], out_hbm.at[pl.ds(0, _CHUNK)], ssem[b]
        ).wait()

    fire_gather(0, 0)
    for it in range(_NB):
        b, b1 = it % _NB, (it + 1) % _NB
        if it + 1 - _NB >= 0:
            wait_store(b1)
        fire_gather(it + 1, b1)
        wait_gather(b)
        fire_store(it, b)

    def quad(q, _):
        for u in range(_NB):
            it = q * _NB + u
            b, b1 = u, (u + 1) % _NB
            wait_store(b1)
            fire_gather(it + 1, b1)
            wait_gather(b)
            fire_store(it, b)
        return ()

    lax.fori_loop(1, _NIT // _NB - 1, quad, ())

    for u in range(_NB):
        it = _NIT - _NB + u
        b, b1 = u, (u + 1) % _NB
        if it < _NIT - 1:
            wait_store(b1)
            fire_gather(it + 1, b1)
        wait_gather(b)
        fire_store(it, b)
    for b in range(_NB):
        wait_store(b)


def kernel(x, table):
    idx = x.reshape(_N_ROWS).astype(jnp.int32)
    rep_table = jnp.tile(table, (_K, 1))
    out = _gather_rows(idx, rep_table)
    return out.reshape(x.shape[0], x.shape[1], _D)

# --- scband reference (transcript-rebuilt; emitter-appended) ---
"""Pipeline reference for scband-segment-embeddings-11390253269609 (READ-ONLY COPY).

The authoritative reference and input builder live on the scoring server;
editing this copy changes nothing except your own understanding.
"""

import jax, jax.numpy as jnp
import numpy as np

N_SEGMENTS = 3
EMBED_DIM = 128

def setup_inputs(seed: int = 0) -> dict:
    key = jax.random.key(seed)
    k1, k2 = jax.random.split(key)
    x = jax.random.randint(k1, (4096, 200), 0, N_SEGMENTS, dtype=jnp.int64 if jax.config.jax_enable_x64 else jnp.int32).astype(jnp.int32)
    table = jax.random.normal(k2, (N_SEGMENTS, EMBED_DIM), dtype=jnp.float32)
    # padding_idx=0: torch initializes the padding row to zeros
    table = table.at[0].set(0.0)
    return {"x": x, "table": table}

def reference(x, table):
    # nn.Embedding forward: gather rows of the table by index
    return jnp.take(table, x, axis=0)

if __name__ == "__main__":
    import jax
    _d = setup_inputs()
    print(jax.jit(kernel)(*tuple(_d.values())))

</pallas_src>

<mosaic_0001>
#map = affine_map<(d0, d1) -> (0)>
#map1 = affine_map<(d0, d1) -> (0, 0)>
module attributes {stable_mosaic.version = 14 : i64} {
  func.func @_gather_rows(%arg0: i32, %arg1: i32, %arg2: memref<819200xi32, #tpu.memory_space<hbm>>, %arg3: memref<384x128xf32, #tpu.memory_space<hbm>>, %arg4: memref<819200x128xf32, #tpu.memory_space<hbm>>, %arg5: memref<25600xi32, #tpu.memory_space<vmem>>, %arg6: memref<4x128x128xf32, #tpu.memory_space<vmem>>, %arg7: memref<384x128xf32, #tpu.memory_space<vmem_shared>>, %arg8: memref<!tpu.dma_semaphore, #tpu.memory_space<semaphore_mem>>, %arg9: memref<!tpu.dma_semaphore, #tpu.memory_space<semaphore_mem>>, %arg10: memref<!tpu.dma_semaphore, #tpu.memory_space<semaphore_mem>>, %arg11: memref<!tpu.dma_semaphore, #tpu.memory_space<semaphore_mem>>, %arg12: memref<!tpu.dma_semaphore, #tpu.memory_space<semaphore_mem>>, %arg13: memref<!tpu.dma_semaphore, #tpu.memory_space<semaphore_mem>>, %arg14: memref<!tpu.dma_semaphore, #tpu.memory_space<semaphore_mem>>, %arg15: memref<!tpu.dma_semaphore, #tpu.memory_space<semaphore_mem>>) attributes {dimension_semantics = [#tpu.dimension_semantics<core_parallel>, #tpu.dimension_semantics<subcore_parallel>], iteration_bounds = array<i64: 2, 16>, scalar_prefetch = 0 : i64, scratch_operands = 11 : i64, tpu.core_type = #tpu.core_type<sc_vector_subcore>, window_params = [{transform_indices = #map}, {transform_indices = #map1}, {transform_indices = #map1}]} {
    %mul3A = arith.constant 2 : i32
    %mul3A_0 = arith.muli %arg1, %mul3A : i32
    %add3A = arith.addi %mul3A_0, %arg0 : i32
    %mul3A_1 = arith.constant 25600 : i32
    %mul3A_2 = arith.muli %add3A, %mul3A_1 : i32
    %mul3A_3 = arith.constant 24 : i32
    %mul3A_4 = arith.muli %arg1, %mul3A_3 : i32
    %mul3A_5 = arith.constant 24 : i32
    %mul3A_6 = arith.muli %arg1, %mul3A_5 : i32
    "tpu.region"() ({
      %run_scoped3A = tpu.sem_alloc : memref<!tpu.dma_semaphore, #tpu.memory_space<semaphore_mem>>
      %dma_start3A_962 = arith.constant 0 : i32
      %dma_start3A_963 = tpu.memref_slice %arg7[%mul3A_6, %dma_start3A_962] : memref<384x128xf32, #tpu.memory_space<vmem_shared>> -> memref<24x128xf32, #tpu.memory_space<vmem_shared>>
      %dma_start3A_964 = arith.constant 0 : i32
      %dma_start3A_965 = tpu.memref_slice %arg3[%mul3A_4, %dma_start3A_964] : memref<384x128xf32, #tpu.memory_space<hbm>> -> memref<24x128xf32, #tpu.memory_space<hbm>>
      tpu.enqueue_dma source(%dma_start3A_965 : memref<24x128xf32, #tpu.memory_space<hbm>>) target(%dma_start3A_963 : memref<24x128xf32, #tpu.memory_space<vmem_shared>>) target_semaphore(%run_scoped3A : memref<!tpu.dma_semaphore, #tpu.memory_space<semaphore_mem>>)
      %dma_wait3A_966 = arith.constant 0 : i32
      %dma_wait3A_967 = tpu.memref_slice %arg7[%mul3A_6, %dma_wait3A_966] : memref<384x128xf32, #tpu.memory_space<vmem_shared>> -> memref<24x128xf32, #tpu.memory_space<vmem_shared>>
      %dma_wait3A_968 = arith.constant 0 : i32
      %dma_wait3A_969 = tpu.memref_slice %arg3[%mul3A_4, %dma_wait3A_968] : memref<384x128xf32, #tpu.memory_space<hbm>> -> memref<24x128xf32, #tpu.memory_space<hbm>>
      tpu.wait_dma2 semaphore(%run_scoped3A : memref<!tpu.dma_semaphore, #tpu.memory_space<semaphore_mem>>) src(%dma_wait3A_969 : memref<24x128xf32, #tpu.memory_space<hbm>>) dst(%dma_wait3A_967 : memref<24x128xf32, #tpu.memory_space<vmem_shared>>)
      tpu.yield
    }) : () -> ()
    "tpu.region"() ({
      %run_scoped3A = tpu.sem_alloc : memref<!tpu.dma_semaphore, #tpu.memory_space<semaphore_mem>>
      %dma_start3A_962 = tpu.memref_slice %arg2[%mul3A_2] : memref<819200xi32, #tpu.memory_space<hbm>> -> memref<25600xi32, #tpu.memory_space<hbm>>
      %dma_start3A_963 = tpu.memref_slice %arg2[%mul3A_2] : memref<819200xi32, #tpu.memory_space<hbm>> -> memref<25600xi32, #tpu.memory_space<hbm>>
      tpu.enqueue_dma source(%dma_start3A_963 : memref<25600xi32, #tpu.memory_space<hbm>>) target(%arg5 : memref<25600xi32, #tpu.memory_space<vmem>>) target_semaphore(%run_scoped3A : memref<!tpu.dma_semaphore, #tpu.memory_space<semaphore_mem>>)
      %dma_wait3A_964 = tpu.memref_slice %arg2[%mul3A_2] : memref<819200xi32, #tpu.memory_space<hbm>> -> memref<25600xi32, #tpu.memory_space<hbm>>
      %dma_wait3A_965 = tpu.memref_slice %arg2[%mul3A_2] : memref<819200xi32, #tpu.memory_space<hbm>> -> memref<25600xi32, #tpu.memory_space<hbm>>
      tpu.wait_dma2 semaphore(%run_scoped3A : memref<!tpu.dma_semaphore, #tpu.memory_space<semaphore_mem>>) src(%dma_wait3A_965 : memref<25600xi32, #tpu.memory_space<hbm>>) dst(%arg5 : memref<25600xi32, #tpu.memory_space<vmem>>)
      tpu.yield
    }) : () -> ()
    %barrier3A = arith.constant 0 : index
    tpu.barrier barrier_id(%barrier3A)
    %iota3A = tpu.iota {dimensions = array<i32: 0>} : vector<16xi32>
    %mul3A_7 = arith.constant 3 : i32
    %mul3A_8 = vector.broadcast %mul3A_7 : i32 to vector<16xi32>
    %mul3A_9 = arith.muli %mul3A_8, %iota3A : vector<16xi32>
    %get3A = arith.constant 0 : index
    %get3A_10 = tpu.vector_load %arg5[%get3A] {strides = array<i32>} : memref<25600xi32, #tpu.memory_space<vmem>>, vector<16xi32>,
    %get3A_11 = vector.shape_cast %get3A_10 : vector<16xi32> to vector<16xi32>
    %add3A_12 = arith.addi %get3A_11, %mul3A_9 : vector<16xi32>
    %swap3A = arith.constant 0 : index
    %swap3A_13 = tpu.vector_load %arg5[%swap3A] {strides = array<i32>} : memref<25600xi32, #tpu.memory_space<vmem>>, vector<16xi32>,
    %swap3A_14 = vector.shape_cast %swap3A_13 : vector<16xi32> to vector<16xi32>
    %swap3A_15 = vector.shape_cast %add3A_12 : vector<16xi32> to vector<16xi32>
    tpu.vector_store %arg5[%swap3A], %swap3A_15 {strides = array<i32>} : memref<25600xi32, #tpu.memory_space<vmem>>, vector<16xi32>,
    %get3A_16 = arith.constant 16 : index
    %get3A_17 = tpu.vector_load %arg5[%get3A_16] {strides = array<i32>} : memref<25600xi32, #tpu.memory_space<vmem>>, vector<16xi32>,
    %get3A_18 = vector.shape_cast %get3A_17 : vector<16xi32> to vector<16xi32>
    %add3A_19 = arith.addi %get3A_18, %mul3A_9 : vector<16xi32>
    %swap3A_20 = arith.constant 16 : index
    %swap3A_21 = tpu.vector_load %arg5[%swap3A_20] {strides = array<i32>} : memref<25600xi32, #tpu.memory_space<vmem>>, vector<16xi32>,
    %swap3A_22 = vector.shape_cast %swap3A_21 : vector<16xi32> to vector<16xi32>
    %swap3A_23 = vector.shape_cast %add3A_19 : vector<16xi32> to vector<16xi32>
    tpu.vector_store %arg5[%swap3A_20], %swap3A_23 {strides = array<i32>} : memref<25600xi32, #tpu.memory_space<vmem>>, vector<16xi32>,
    %get3A_24 = arith.constant 32 : index
    %get3A_25 = tpu.vector_load %arg5[%get3A_24] {strides = array<i32>} : memref<25600xi32, #tpu.memory_space<vmem>>, vector<16xi32>,
    %get3A_26 = vector.shape_cast %get3A_25 : vector<16xi32> to vector<16xi32>
    %add3A_27 = arith.addi %get3A_26, %mul3A_9 : vector<16xi32>
    %swap3A_28 = arith.constant 32 : index
    %swap3A_29 = tpu.vector_load %arg5[%swap3A_28] {strides = array<i32>} : memref<25600xi32, #tpu.memory_space<vmem>>, vector<16xi32>,
    %swap3A_30 = vector.shape_cast %swap3A_29 : vector<16xi32> to vector<16xi32>
    %swap3A_31 = vector.shape_cast %add3A_27 : vector<16xi32> to vector<16xi32>
    tpu.vector_store %arg5[%swap3A_28], %swap3A_31 {strides = array<i32>} : memref<25600xi32, #tpu.memory_space<vmem>>, vector<16xi32>,
    %get3A_32 = arith.constant 48 : index
    %get3A_33 = tpu.vector_load %arg5[%get3A_32] {strides = array<i32>} : memref<25600xi32, #tpu.memory_space<vmem>>, vector<16xi32>,
    %get3A_34 = vector.shape_cast %get3A_33 : vector<16xi32> to vector<16xi32>
    %add3A_35 = arith.addi %get3A_34, %mul3A_9 : vector<16xi32>
    %swap3A_36 = arith.constant 48 : index
    %swap3A_37 = tpu.vector_load %arg5[%swap3A_36] {strides = array<i32>} : memref<25600xi32, #tpu.memory_space<vmem>>, vector<16xi32>,
    %swap3A_38 = vector.shape_cast %swap3A_37 : vector<16xi32> to vector<16xi32>
    %swap3A_39 = vector.shape_cast %add3A_35 : vector<16xi32> to vector<16xi32>
    tpu.vector_store %arg5[%swap3A_36], %swap3A_39 {strides = array<i32>} : memref<25600xi32, #tpu.memory_space<vmem>>, vector<16xi32>,
    %get3A_40 = arith.constant 64 : index
    %get3A_41 = tpu.vector_load %arg5[%get3A_40] {strides = array<i32>} : memref<25600xi32, #tpu.memory_space<vmem>>, vector<16xi32>,
    %get3A_42 = vector.shape_cast %get3A_41 : vector<16xi32> to vector<16xi32>
    %add3A_43 = arith.addi %get3A_42, %mul3A_9 : vector<16xi32>
    %swap3A_44 = arith.constant 64 : index
    %swap3A_45 = tpu.vector_load %arg5[%swap3A_44] {strides = array<i32>} : memref<25600xi32, #tpu.memory_space<vmem>>, vector<16xi32>,
    %swap3A_46 = vector.shape_cast %swap3A_45 : vector<16xi32> to vector<16xi32>
    %swap3A_47 = vector.shape_cast %add3A_43 : vector<16xi32> to vector<16xi32>
    tpu.vector_store %arg5[%swap3A_44], %swap3A_47 {strides = array<i32>} : memref<25600xi32, #tpu.memory_space<vmem>>, vector<16xi32>,
    %get3A_48 = arith.constant 80 : index
    %get3A_49 = tpu.vector_load %arg5[%get3A_48] {strides = array<i32>} : memref<25600xi32, #tpu.memory_space<vmem>>, vector<16xi32>,
    %get3A_50 = vector.shape_cast %get3A_49 : vector<16xi32> to vector<16xi32>
    %add3A_51 = arith.addi %get3A_50, %mul3A_9 : vector<16xi32>
    %swap3A_52 = arith.constant 80 : index
    %swap3A_53 = tpu.vector_load %arg5[%swap3A_52] {strides = array<i32>} : memref<25600xi32, #tpu.memory_space<vmem>>, vector<16xi32>,
    %swap3A_54 = vector.shape_cast %swap3A_53 : vector<16xi32> to vector<16xi32>
    %swap3A_55 = vector.shape_cast %add3A_51 : vector<16xi32> to vector<16xi32>
    tpu.vector_store %arg5[%swap3A_52], %swap3A_55 {strides = array<i32>} : memref<25600xi32, #tpu.memory_space<vmem>>, vector<16xi32>,
    %get3A_56 = arith.constant 96 : index
    %get3A_57 = tpu.vector_load %arg5[%get3A_56] {strides = array<i32>} : memref<25600xi32, #tpu.memory_space<vmem>>, vector<16xi32>,
    %get3A_58 = vector.shape_cast %get3A_57 : vector<16xi32> to vector<16xi32>
    %add3A_59 = arith.addi %get3A_58, %mul3A_9 : vector<16xi32>
    %swap3A_60 = arith.constant 96 : index
    %swap3A_61 = tpu.vector_load %arg5[%swap3A_60] {strides = array<i32>} : memref<25600xi32, #tpu.memory_space<vmem>>, vector<16xi32>,
    %swap3A_62 = vector.shape_cast %swap3A_61 : vector<16xi32> to vector<16xi32>
    %swap3A_63 = vector.shape_cast %add3A_59 : vector<16xi32> to vector<16xi32>
    tpu.vector_store %arg5[%swap3A_60], %swap3A_63 {strides = array<i32>} : memref<25600xi32, #tpu.memory_space<vmem>>, vector<16xi32>,
    %get3A_64 = arith.constant 112 : index
    %get3A_65 = tpu.vector_load %arg5[%get3A_64] {strides = array<i32>} : memref<25600xi32, #tpu.memory_space<vmem>>, vector<16xi32>,
    %get3A_66 = vector.shape_cast %get3A_65 : vector<16xi32> to vector<16xi32>
    %add3A_67 = arith.addi %get3A_66, %mul3A_9 : vector<16xi32>
    %swap3A_68 = arith.constant 112 : index
    %swap3A_69 = tpu.vector_load %arg5[%swap3A_68] {strides = array<i32>} : memref<25600xi32, #tpu.memory_space<vmem>>, vector<16xi32>,
    %swap3A_70 = vector.shape_cast %swap3A_69 : vector<16xi32> to vector<16xi32>
    %swap3A_71 = vector.shape_cast %add3A_67 : vector<16xi32> to vector<16xi32>
    tpu.vector_store %arg5[%swap3A_68], %swap3A_71 {strides = array<i32>} : memref<25600xi32, #tpu.memory_space<vmem>>, vector<16xi32>,
    %dma_start3A = arith.constant 0 : i32
    %dma_start3A_72 = arith.constant 0 : i32
    %dma_start3A_73 = arith.constant 0 : i32
    %dma_start3A_74 = tpu.memref_slice %arg6[%dma_start3A, %dma_start3A_72, %dma_start3A_73] : memref<4x128x128xf32, #tpu.memory_space<vmem>> -> memref<1x128x128xf32, #tpu.memory_space<vmem>>
    %dma_start3A_75 = tpu.memref_squeeze %dma_start3A_74 : memref<1x128x128xf32, #tpu.memory_space<vmem>> -> memref<128x128xf32, #tpu.memory_space<vmem>>
    %dma_start3A_76 = arith.constant 0 : i32
    %dma_start3A_77 = tpu.memref_slice %arg5[%dma_start3A_76] : memref<25600xi32, #tpu.memory_space<vmem>> -> memref<128xi32, #tpu.memory_space<vmem>>
    %dma_start3A_78 = arith.constant 0 : i32
    %dma_start3A_79 = arith.constant 0 : i32
    %dma_start3A_80 = tpu.memref_slice %arg7[%dma_start3A_78, %dma_start3A_79] : memref<384x128xf32, #tpu.memory_space<vmem_shared>> -> memref<384x128xf32, #tpu.memory_space<vmem_shared>>
    tpu.enqueue_indirect_dma source(%dma_start3A_80 : memref<384x128xf32, #tpu.memory_space<vmem_shared>>) target(%dma_start3A_75 : memref<128x128xf32, #tpu.memory_space<vmem>>) offsets(%dma_start3A_77 : memref<128xi32, #tpu.memory_space<vmem>>) semaphore(%arg8 : memref<!tpu.dma_semaphore, #tpu.memory_space<semaphore_mem>>)
    %get3A_81 = arith.constant 128 : index
    %get3A_82 = tpu.vector_load %arg5[%get3A_81] {strides = array<i32>} : memref<25600xi32, #tpu.memory_space<vmem>>, vector<16xi32>,
    %get3A_83 = vector.shape_cast %get3A_82 : vector<16xi32> to vector<16xi32>
    %add3A_84 = arith.addi %get3A_83, %mul3A_9 : vector<16xi32>
    %swap3A_85 = arith.constant 128 : index
    %swap3A_86 = tpu.vector_load %arg5[%swap3A_85] {strides = array<i32>} : memref<25600xi32, #tpu.memory_space<vmem>>, vector<16xi32>,
    %swap3A_87 = vector.shape_cast %swap3A_86 : vector<16xi32> to vector<16xi32>
    %swap3A_88 = vector.shape_cast %add3A_84 : vector<16xi32> to vector<16xi32>
    tpu.vector_store %arg5[%swap3A_85], %swap3A_88 {strides = array<i32>} : memref<25600xi32, #tpu.memory_space<vmem>>, vector<16xi32>,
    %get3A_89 = arith.constant 144 : index
    %get3A_90 = tpu.vector_load %arg5[%get3A_89] {strides = array<i32>} : memref<25600xi32, #tpu.memory_space<vmem>>, vector<16xi32>,
    %get3A_91 = vector.shape_cast %get3A_90 : vector<16xi32> to vector<16xi32>
    %add3A_92 = arith.addi %get3A_91, %mul3A_9 : vector<16xi32>
    %swap3A_93 = arith.constant 144 : index
    %swap3A_94 = tpu.vector_load %arg5[%swap3A_93] {strides = array<i32>} : memref<25600xi32, #tpu.memory_space<vmem>>, vector<16xi32>,
    %swap3A_95 = vector.shape_cast %swap3A_94 : vector<16xi32> to vector<16xi32>
    %swap3A_96 = vector.shape_cast %add3A_92 : vector<16xi32> to vector<16xi32>
    tpu.vector_store %arg5[%swap3A_93], %swap3A_96 {strides = array<i32>} : memref<25600xi32, #tpu.memory_space<vmem>>, vector<16xi32>,
    %get3A_97 = arith.constant 160 : index
    %get3A_98 = tpu.vector_load %arg5[%get3A_97] {strides = array<i32>} : memref<25600xi32, #tpu.memory_space<vmem>>, vector<16xi32>,
    %get3A_99 = vector.shape_cast %get3A_98 : vector<16xi32> to vector<16xi32>
    %add3A_100 = arith.addi %get3A_99, %mul3A_9 : vector<16xi32>
    %swap3A_101 = arith.constant 160 : index
    %swap3A_102 = tpu.vector_load %arg5[%swap3A_101] {strides = array<i32>} : memref<25600xi32, #tpu.memory_space<vmem>>, vector<16xi32>,
    %swap3A_103 = vector.shape_cast %swap3A_102 : vector<16xi32> to vector<16xi32>
    %swap3A_104 = vector.shape_cast %add3A_100 : vector<16xi32> to vector<16xi32>
    tpu.vector_store %arg5[%swap3A_101], %swap3A_104 {strides = array<i32>} : memref<25600xi32, #tpu.memory_space<vmem>>, vector<16xi32>,
    %get3A_105 = arith.constant 176 : index
    %get3A_106 = tpu.vector_load %arg5[%get3A_105] {strides = array<i32>} : memref<25600xi32, #tpu.memory_space<vmem>>, vector<16xi32>,
    %get3A_107 = vector.shape_cast %get3A_106 : vector<16xi32> to vector<16xi32>
    %add3A_108 = arith.addi %get3A_107, %mul3A_9 : vector<16xi32>
    %swap3A_109 = arith.constant 176 : index
    %swap3A_110 = tpu.vector_load %arg5[%swap3A_109] {strides = array<i32>} : memref<25600xi32, #tpu.memory_space<vmem>>, vector<16xi32>,
    %swap3A_111 = vector.shape_cast %swap3A_110 : vector<16xi32> to vector<16xi32>
    %swap3A_112 = vector.shape_cast %add3A_108 : vector<16xi32> to vector<16xi32>
    tpu.vector_store %arg5[%swap3A_109], %swap3A_112 {strides = array<i32>} : memref<25600xi32, #tpu.memory_space<vmem>>, vector<16xi32>,
    %get3A_113 = arith.constant 192 : index
    %get3A_114 = tpu.vector_load %arg5[%get3A_113] {strides = array<i32>} : memref<25600xi32, #tpu.memory_space<vmem>>, vector<16xi32>,
    %get3A_115 = vector.shape_cast %get3A_114 : vector<16xi32> to vector<16xi32>
    %add3A_116 = arith.addi %get3A_115, %mul3A_9 : vector<16xi32>
    %swap3A_117 = arith.constant 192 : index
    %swap3A_118 = tpu.vector_load %arg5[%swap3A_117] {strides = array<i32>} : memref<25600xi32, #tpu.memory_space<vmem>>, vector<16xi32>,
    %swap3A_119 = vector.shape_cast %swap3A_118 : vector<16xi32> to vector<16xi32>
    %swap3A_120 = vector.shape_cast %add3A_116 : vector<16xi32> to vector<16xi32>
    tpu.vector_store %arg5[%swap3A_117], %swap3A_120 {strides = array<i32>} : memref<25600xi32, #tpu.memory_space<vmem>>, vector<16xi32>,
    %get3A_121 = arith.constant 208 : index
    %get3A_122 = tpu.vector_load %arg5[%get3A_121] {strides = array<i32>} : memref<25600xi32, #tpu.memory_space<vmem>>, vector<16xi32>,
    %get3A_123 = vector.shape_cast %get3A_122 : vector<16xi32> to vector<16xi32>
    %add3A_124 = arith.addi %get3A_123, %mul3A_9 : vector<16xi32>
    %swap3A_125 = arith.constant 208 : index
    %swap3A_126 = tpu.vector_load %arg5[%swap3A_125] {strides = array<i32>} : memref<25600xi32, #tpu.memory_space<vmem>>, vector<16xi32>,
    %swap3A_127 = vector.shape_cast %swap3A_126 : vector<16xi32> to vector<16xi32>
    %swap3A_128 = vector.shape_cast %add3A_124 : vector<16xi32> to vector<16xi32>
    tpu.vector_store %arg5[%swap3A_125], %swap3A_128 {strides = array<i32>} : memref<25600xi32, #tpu.memory_space<vmem>>, vector<16xi32>,
    %get3A_129 = arith.constant 224 : index
    %get3A_130 = tpu.vector_load %arg5[%get3A_129] {strides = array<i32>} : memref<25600xi32, #tpu.memory_space<vmem>>, vector<16xi32>,
    %get3A_131 = vector.shape_cast %get3A_130 : vector<16xi32> to vector<16xi32>
    %add3A_132 = arith.addi %get3A_131, %mul3A_9 : vector<16xi32>
    %swap3A_133 = arith.constant 224 : index
    %swap3A_134 = tpu.vector_load %arg5[%swap3A_133] {strides = array<i32>} : memref<25600xi32, #tpu.memory_space<vmem>>, vector<16xi32>,
    %swap3A_135 = vector.shape_cast %swap3A_134 : vector<16xi32> to vector<16xi32>
    %swap3A_136 = vector.shape_cast %add3A_132 : vector<16xi32> to vector<16xi32>
    tpu.vector_store %arg5[%swap3A_133], %swap3A_136 {strides = array<i32>} : memref<25600xi32, #tpu.memory_space<vmem>>, vector<16xi32>,
    %get3A_137 = arith.constant 240 : index
    %get3A_138 = tpu.vector_load %arg5[%get3A_137] {strides = array<i32>} : memref<25600xi32, #tpu.memory_space<vmem>>, vector<16xi32>,
    %get3A_139 = vector.shape_cast %get3A_138 : vector<16xi32> to vector<16xi32>
    %add3A_140 = arith.addi %get3A_139, %mul3A_9 : vector<16xi32>
    %swap3A_141 = arith.constant 240 : index
    %swap3A_142 = tpu.vector_load %arg5[%swap3A_141] {strides = array<i32>} : memref<25600xi32, #tpu.memory_space<vmem>>, vector<16xi32>,
    %swap3A_143 = vector.shape_cast %swap3A_142 : vector<16xi32> to vector<16xi32>
    %swap3A_144 = vector.shape_cast %add3A_140 : vector<16xi32> to vector<16xi32>
    tpu.vector_store %arg5[%swap3A_141], %swap3A_144 {strides = array<i32>} : memref<25600xi32, #tpu.memory_space<vmem>>, vector<16xi32>,
    %dma_start3A_145 = arith.constant 1 : i32
    %dma_start3A_146 = arith.constant 0 : i32
    %dma_start3A_147 = arith.constant 0 : i32
    %dma_start3A_148 = tpu.memref_slice %arg6[%dma_start3A_145, %dma_start3A_146, %dma_start3A_147] : memref<4x128x128xf32, #tpu.memory_space<vmem>> -> memref<1x128x128xf32, #tpu.memory_space<vmem>>
    %dma_start3A_149 = tpu.memref_squeeze %dma_start3A_148 : memref<1x128x128xf32, #tpu.memory_space<vmem>> -> memref<128x128xf32, #tpu.memory_space<vmem>>
    %dma_start3A_150 = arith.constant 128 : i32
    %dma_start3A_151 = tpu.memref_slice %arg5[%dma_start3A_150] : memref<25600xi32, #tpu.memory_space<vmem>> -> memref<128xi32, #tpu.memory_space<vmem>>
    %dma_start3A_152 = arith.constant 0 : i32
    %dma_start3A_153 = arith.constant 0 : i32
    %dma_start3A_154 = tpu.memref_slice %arg7[%dma_start3A_152, %dma_start3A_153] : memref<384x128xf32, #tpu.memory_space<vmem_shared>> -> memref<384x128xf32, #tpu.memory_space<vmem_shared>>
    tpu.enqueue_indirect_dma source(%dma_start3A_154 : memref<384x128xf32, #tpu.memory_space<vmem_shared>>) target(%dma_start3A_149 : memref<128x128xf32, #tpu.memory_space<vmem>>) offsets(%dma_start3A_151 : memref<128xi32, #tpu.memory_space<vmem>>) semaphore(%arg9 : memref<!tpu.dma_semaphore, #tpu.memory_space<semaphore_mem>>)
    %dma_wait3A = arith.constant 0 : i32
    %dma_wait3A_155 = arith.constant 0 : i32
    %dma_wait3A_156 = arith.constant 0 : i32
    %dma_wait3A_157 = tpu.memref_slice %arg6[%dma_wait3A, %dma_wait3A_155, %dma_wait3A_156] : memref<4x128x128xf32, #tpu.memory_space<vmem>> -> memref<1x128x128xf32, #tpu.memory_space<vmem>>
    %dma_wait3A_158 = tpu.memref_squeeze %dma_wait3A_157 : memref<1x128x128xf32, #tpu.memory_space<vmem>> -> memref<128x128xf32, #tpu.memory_space<vmem>>
    %dma_wait3A_159 = arith.constant 0 : i32
    %dma_wait3A_160 = arith.constant 0 : i32
    %dma_wait3A_161 = tpu.memref_slice %arg4[%dma_wait3A_159, %dma_wait3A_160] : memref<819200x128xf32, #tpu.memory_space<hbm>> -> memref<128x128xf32, #tpu.memory_space<hbm>>
    %dma_wait3A_162 = arith.constant 0 : i32
    %dma_wait3A_163 = arith.constant 0 : i32
    %dma_wait3A_164 = tpu.memref_slice %arg6[%dma_wait3A, %dma_wait3A_162, %dma_wait3A_163] : memref<4x128x128xf32, #tpu.memory_space<vmem>> -> memref<1x128x128xf32, #tpu.memory_space<vmem>>
    %dma_wait3A_165 = tpu.memref_squeeze %dma_wait3A_164 : memref<1x128x128xf32, #tpu.memory_space<vmem>> -> memref<128x128xf32, #tpu.memory_space<vmem>>
    %dma_wait3A_166 = arith.constant 0 : i32
    %dma_wait3A_167 = arith.constant 0 : i32
    %dma_wait3A_168 = tpu.memref_slice %arg4[%dma_wait3A_166, %dma_wait3A_167] : memref<819200x128xf32, #tpu.memory_space<hbm>> -> memref<128x128xf32, #tpu.memory_space<hbm>>
    tpu.wait_dma2 semaphore(%arg8 : memref<!tpu.dma_semaphore, #tpu.memory_space<semaphore_mem>>) src(%dma_wait3A_168 : memref<128x128xf32, #tpu.memory_space<hbm>>) dst(%dma_wait3A_165 : memref<128x128xf32, #tpu.memory_space<vmem>>)
    %add3A_169 = arith.constant 0 : i32
    %add3A_170 = arith.addi %mul3A_2, %add3A_169 : i32
    %dma_start3A_171 = arith.constant 0 : i32
    %dma_start3A_172 = arith.constant 0 : i32
    %dma_start3A_173 = arith.constant 0 : i32
    %dma_start3A_174 = tpu.memref_slice %arg6[%dma_start3A_171, %dma_start3A_172, %dma_start3A_173] : memref<4x128x128xf32, #tpu.memory_space<vmem>> -> memref<1x128x128xf32, #tpu.memory_space<vmem>>
    %dma_start3A_175 = tpu.memref_squeeze %dma_start3A_174 : memref<1x128x128xf32, #tpu.memory_space<vmem>> -> memref<128x128xf32, #tpu.memory_space<vmem>>
    %dma_start3A_176 = arith.constant 0 : i32
    %dma_start3A_177 = tpu.memref_slice %arg4[%add3A_170, %dma_start3A_176] : memref<819200x128xf32, #tpu.memory_space<hbm>> -> memref<128x128xf32, #tpu.memory_space<hbm>>
    %dma_start3A_178 = arith.constant 0 : i32
    %dma_start3A_179 = tpu.memref_slice %arg4[%add3A_170, %dma_start3A_178] : memref<819200x128xf32, #tpu.memory_space<hbm>> -> memref<128x128xf32, #tpu.memory_space<hbm>>
    %dma_start3A_180 = arith.constant 0 : i32
    %dma_start3A_181 = arith.constant 0 : i32
    %dma_start3A_182 = tpu.memref_slice %arg6[%dma_start3A_171, %dma_start3A_180, %dma_start3A_181] : memref<4x128x128xf32, #tpu.memory_space<vmem>> -> memref<1x128x128xf32, #tpu.memory_space<vmem>>
    %dma_start3A_183 = tpu.memref_squeeze %dma_start3A_182 : memref<1x128x128xf32, #tpu.memory_space<vmem>> -> memref<128x128xf32, #tpu.memory_space<vmem>>
    tpu.enqueue_dma source(%dma_start3A_183 : memref<128x128xf32, #tpu.memory_space<vmem>>) target(%dma_start3A_179 : memref<128x128xf32, #tpu.memory_space<hbm>>) target_semaphore(%arg12 : memref<!tpu.dma_semaphore, #tpu.memory_space<semaphore_mem>>)
    %get3A_184 = arith.constant 256 : index
    %get3A_185 = tpu.vector_load %arg5[%get3A_184] {strides = array<i32>} : memref<25600xi32, #tpu.memory_space<vmem>>, vector<16xi32>,
    %get3A_186 = vector.shape_cast %get3A_185 : vector<16xi32> to vector<16xi32>
    %add3A_187 = arith.addi %get3A_186, %mul3A_9 : vector<16xi32>
    %swap3A_188 = arith.constant 256 : index
    %swap3A_189 = tpu.vector_load %arg5[%swap3A_188] {strides = array<i32>} : memref<25600xi32, #tpu.memory_space<vmem>>, vector<16xi32>,
    %swap3A_190 = vector.shape_cast %swap3A_189 : vector<16xi32> to vector<16xi32>
    %swap3A_191 = vector.shape_cast %add3A_187 : vector<16xi32> to vector<16xi32>
    tpu.vector_store %arg5[%swap3A_188], %swap3A_191 {strides = array<i32>} : memref<25600xi32, #tpu.memory_space<vmem>>, vector<16xi32>,
    %get3A_192 = arith.constant 272 : index
    %get3A_193 = tpu.vector_load %arg5[%get3A_192] {strides = array<i32>} : memref<25600xi32, #tpu.memory_space<vmem>>, vector<16xi32>,
    %get3A_194 = vector.shape_cast %get3A_193 : vector<16xi32> to vector<16xi32>
    %add3A_195 = arith.addi %get3A_194, %mul3A_9 : vector<16xi32>
    %swap3A_196 = arith.constant 272 : index
    %swap3A_197 = tpu.vector_load %arg5[%swap3A_196] {strides = array<i32>} : memref<25600xi32, #tpu.memory_space<vmem>>, vector<16xi32>,
    %swap3A_198 = vector.shape_cast %swap3A_197 : vector<16xi32> to vector<16xi32>
    %swap3A_199 = vector.shape_cast %add3A_195 : vector<16xi32> to vector<16xi32>
    tpu.vector_store %arg5[%swap3A_196], %swap3A_199 {strides = array<i32>} : memref<25600xi32, #tpu.memory_space<vmem>>, vector<16xi32>,
    %get3A_200 = arith.constant 288 : index
    %get3A_201 = tpu.vector_load %arg5[%get3A_200] {strides = array<i32>} : memref<25600xi32, #tpu.memory_space<vmem>>, vector<16xi32>,
    %get3A_202 = vector.shape_cast %get3A_201 : vector<16xi32> to vector<16xi32>
    %add3A_203 = arith.addi %get3A_202, %mul3A_9 : vector<16xi32>
    %swap3A_204 = arith.constant 288 : index
    %swap3A_205 = tpu.vector_load %arg5[%swap3A_204] {strides = array<i32>} : memref<25600xi32, #tpu.memory_space<vmem>>, vector<16xi32>,
    %swap3A_206 = vector.shape_cast %swap3A_205 : vector<16xi32> to vector<16xi32>
    %swap3A_207 = vector.shape_cast %add3A_203 : vector<16xi32> to vector<16xi32>
    tpu.vector_store %arg5[%swap3A_204], %swap3A_207 {strides = array<i32>} : memref<25600xi32, #tpu.memory_space<vmem>>, vector<16xi32>,
    %get3A_208 = arith.constant 304 : index
    %get3A_209 = tpu.vector_load %arg5[%get3A_208] {strides = array<i32>} : memref<25600xi32, #tpu.memory_space<vmem>>, vector<16xi32>,
    %get3A_210 = vector.shape_cast %get3A_209 : vector<16xi32> to vector<16xi32>
    %add3A_211 = arith.addi %get3A_210, %mul3A_9 : vector<16xi32>
    %swap3A_212 = arith.constant 304 : index
    %swap3A_213 = tpu.vector_load %arg5[%swap3A_212] {strides = array<i32>} : memref<25600xi32, #tpu.memory_space<vmem>>, vector<16xi32>,
    %swap3A_214 = vector.shape_cast %swap3A_213 : vector<16xi32> to vector<16xi32>
    %swap3A_215 = vector.shape_cast %add3A_211 : vector<16xi32> to vector<16xi32>
    tpu.vector_store %arg5[%swap3A_212], %swap3A_215 {strides = array<i32>} : memref<25600xi32, #tpu.memory_space<vmem>>, vector<16xi32>,
    %get3A_216 = arith.constant 320 : index
    %get3A_217 = tpu.vector_load %arg5[%get3A_216] {strides = array<i32>} : memref<25600xi32, #tpu.memory_space<vmem>>, vector<16xi32>,
    %get3A_218 = vector.shape_cast %get3A_217 : vector<16xi32> to vector<16xi32>
    %add3A_219 = arith.addi %get3A_218, %mul3A_9 : vector<16xi32>
    %swap3A_220 = arith.constant 320 : index
    %swap3A_221 = tpu.vector_load %arg5[%swap3A_220] {strides = array<i32>} : memref<25600xi32, #tpu.memory_space<vmem>>, vector<16xi32>,
    %swap3A_222 = vector.shape_cast %swap3A_221 : vector<16xi32> to vector<16xi32>
    %swap3A_223 = vector.shape_cast %add3A_219 : vector<16xi32> to vector<16xi32>
    tpu.vector_store %arg5[%swap3A_220], %swap3A_223 {strides = array<i32>} : memref<25600xi32, #tpu.memory_space<vmem>>, vector<16xi32>,
    %get3A_224 = arith.constant 336 : index
    %get3A_225 = tpu.vector_load %arg5[%get3A_224] {strides = array<i32>} : memref<25600xi32, #tpu.memory_space<vmem>>, vector<16xi32>,
    %get3A_226 = vector.shape_cast %get3A_225 : vector<16xi32> to vector<16xi32>
    %add3A_227 = arith.addi %get3A_226, %mul3A_9 : vector<16xi32>
    %swap3A_228 = arith.constant 336 : index
    %swap3A_229 = tpu.vector_load %arg5[%swap3A_228] {strides = array<i32>} : memref<25600xi32, #tpu.memory_space<vmem>>, vector<16xi32>,
    %swap3A_230 = vector.shape_cast %swap3A_229 : vector<16xi32> to vector<16xi32>
    %swap3A_231 = vector.shape_cast %add3A_227 : vector<16xi32> to vector<16xi32>
    tpu.vector_store %arg5[%swap3A_228], %swap3A_231 {strides = array<i32>} : memref<25600xi32, #tpu.memory_space<vmem>>, vector<16xi32>,
    %get3A_232 = arith.constant 352 : index
    %get3A_233 = tpu.vector_load %arg5[%get3A_232] {strides = array<i32>} : memref<25600xi32, #tpu.memory_space<vmem>>, vector<16xi32>,
    %get3A_234 = vector.shape_cast %get3A_233 : vector<16xi32> to vector<16xi32>
    %add3A_235 = arith.addi %get3A_234, %mul3A_9 : vector<16xi32>
    %swap3A_236 = arith.constant 352 : index
    %swap3A_237 = tpu.vector_load %arg5[%swap3A_236] {strides = array<i32>} : memref<25600xi32, #tpu.memory_space<vmem>>, vector<16xi32>,
    %swap3A_238 = vector.shape_cast %swap3A_237 : vector<16xi32> to vector<16xi32>
    %swap3A_239 = vector.shape_cast %add3A_235 : vector<16xi32> to vector<16xi32>
    tpu.vector_store %arg5[%swap3A_236], %swap3A_239 {strides = array<i32>} : memref<25600xi32, #tpu.memory_space<vmem>>, vector<16xi32>,
    %get3A_240 = arith.constant 368 : index
    %get3A_241 = tpu.vector_load %arg5[%get3A_240] {strides = array<i32>} : memref<25600xi32, #tpu.memory_space<vmem>>, vector<16xi32>,
    %get3A_242 = vector.shape_cast %get3A_241 : vector<16xi32> to vector<16xi32>
    %add3A_243 = arith.addi %get3A_242, %mul3A_9 : vector<16xi32>
    %swap3A_244 = arith.constant 368 : index
    %swap3A_245 = tpu.vector_load %arg5[%swap3A_244] {strides = array<i32>} : memref<25600xi32, #tpu.memory_space<vmem>>, vector<16xi32>,
    %swap3A_246 = vector.shape_cast %swap3A_245 : vector<16xi32> to vector<16xi32>
    %swap3A_247 = vector.shape_cast %add3A_243 : vector<16xi32> to vector<16xi32>
    tpu.vector_store %arg5[%swap3A_244], %swap3A_247 {strides = array<i32>} : memref<25600xi32, #tpu.memory_space<vmem>>, vector<16xi32>,
    %dma_start3A_248 = arith.constant 2 : i32
    %dma_start3A_249 = arith.constant 0 : i32
    %dma_start3A_250 = arith.constant 0 : i32
    %dma_start3A_251 = tpu.memref_slice %arg6[%dma_start3A_248, %dma_start3A_249, %dma_start3A_250] : memref<4x128x128xf32, #tpu.memory_space<vmem>> -> memref<1x128x128xf32, #tpu.memory_space<vmem>>
    %dma_start3A_252 = tpu.memref_squeeze %dma_start3A_251 : memref<1x128x128xf32, #tpu.memory_space<vmem>> -> memref<128x128xf32, #tpu.memory_space<vmem>>
    %dma_start3A_253 = arith.constant 256 : i32
    %dma_start3A_254 = tpu.memref_slice %arg5[%dma_start3A_253] : memref<25600xi32, #tpu.memory_space<vmem>> -> memref<128xi32, #tpu.memory_space<vmem>>
    %dma_start3A_255 = arith.constant 0 : i32
    %dma_start3A_256 = arith.constant 0 : i32
    %dma_start3A_257 = tpu.memref_slice %arg7[%dma_start3A_255, %dma_start3A_256] : memref<384x128xf32, #tpu.memory_space<vmem_shared>> -> memref<384x128xf32, #tpu.memory_space<vmem_shared>>
    tpu.enqueue_indirect_dma source(%dma_start3A_257 : memref<384x128xf32, #tpu.memory_space<vmem_shared>>) target(%dma_start3A_252 : memref<128x128xf32, #tpu.memory_space<vmem>>) offsets(%dma_start3A_254 : memref<128xi32, #tpu.memory_space<vmem>>) semaphore(%arg10 : memref<!tpu.dma_semaphore, #tpu.memory_space<semaphore_mem>>)
    %dma_wait3A_258 = arith.constant 1 : i32
    %dma_wait3A_259 = arith.constant 0 : i32
    %dma_wait3A_260 = arith.constant 0 : i32
    %dma_wait3A_261 = tpu.memref_slice %arg6[%dma_wait3A_258, %dma_wait3A_259, %dma_wait3A_260] : memref<4x128x128xf32, #tpu.memory_space<vmem>> -> memref<1x128x128xf32, #tpu.memory_space<vmem>>
    %dma_wait3A_262 = tpu.memref_squeeze %dma_wait3A_261 : memref<1x128x128xf32, #tpu.memory_space<vmem>> -> memref<128x128xf32, #tpu.memory_space<vmem>>
    %dma_wait3A_263 = arith.constant 0 : i32
    %dma_wait3A_264 = arith.constant 0 : i32
    %dma_wait3A_265 = tpu.memref_slice %arg4[%dma_wait3A_263, %dma_wait3A_264] : memref<819200x128xf32, #tpu.memory_space<hbm>> -> memref<128x128xf32, #tpu.memory_space<hbm>>
    %dma_wait3A_266 = arith.constant 0 : i32
    %dma_wait3A_267 = arith.constant 0 : i32
    %dma_wait3A_268 = tpu.memref_slice %arg6[%dma_wait3A_258, %dma_wait3A_266, %dma_wait3A_267] : memref<4x128x128xf32, #tpu.memory_space<vmem>> -> memref<1x128x128xf32, #tpu.memory_space<vmem>>
    %dma_wait3A_269 = tpu.memref_squeeze %dma_wait3A_268 : memref<1x128x128xf32, #tpu.memory_space<vmem>> -> memref<128x128xf32, #tpu.memory_space<vmem>>
    %dma_wait3A_270 = arith.constant 0 : i32
    %dma_wait3A_271 = arith.constant 0 : i32
    %dma_wait3A_272 = tpu.memref_slice %arg4[%dma_wait3A_270, %dma_wait3A_271] : memref<819200x128xf32, #tpu.memory_space<hbm>> -> memref<128x128xf32, #tpu.memory_space<hbm>>
    tpu.wait_dma2 semaphore(%arg9 : memref<!tpu.dma_semaphore, #tpu.memory_space<semaphore_mem>>) src(%dma_wait3A_272 : memref<128x128xf32, #tpu.memory_space<hbm>>) dst(%dma_wait3A_269 : memref<128x128xf32, #tpu.memory_space<vmem>>)
    %add3A_273 = arith.constant 128 : i32
    %add3A_274 = arith.addi %mul3A_2, %add3A_273 : i32
    %dma_start3A_275 = arith.constant 1 : i32
    %dma_start3A_276 = arith.constant 0 : i32
    %dma_start3A_277 = arith.constant 0 : i32
    %dma_start3A_278 = tpu.memref_slice %arg6[%dma_start3A_275, %dma_start3A_276, %dma_start3A_277] : memref<4x128x128xf32, #tpu.memory_space<vmem>> -> memref<1x128x128xf32, #tpu.memory_space<vmem>>
    %dma_start3A_279 = tpu.memref_squeeze %dma_start3A_278 : memref<1x128x128xf32, #tpu.memory_space<vmem>> -> memref<128x128xf32, #tpu.memory_space<vmem>>
    %dma_start3A_280 = arith.constant 0 : i32
    %dma_start3A_281 = tpu.memref_slice %arg4[%add3A_274, %dma_start3A_280] : memref<819200x128xf32, #tpu.memory_space<hbm>> -> memref<128x128xf32, #tpu.memory_space<hbm>>
    %dma_start3A_282 = arith.constant 0 : i32
    %dma_start3A_283 = tpu.memref_slice %arg4[%add3A_274, %dma_start3A_282] : memref<819200x128xf32, #tpu.memory_space<hbm>> -> memref<128x128xf32, #tpu.memory_space<hbm>>
    %dma_start3A_284 = arith.constant 0 : i32
    %dma_start3A_285 = arith.constant 0 : i32
    %dma_start3A_286 = tpu.memref_slice %arg6[%dma_start3A_275, %dma_start3A_284, %dma_start3A_285] : memref<4x128x128xf32, #tpu.memory_space<vmem>> -> memref<1x128x128xf32, #tpu.memory_space<vmem>>
    %dma_start3A_287 = tpu.memref_squeeze %dma_start3A_286 : memref<1x128x128xf32, #tpu.memory_space<vmem>> -> memref<128x128xf32, #tpu.memory_space<vmem>>
    tpu.enqueue_dma source(%dma_start3A_287 : memref<128x128xf32, #tpu.memory_space<vmem>>) target(%dma_start3A_283 : memref<128x128xf32, #tpu.memory_space<hbm>>) target_semaphore(%arg13 : memref<!tpu.dma_semaphore, #tpu.memory_space<semaphore_mem>>)
    %get3A_288 = arith.constant 384 : index
    %get3A_289 = tpu.vector_load %arg5[%get3A_288] {strides = array<i32>} : memref<25600xi32, #tpu.memory_space<vmem>>, vector<16xi32>,
    %get3A_290 = vector.shape_cast %get3A_289 : vector<16xi32> to vector<16xi32>
    %add3A_291 = arith.addi %get3A_290, %mul3A_9 : vector<16xi32>
    %swap3A_292 = arith.constant 384 : index
    %swap3A_293 = tpu.vector_load %arg5[%swap3A_292] {strides = array<i32>} : memref<25600xi32, #tpu.memory_space<vmem>>, vector<16xi32>,
    %swap3A_294 = vector.shape_cast %swap3A_293 : vector<16xi32> to vector<16xi32>
    %swap3A_295 = vector.shape_cast %add3A_291 : vector<16xi32> to vector<16xi32>
    tpu.vector_store %arg5[%swap3A_292], %swap3A_295 {strides = array<i32>} : memref<25600xi32, #tpu.memory_space<vmem>>, vector<16xi32>,
    %get3A_296 = arith.constant 400 : index
    %get3A_297 = tpu.vector_load %arg5[%get3A_296] {strides = array<i32>} : memref<25600xi32, #tpu.memory_space<vmem>>, vector<16xi32>,
    %get3A_298 = vector.shape_cast %get3A_297 : vector<16xi32> to vector<16xi32>
    %add3A_299 = arith.addi %get3A_298, %mul3A_9 : vector<16xi32>
    %swap3A_300 = arith.constant 400 : index
    %swap3A_301 = tpu.vector_load %arg5[%swap3A_300] {strides = array<i32>} : memref<25600xi32, #tpu.memory_space<vmem>>, vector<16xi32>,
    %swap3A_302 = vector.shape_cast %swap3A_301 : vector<16xi32> to vector<16xi32>
    %swap3A_303 = vector.shape_cast %add3A_299 : vector<16xi32> to vector<16xi32>
    tpu.vector_store %arg5[%swap3A_300], %swap3A_303 {strides = array<i32>} : memref<25600xi32, #tpu.memory_space<vmem>>, vector<16xi32>,
    %get3A_304 = arith.constant 416 : index
    %get3A_305 = tpu.vector_load %arg5[%get3A_304] {strides = array<i32>} : memref<25600xi32, #tpu.memory_space<vmem>>, vector<16xi32>,
    %get3A_306 = vector.shape_cast %get3A_305 : vector<16xi32> to vector<16xi32>
    %add3A_307 = arith.addi %get3A_306, %mul3A_9 : vector<16xi32>
    %swap3A_308 = arith.constant 416 : index
    %swap3A_309 = tpu.vector_load %arg5[%swap3A_308] {strides = array<i32>} : memref<25600xi32, #tpu.memory_space<vmem>>, vector<16xi32>,
    %swap3A_310 = vector.shape_cast %swap3A_309 : vector<16xi32> to vector<16xi32>
    %swap3A_311 = vector.shape_cast %add3A_307 : vector<16xi32> to vector<16xi32>
    tpu.vector_store %arg5[%swap3A_308], %swap3A_311 {strides = array<i32>} : memref<25600xi32, #tpu.memory_space<vmem>>, vector<16xi32>,
    %get3A_312 = arith.constant 432 : index
    %get3A_313 = tpu.vector_load %arg5[%get3A_312] {strides = array<i32>} : memref<25600xi32, #tpu.memory_space<vmem>>, vector<16xi32>,
    %get3A_314 = vector.shape_cast %get3A_313 : vector<16xi32> to vector<16xi32>
    %add3A_315 = arith.addi %get3A_314, %mul3A_9 : vector<16xi32>
    %swap3A_316 = arith.constant 432 : index
    %swap3A_317 = tpu.vector_load %arg5[%swap3A_316] {strides = array<i32>} : memref<25600xi32, #tpu.memory_space<vmem>>, vector<16xi32>,
    %swap3A_318 = vector.shape_cast %swap3A_317 : vector<16xi32> to vector<16xi32>
    %swap3A_319 = vector.shape_cast %add3A_315 : vector<16xi32> to vector<16xi32>
    tpu.vector_store %arg5[%swap3A_316], %swap3A_319 {strides = array<i32>} : memref<25600xi32, #tpu.memory_space<vmem>>, vector<16xi32>,
    %get3A_320 = arith.constant 448 : index
    %get3A_321 = tpu.vector_load %arg5[%get3A_320] {strides = array<i32>} : memref<25600xi32, #tpu.memory_space<vmem>>, vector<16xi32>,
    %get3A_322 = vector.shape_cast %get3A_321 : vector<16xi32> to vector<16xi32>
    %add3A_323 = arith.addi %get3A_322, %mul3A_9 : vector<16xi32>
    %swap3A_324 = arith.constant 448 : index
    %swap3A_325 = tpu.vector_load %arg5[%swap3A_324] {strides = array<i32>} : memref<25600xi32, #tpu.memory_space<vmem>>, vector<16xi32>,
    %swap3A_326 = vector.shape_cast %swap3A_325 : vector<16xi32> to vector<16xi32>
    %swap3A_327 = vector.shape_cast %add3A_323 : vector<16xi32> to vector<16xi32>
    tpu.vector_store %arg5[%swap3A_324], %swap3A_327 {strides = array<i32>} : memref<25600xi32, #tpu.memory_space<vmem>>, vector<16xi32>,
    %get3A_328 = arith.constant 464 : index
    %get3A_329 = tpu.vector_load %arg5[%get3A_328] {strides = array<i32>} : memref<25600xi32, #tpu.memory_space<vmem>>, vector<16xi32>,
    %get3A_330 = vector.shape_cast %get3A_329 : vector<16xi32> to vector<16xi32>
    %add3A_331 = arith.addi %get3A_330, %mul3A_9 : vector<16xi32>
    %swap3A_332 = arith.constant 464 : index
    %swap3A_333 = tpu.vector_load %arg5[%swap3A_332] {strides = array<i32>} : memref<25600xi32, #tpu.memory_space<vmem>>, vector<16xi32>,
    %swap3A_334 = vector.shape_cast %swap3A_333 : vector<16xi32> to vector<16xi32>
    %swap3A_335 = vector.shape_cast %add3A_331 : vector<16xi32> to vector<16xi32>
    tpu.vector_store %arg5[%swap3A_332], %swap3A_335 {strides = array<i32>} : memref<25600xi32, #tpu.memory_space<vmem>>, vector<16xi32>,
    %get3A_336 = arith.constant 480 : index
    %get3A_337 = tpu.vector_load %arg5[%get3A_336] {strides = array<i32>} : memref<25600xi32, #tpu.memory_space<vmem>>, vector<16xi32>,
    %get3A_338 = vector.shape_cast %get3A_337 : vector<16xi32> to vector<16xi32>
    %add3A_339 = arith.addi %get3A_338, %mul3A_9 : vector<16xi32>
    %swap3A_340 = arith.constant 480 : index
    %swap3A_341 = tpu.vector_load %arg5[%swap3A_340] {strides = array<i32>} : memref<25600xi32, #tpu.memory_space<vmem>>, vector<16xi32>,
    %swap3A_342 = vector.shape_cast %swap3A_341 : vector<16xi32> to vector<16xi32>
    %swap3A_343 = vector.shape_cast %add3A_339 : vector<16xi32> to vector<16xi32>
    tpu.vector_store %arg5[%swap3A_340], %swap3A_343 {strides = array<i32>} : memref<25600xi32, #tpu.memory_space<vmem>>, vector<16xi32>,
    %get3A_344 = arith.constant 496 : index
    %get3A_345 = tpu.vector_load %arg5[%get3A_344] {strides = array<i32>} : memref<25600xi32, #tpu.memory_space<vmem>>, vector<16xi32>,
    %get3A_346 = vector.shape_cast %get3A_345 : vector<16xi32> to vector<16xi32>
    %add3A_347 = arith.addi %get3A_346, %mul3A_9 : vector<16xi32>
    %swap3A_348 = arith.constant 496 : index
    %swap3A_349 = tpu.vector_load %arg5[%swap3A_348] {strides = array<i32>} : memref<25600xi32, #tpu.memory_space<vmem>>, vector<16xi32>,
    %swap3A_350 = vector.shape_cast %swap3A_349 : vector<16xi32> to vector<16xi32>
    %swap3A_351 = vector.shape_cast %add3A_347 : vector<16xi32> to vector<16xi32>
    tpu.vector_store %arg5[%swap3A_348], %swap3A_351 {strides = array<i32>} : memref<25600xi32, #tpu.memory_space<vmem>>, vector<16xi32>,
    %dma_start3A_352 = arith.constant 3 : i32
    %dma_start3A_353 = arith.constant 0 : i32
    %dma_start3A_354 = arith.constant 0 : i32
    %dma_start3A_355 = tpu.memref_slice %arg6[%dma_start3A_352, %dma_start3A_353, %dma_start3A_354] : memref<4x128x128xf32, #tpu.memory_space<vmem>> -> memref<1x128x128xf32, #tpu.memory_space<vmem>>
    %dma_start3A_356 = tpu.memref_squeeze %dma_start3A_355 : memref<1x128x128xf32, #tpu.memory_space<vmem>> -> memref<128x128xf32, #tpu.memory_space<vmem>>
    %dma_start3A_357 = arith.constant 384 : i32
    %dma_start3A_358 = tpu.memref_slice %arg5[%dma_start3A_357] : memref<25600xi32, #tpu.memory_space<vmem>> -> memref<128xi32, #tpu.memory_space<vmem>>
    %dma_start3A_359 = arith.constant 0 : i32
    %dma_start3A_360 = arith.constant 0 : i32
    %dma_start3A_361 = tpu.memref_slice %arg7[%dma_start3A_359, %dma_start3A_360] : memref<384x128xf32, #tpu.memory_space<vmem_shared>> -> memref<384x128xf32, #tpu.memory_space<vmem_shared>>
    tpu.enqueue_indirect_dma source(%dma_start3A_361 : memref<384x128xf32, #tpu.memory_space<vmem_shared>>) target(%dma_start3A_356 : memref<128x128xf32, #tpu.memory_space<vmem>>) offsets(%dma_start3A_358 : memref<128xi32, #tpu.memory_space<vmem>>) semaphore(%arg11 : memref<!tpu.dma_semaphore, #tpu.memory_space<semaphore_mem>>)
    %dma_wait3A_362 = arith.constant 2 : i32
    %dma_wait3A_363 = arith.constant 0 : i32
    %dma_wait3A_364 = arith.constant 0 : i32
    %dma_wait3A_365 = tpu.memref_slice %arg6[%dma_wait3A_362, %dma_wait3A_363, %dma_wait3A_364] : memref<4x128x128xf32, #tpu.memory_space<vmem>> -> memref<1x128x128xf32, #tpu.memory_space<vmem>>
    %dma_wait3A_366 = tpu.memref_squeeze %dma_wait3A_365 : memref<1x128x128xf32, #tpu.memory_space<vmem>> -> memref<128x128xf32, #tpu.memory_space<vmem>>
    %dma_wait3A_367 = arith.constant 0 : i32
    %dma_wait3A_368 = arith.constant 0 : i32
    %dma_wait3A_369 = tpu.memref_slice %arg4[%dma_wait3A_367, %dma_wait3A_368] : memref<819200x128xf32, #tpu.memory_space<hbm>> -> memref<128x128xf32, #tpu.memory_space<hbm>>
    %dma_wait3A_370 = arith.constant 0 : i32
    %dma_wait3A_371 = arith.constant 0 : i32
    %dma_wait3A_372 = tpu.memref_slice %arg6[%dma_wait3A_362, %dma_wait3A_370, %dma_wait3A_371] : memref<4x128x128xf32, #tpu.memory_space<vmem>> -> memref<1x128x128xf32, #tpu.memory_space<vmem>>
    %dma_wait3A_373 = tpu.memref_squeeze %dma_wait3A_372 : memref<1x128x128xf32, #tpu.memory_space<vmem>> -> memref<128x128xf32, #tpu.memory_space<vmem>>
    %dma_wait3A_374 = arith.constant 0 : i32
    %dma_wait3A_375 = arith.constant 0 : i32
    %dma_wait3A_376 = tpu.memref_slice %arg4[%dma_wait3A_374, %dma_wait3A_375] : memref<819200x128xf32, #tpu.memory_space<hbm>> -> memref<128x128xf32, #tpu.memory_space<hbm>>
    tpu.wait_dma2 semaphore(%arg10 : memref<!tpu.dma_semaphore, #tpu.memory_space<semaphore_mem>>) src(%dma_wait3A_376 : memref<128x128xf32, #tpu.memory_space<hbm>>) dst(%dma_wait3A_373 : memref<128x128xf32, #tpu.memory_space<vmem>>)
    %add3A_377 = arith.constant 256 : i32
    %add3A_378 = arith.addi %mul3A_2, %add3A_377 : i32
    %dma_start3A_379 = arith.constant 2 : i32
    %dma_start3A_380 = arith.constant 0 : i32
    %dma_start3A_381 = arith.constant 0 : i32
    %dma_start3A_382 = tpu.memref_slice %arg6[%dma_start3A_379, %dma_start3A_380, %dma_start3A_381] : memref<4x128x128xf32, #tpu.memory_space<vmem>> -> memref<1x128x128xf32, #tpu.memory_space<vmem>>
    %dma_start3A_383 = tpu.memref_squeeze %dma_start3A_382 : memref<1x128x128xf32, #tpu.memory_space<vmem>> -> memref<128x128xf32, #tpu.memory_space<vmem>>
    %dma_start3A_384 = arith.constant 0 : i32
    %dma_start3A_385 = tpu.memref_slice %arg4[%add3A_378, %dma_start3A_384] : memref<819200x128xf32, #tpu.memory_space<hbm>> -> memref<128x128xf32, #tpu.memory_space<hbm>>
    %dma_start3A_386 = arith.constant 0 : i32
    %dma_start3A_387 = tpu.memref_slice %arg4[%add3A_378, %dma_start3A_386] : memref<819200x128xf32, #tpu.memory_space<hbm>> -> memref<128x128xf32, #tpu.memory_space<hbm>>
    %dma_start3A_388 = arith.constant 0 : i32
    %dma_start3A_389 = arith.constant 0 : i32
    %dma_start3A_390 = tpu.memref_slice %arg6[%dma_start3A_379, %dma_start3A_388, %dma_start3A_389] : memref<4x128x128xf32, #tpu.memory_space<vmem>> -> memref<1x128x128xf32, #tpu.memory_space<vmem>>
    %dma_start3A_391 = tpu.memref_squeeze %dma_start3A_390 : memref<1x128x128xf32, #tpu.memory_space<vmem>> -> memref<128x128xf32, #tpu.memory_space<vmem>>
    tpu.enqueue_dma source(%dma_start3A_391 : memref<128x128xf32, #tpu.memory_space<vmem>>) target(%dma_start3A_387 : memref<128x128xf32, #tpu.memory_space<hbm>>) target_semaphore(%arg14 : memref<!tpu.dma_semaphore, #tpu.memory_space<semaphore_mem>>)
    %dma_wait3A_392 = arith.constant 0 : i32
    %dma_wait3A_393 = arith.constant 0 : i32
    %dma_wait3A_394 = arith.constant 0 : i32
    %dma_wait3A_395 = tpu.memref_slice %arg6[%dma_wait3A_392, %dma_wait3A_393, %dma_wait3A_394] : memref<4x128x128xf32, #tpu.memory_space<vmem>> -> memref<1x128x128xf32, #tpu.memory_space<vmem>>
    %dma_wait3A_396 = tpu.memref_squeeze %dma_wait3A_395 : memref<1x128x128xf32, #tpu.memory_space<vmem>> -> memref<128x128xf32, #tpu.memory_space<vmem>>
    %dma_wait3A_397 = arith.constant 0 : i32
    %dma_wait3A_398 = arith.constant 0 : i32
    %dma_wait3A_399 = tpu.memref_slice %arg4[%dma_wait3A_397, %dma_wait3A_398] : memref<819200x128xf32, #tpu.memory_space<hbm>> -> memref<128x128xf32, #tpu.memory_space<hbm>>
    %dma_wait3A_400 = arith.constant 0 : i32
    %dma_wait3A_401 = arith.constant 0 : i32
    %dma_wait3A_402 = tpu.memref_slice %arg4[%dma_wait3A_400, %dma_wait3A_401] : memref<819200x128xf32, #tpu.memory_space<hbm>> -> memref<128x128xf32, #tpu.memory_space<hbm>>
    %dma_wait3A_403 = arith.constant 0 : i32
    %dma_wait3A_404 = arith.constant 0 : i32
    %dma_wait3A_405 = tpu.memref_slice %arg6[%dma_wait3A_392, %dma_wait3A_403, %dma_wait3A_404] : memref<4x128x128xf32, #tpu.memory_space<vmem>> -> memref<1x128x128xf32, #tpu.memory_space<vmem>>
    %dma_wait3A_406 = tpu.memref_squeeze %dma_wait3A_405 : memref<1x128x128xf32, #tpu.memory_space<vmem>> -> memref<128x128xf32, #tpu.memory_space<vmem>>
    tpu.wait_dma2 semaphore(%arg12 : memref<!tpu.dma_semaphore, #tpu.memory_space<semaphore_mem>>) src(%dma_wait3A_406 : memref<128x128xf32, #tpu.memory_space<vmem>>) dst(%dma_wait3A_402 : memref<128x128xf32, #tpu.memory_space<hbm>>)
    %get3A_407 = arith.constant 512 : index
    %get3A_408 = tpu.vector_load %arg5[%get3A_407] {strides = array<i32>} : memref<25600xi32, #tpu.memory_space<vmem>>, vector<16xi32>,
    %get3A_409 = vector.shape_cast %get3A_408 : vector<16xi32> to vector<16xi32>
    %add3A_410 = arith.addi %get3A_409, %mul3A_9 : vector<16xi32>
    %swap3A_411 = arith.constant 512 : index
    %swap3A_412 = tpu.vector_load %arg5[%swap3A_411] {strides = array<i32>} : memref<25600xi32, #tpu.memory_space<vmem>>, vector<16xi32>,
    %swap3A_413 = vector.shape_cast %swap3A_412 : vector<16xi32> to vector<16xi32>
    %swap3A_414 = vector.shape_cast %add3A_410 : vector<16xi32> to vector<16xi32>
    tpu.vector_store %arg5[%swap3A_411], %swap3A_414 {strides = array<i32>} : memref<25600xi32, #tpu.memory_space<vmem>>, vector<16xi32>,
    %get3A_415 = arith.constant 528 : index
    %get3A_416 = tpu.vector_load %arg5[%get3A_415] {strides = array<i32>} : memref<25600xi32, #tpu.memory_space<vmem>>, vector<16xi32>,
    %get3A_417 = vector.shape_cast %get3A_416 : vector<16xi32> to vector<16xi32>
    %add3A_418 = arith.addi %get3A_417, %mul3A_9 : vector<16xi32>
    %swap3A_419 = arith.constant 528 : index
    %swap3A_420 = tpu.vector_load %arg5[%swap3A_419] {strides = array<i32>} : memref<25600xi32, #tpu.memory_space<vmem>>, vector<16xi32>,
    %swap3A_421 = vector.shape_cast %swap3A_420 : vector<16xi32> to vector<16xi32>
    %swap3A_422 = vector.shape_cast %add3A_418 : vector<16xi32> to vector<16xi32>
    tpu.vector_store %arg5[%swap3A_419], %swap3A_422 {strides = array<i32>} : memref<25600xi32, #tpu.memory_space<vmem>>, vector<16xi32>,
    %get3A_423 = arith.constant 544 : index
    %get3A_424 = tpu.vector_load %arg5[%get3A_423] {strides = array<i32>} : memref<25600xi32, #tpu.memory_space<vmem>>, vector<16xi32>,
    %get3A_425 = vector.shape_cast %get3A_424 : vector<16xi32> to vector<16xi32>
    %add3A_426 = arith.addi %get3A_425, %mul3A_9 : vector<16xi32>
    %swap3A_427 = arith.constant 544 : index
    %swap3A_428 = tpu.vector_load %arg5[%swap3A_427] {strides = array<i32>} : memref<25600xi32, #tpu.memory_space<vmem>>, vector<16xi32>,
    %swap3A_429 = vector.shape_cast %swap3A_428 : vector<16xi32> to vector<16xi32>
    %swap3A_430 = vector.shape_cast %add3A_426 : vector<16xi32> to vector<16xi32>
    tpu.vector_store %arg5[%swap3A_427], %swap3A_430 {strides = array<i32>} : memref<25600xi32, #tpu.memory_space<vmem>>, vector<16xi32>,
    %get3A_431 = arith.constant 560 : index
    %get3A_432 = tpu.vector_load %arg5[%get3A_431] {strides = array<i32>} : memref<25600xi32, #tpu.memory_space<vmem>>, vector<16xi32>,
    %get3A_433 = vector.shape_cast %get3A_432 : vector<16xi32> to vector<16xi32>
    %add3A_434 = arith.addi %get3A_433, %mul3A_9 : vector<16xi32>
    %swap3A_435 = arith.constant 560 : index
    %swap3A_436 = tpu.vector_load %arg5[%swap3A_435] {strides = array<i32>} : memref<25600xi32, #tpu.memory_space<vmem>>, vector<16xi32>,
    %swap3A_437 = vector.shape_cast %swap3A_436 : vector<16xi32> to vector<16xi32>
    %swap3A_438 = vector.shape_cast %add3A_434 : vector<16xi32> to vector<16xi32>
    tpu.vector_store %arg5[%swap3A_435], %swap3A_438 {strides = array<i32>} : memref<25600xi32, #tpu.memory_space<vmem>>, vector<16xi32>,
    %get3A_439 = arith.constant 576 : index
    %get3A_440 = tpu.vector_load %arg5[%get3A_439] {strides = array<i32>} : memref<25600xi32, #tpu.memory_space<vmem>>, vector<16xi32>,
    %get3A_441 = vector.shape_cast %get3A_440 : vector<16xi32> to vector<16xi32>
    %add3A_442 = arith.addi %get3A_441, %mul3A_9 : vector<16xi32>
    %swap3A_443 = arith.constant 576 : index
    %swap3A_444 = tpu.vector_load %arg5[%swap3A_443] {strides = array<i32>} : memref<25600xi32, #tpu.memory_space<vmem>>, vector<16xi32>,
    %swap3A_445 = vector.shape_cast %swap3A_444 : vector<16xi32> to vector<16xi32>
    %swap3A_446 = vector.shape_cast %add3A_442 : vector<16xi32> to vector<16xi32>
    tpu.vector_store %arg5[%swap3A_443], %swap3A_446 {strides = array<i32>} : memref<25600xi32, #tpu.memory_space<vmem>>, vector<16xi32>,
    %get3A_447 = arith.constant 592 : index
    %get3A_448 = tpu.vector_load %arg5[%get3A_447] {strides = array<i32>} : memref<25600xi32, #tpu.memory_space<vmem>>, vector<16xi32>,
    %get3A_449 = vector.shape_cast %get3A_448 : vector<16xi32> to vector<16xi32>
    %add3A_450 = arith.addi %get3A_449, %mul3A_9 : vector<16xi32>
    %swap3A_451 = arith.constant 592 : index
    %swap3A_452 = tpu.vector_load %arg5[%swap3A_451] {strides = array<i32>} : memref<25600xi32, #tpu.memory_space<vmem>>, vector<16xi32>,
    %swap3A_453 = vector.shape_cast %swap3A_452 : vector<16xi32> to vector<16xi32>
    %swap3A_454 = vector.shape_cast %add3A_450 : vector<16xi32> to vector<16xi32>
    tpu.vector_store %arg5[%swap3A_451], %swap3A_454 {strides = array<i32>} : memref<25600xi32, #tpu.memory_space<vmem>>, vector<16xi32>,
    %get3A_455 = arith.constant 608 : index
    %get3A_456 = tpu.vector_load %arg5[%get3A_455] {strides = array<i32>} : memref<25600xi32, #tpu.memory_space<vmem>>, vector<16xi32>,
    %get3A_457 = vector.shape_cast %get3A_456 : vector<16xi32> to vector<16xi32>
    %add3A_458 = arith.addi %get3A_457, %mul3A_9 : vector<16xi32>
    %swap3A_459 = arith.constant 608 : index
    %swap3A_460 = tpu.vector_load %arg5[%swap3A_459] {strides = array<i32>} : memref<25600xi32, #tpu.memory_space<vmem>>, vector<16xi32>,
    %swap3A_461 = vector.shape_cast %swap3A_460 : vector<16xi32> to vector<16xi32>
    %swap3A_462 = vector.shape_cast %add3A_458 : vector<16xi32> to vector<16xi32>
    tpu.vector_store %arg5[%swap3A_459], %swap3A_462 {strides = array<i32>} : memref<25600xi32, #tpu.memory_space<vmem>>, vector<16xi32>,
    %get3A_463 = arith.constant 624 : index
    %get3A_464 = tpu.vector_load %arg5[%get3A_463] {strides = array<i32>} : memref<25600xi32, #tpu.memory_space<vmem>>, vector<16xi32>,
    %get3A_465 = vector.shape_cast %get3A_464 : vector<16xi32> to vector<16xi32>
    %add3A_466 = arith.addi %get3A_465, %mul3A_9 : vector<16xi32>
    %swap3A_467 = arith.constant 624 : index
    %swap3A_468 = tpu.vector_load %arg5[%swap3A_467] {strides = array<i32>} : memref<25600xi32, #tpu.memory_space<vmem>>, vector<16xi32>,
    %swap3A_469 = vector.shape_cast %swap3A_468 : vector<16xi32> to vector<16xi32>
    %swap3A_470 = vector.shape_cast %add3A_466 : vector<16xi32> to vector<16xi32>
    tpu.vector_store %arg5[%swap3A_467], %swap3A_470 {strides = array<i32>} : memref<25600xi32, #tpu.memory_space<vmem>>, vector<16xi32>,
    %dma_start3A_471 = arith.constant 0 : i32
    %dma_start3A_472 = arith.constant 0 : i32
    %dma_start3A_473 = arith.constant 0 : i32
    %dma_start3A_474 = tpu.memref_slice %arg6[%dma_start3A_471, %dma_start3A_472, %dma_start3A_473] : memref<4x128x128xf32, #tpu.memory_space<vmem>> -> memref<1x128x128xf32, #tpu.memory_space<vmem>>
    %dma_start3A_475 = tpu.memref_squeeze %dma_start3A_474 : memref<1x128x128xf32, #tpu.memory_space<vmem>> -> memref<128x128xf32, #tpu.memory_space<vmem>>
    %dma_start3A_476 = arith.constant 512 : i32
    %dma_start3A_477 = tpu.memref_slice %arg5[%dma_start3A_476] : memref<25600xi32, #tpu.memory_space<vmem>> -> memref<128xi32, #tpu.memory_space<vmem>>
    %dma_start3A_478 = arith.constant 0 : i32
    %dma_start3A_479 = arith.constant 0 : i32
    %dma_start3A_480 = tpu.memref_slice %arg7[%dma_start3A_478, %dma_start3A_479] : memref<384x128xf32, #tpu.memory_space<vmem_shared>> -> memref<384x128xf32, #tpu.memory_space<vmem_shared>>
    tpu.enqueue_indirect_dma source(%dma_start3A_480 : memref<384x128xf32, #tpu.memory_space<vmem_shared>>) target(%dma_start3A_475 : memref<128x128xf32, #tpu.memory_space<vmem>>) offsets(%dma_start3A_477 : memref<128xi32, #tpu.memory_space<vmem>>) semaphore(%arg8 : memref<!tpu.dma_semaphore, #tpu.memory_space<semaphore_mem>>)
    %dma_wait3A_481 = arith.constant 3 : i32
    %dma_wait3A_482 = arith.constant 0 : i32
    %dma_wait3A_483 = arith.constant 0 : i32
    %dma_wait3A_484 = tpu.memref_slice %arg6[%dma_wait3A_481, %dma_wait3A_482, %dma_wait3A_483] : memref<4x128x128xf32, #tpu.memory_space<vmem>> -> memref<1x128x128xf32, #tpu.memory_space<vmem>>
    %dma_wait3A_485 = tpu.memref_squeeze %dma_wait3A_484 : memref<1x128x128xf32, #tpu.memory_space<vmem>> -> memref<128x128xf32, #tpu.memory_space<vmem>>
    %dma_wait3A_486 = arith.constant 0 : i32
    %dma_wait3A_487 = arith.constant 0 : i32
    %dma_wait3A_488 = tpu.memref_slice %arg4[%dma_wait3A_486, %dma_wait3A_487] : memref<819200x128xf32, #tpu.memory_space<hbm>> -> memref<128x128xf32, #tpu.memory_space<hbm>>
    %dma_wait3A_489 = arith.constant 0 : i32
    %dma_wait3A_490 = arith.constant 0 : i32
    %dma_wait3A_491 = tpu.memref_slice %arg6[%dma_wait3A_481, %dma_wait3A_489, %dma_wait3A_490] : memref<4x128x128xf32, #tpu.memory_space<vmem>> -> memref<1x128x128xf32, #tpu.memory_space<vmem>>
    %dma_wait3A_492 = tpu.memref_squeeze %dma_wait3A_491 : memref<1x128x128xf32, #tpu.memory_space<vmem>> -> memref<128x128xf32, #tpu.memory_space<vmem>>
    %dma_wait3A_493 = arith.constant 0 : i32
    %dma_wait3A_494 = arith.constant 0 : i32
    %dma_wait3A_495 = tpu.memref_slice %arg4[%dma_wait3A_493, %dma_wait3A_494] : memref<819200x128xf32, #tpu.memory_space<hbm>> -> memref<128x128xf32, #tpu.memory_space<hbm>>
    tpu.wait_dma2 semaphore(%arg11 : memref<!tpu.dma_semaphore, #tpu.memory_space<semaphore_mem>>) src(%dma_wait3A_495 : memref<128x128xf32, #tpu.memory_space<hbm>>) dst(%dma_wait3A_492 : memref<128x128xf32, #tpu.memory_space<vmem>>)
    %add3A_496 = arith.constant 384 : i32
    %add3A_497 = arith.addi %mul3A_2, %add3A_496 : i32
    %dma_start3A_498 = arith.constant 3 : i32
    %dma_start3A_499 = arith.constant 0 : i32
    %dma_start3A_500 = arith.constant 0 : i32
    %dma_start3A_501 = tpu.memref_slice %arg6[%dma_start3A_498, %dma_start3A_499, %dma_start3A_500] : memref<4x128x128xf32, #tpu.memory_space<vmem>> -> memref<1x128x128xf32, #tpu.memory_space<vmem>>
    %dma_start3A_502 = tpu.memref_squeeze %dma_start3A_501 : memref<1x128x128xf32, #tpu.memory_space<vmem>> -> memref<128x128xf32, #tpu.memory_space<vmem>>
    %dma_start3A_503 = arith.constant 0 : i32
    %dma_start3A_504 = tpu.memref_slice %arg4[%add3A_497, %dma_start3A_503] : memref<819200x128xf32, #tpu.memory_space<hbm>> -> memref<128x128xf32, #tpu.memory_space<hbm>>
    %dma_start3A_505 = arith.constant 0 : i32
    %dma_start3A_506 = tpu.memref_slice %arg4[%add3A_497, %dma_start3A_505] : memref<819200x128xf32, #tpu.memory_space<hbm>> -> memref<128x128xf32, #tpu.memory_space<hbm>>
    %dma_start3A_507 = arith.constant 0 : i32
    %dma_start3A_508 = arith.constant 0 : i32
    %dma_start3A_509 = tpu.memref_slice %arg6[%dma_start3A_498, %dma_start3A_507, %dma_start3A_508] : memref<4x128x128xf32, #tpu.memory_space<vmem>> -> memref<1x128x128xf32, #tpu.memory_space<vmem>>
    %dma_start3A_510 = tpu.memref_squeeze %dma_start3A_509 : memref<1x128x128xf32, #tpu.memory_space<vmem>> -> memref<128x128xf32, #tpu.memory_space<vmem>>
    tpu.enqueue_dma source(%dma_start3A_510 : memref<128x128xf32, #tpu.memory_space<vmem>>) target(%dma_start3A_506 : memref<128x128xf32, #tpu.memory_space<hbm>>) target_semaphore(%arg15 : memref<!tpu.dma_semaphore, #tpu.memory_space<semaphore_mem>>)
    %scan3A = arith.constant 1 : i32
    %scan3A_511 = arith.constant 48 : i32
    %scan3A_512 = arith.addi %scan3A, %scan3A_511 : i32
    %scan3A_513 = arith.constant 1 : i32
    scf.for %scan3A_962 = %scan3A to %scan3A_512 step %scan3A_513  : i32 {
      %mul3A_963 = arith.constant 4 : i32
      %mul3A_964 = arith.muli %scan3A_962, %mul3A_963 : i32
      %add3A_965 = arith.constant 0 : i32
      %add3A_966 = arith.addi %mul3A_964, %add3A_965 : i32
      %dma_wait3A_967 = arith.constant 1 : i32
      %dma_wait3A_968 = arith.constant 0 : i32
      %dma_wait3A_969 = arith.constant 0 : i32
      %dma_wait3A_970 = tpu.memref_slice %arg6[%dma_wait3A_967, %dma_wait3A_968, %dma_wait3A_969] : memref<4x128x128xf32, #tpu.memory_space<vmem>> -> memref<1x128x128xf32, #tpu.memory_space<vmem>>
      %dma_wait3A_971 = tpu.memref_squeeze %dma_wait3A_970 : memref<1x128x128xf32, #tpu.memory_space<vmem>> -> memref<128x128xf32, #tpu.memory_space<vmem>>
      %dma_wait3A_972 = arith.constant 0 : i32
      %dma_wait3A_973 = arith.constant 0 : i32
      %dma_wait3A_974 = tpu.memref_slice %arg4[%dma_wait3A_972, %dma_wait3A_973] : memref<819200x128xf32, #tpu.memory_space<hbm>> -> memref<128x128xf32, #tpu.memory_space<hbm>>
      %dma_wait3A_975 = arith.constant 0 : i32
      %dma_wait3A_976 = arith.constant 0 : i32
      %dma_wait3A_977 = tpu.memref_slice %arg4[%dma_wait3A_975, %dma_wait3A_976] : memref<819200x128xf32, #tpu.memory_space<hbm>> -> memref<128x128xf32, #tpu.memory_space<hbm>>
      %dma_wait3A_978 = arith.constant 0 : i32
      %dma_wait3A_979 = arith.constant 0 : i32
      %dma_wait3A_980 = tpu.memref_slice %arg6[%dma_wait3A_967, %dma_wait3A_978, %dma_wait3A_979] : memref<4x128x128xf32, #tpu.memory_space<vmem>> -> memref<1x128x128xf32, #tpu.memory_space<vmem>>
      %dma_wait3A_981 = tpu.memref_squeeze %dma_wait3A_980 : memref<1x128x128xf32, #tpu.memory_space<vmem>> -> memref<128x128xf32, #tpu.memory_space<vmem>>
      tpu.wait_dma2 semaphore(%arg13 : memref<!tpu.dma_semaphore, #tpu.memory_space<semaphore_mem>>) src(%dma_wait3A_981 : memref<128x128xf32, #tpu.memory_space<vmem>>) dst(%dma_wait3A_977 : memref<128x128xf32, #tpu.memory_space<hbm>>)
      %add3A_982 = arith.constant 1 : i32
      %add3A_983 = arith.addi %add3A_966, %add3A_982 : i32
      %mul3A_984 = arith.constant 128 : i32
      %mul3A_985 = arith.muli %add3A_983, %mul3A_984 : i32
      %add3A_986 = arith.constant 0 : i32
      %add3A_987 = arith.addi %mul3A_985, %add3A_986 : i32
      %get3A_988 = arith.index_cast %add3A_987 : i32 to index
      %get3A_989 = tpu.vector_load %arg5[%get3A_988] {strides = array<i32>} : memref<25600xi32, #tpu.memory_space<vmem>>, vector<16xi32>,
      %get3A_990 = vector.shape_cast %get3A_989 : vector<16xi32> to vector<16xi32>
      %add3A_991 = arith.addi %get3A_990, %mul3A_9 : vector<16xi32>
      %swap3A_992 = arith.index_cast %add3A_987 : i32 to index
      %swap3A_993 = tpu.vector_load %arg5[%swap3A_992] {strides = array<i32>} : memref<25600xi32, #tpu.memory_space<vmem>>, vector<16xi32>,
      %swap3A_994 = vector.shape_cast %swap3A_993 : vector<16xi32> to vector<16xi32>
      %swap3A_995 = vector.shape_cast %add3A_991 : vector<16xi32> to vector<16xi32>
      tpu.vector_store %arg5[%swap3A_992], %swap3A_995 {strides = array<i32>} : memref<25600xi32, #tpu.memory_space<vmem>>, vector<16xi32>,
      %mul3A_996 = arith.constant 128 : i32
      %mul3A_997 = arith.muli %add3A_983, %mul3A_996 : i32
      %add3A_998 = arith.constant 16 : i32
      %add3A_999 = arith.addi %mul3A_997, %add3A_998 : i32
      %get3A_1000 = arith.index_cast %add3A_999 : i32 to index
      %get3A_1001 = tpu.vector_load %arg5[%get3A_1000] {strides = array<i32>} : memref<25600xi32, #tpu.memory_space<vmem>>, vector<16xi32>,
      %get3A_1002 = vector.shape_cast %get3A_1001 : vector<16xi32> to vector<16xi32>
      %add3A_1003 = arith.addi %get3A_1002, %mul3A_9 : vector<16xi32>
      %swap3A_1004 = arith.index_cast %add3A_999 : i32 to index
      %swap3A_1005 = tpu.vector_load %arg5[%swap3A_1004] {strides = array<i32>} : memref<25600xi32, #tpu.memory_space<vmem>>, vector<16xi32>,
      %swap3A_1006 = vector.shape_cast %swap3A_1005 : vector<16xi32> to vector<16xi32>
      %swap3A_1007 = vector.shape_cast %add3A_1003 : vector<16xi32> to vector<16xi32>
      tpu.vector_store %arg5[%swap3A_1004], %swap3A_1007 {strides = array<i32>} : memref<25600xi32, #tpu.memory_space<vmem>>, vector<16xi32>,
      %mul3A_1008 = arith.constant 128 : i32
      %mul3A_1009 = arith.muli %add3A_983, %mul3A_1008 : i32
      %add3A_1010 = arith.constant 32 : i32
      %add3A_1011 = arith.addi %mul3A_1009, %add3A_1010 : i32
      %get3A_1012 = arith.index_cast %add3A_1011 : i32 to index
      %get3A_1013 = tpu.vector_load %arg5[%get3A_1012] {strides = array<i32>} : memref<25600xi32, #tpu.memory_space<vmem>>, vector<16xi32>,
      %get3A_1014 = vector.shape_cast %get3A_1013 : vector<16xi32> to vector<16xi32>
      %add3A_1015 = arith.addi %get3A_1014, %mul3A_9 : vector<16xi32>
      %swap3A_1016 = arith.index_cast %add3A_1011 : i32 to index
      %swap3A_1017 = tpu.vector_load %arg5[%swap3A_1016] {strides = array<i32>} : memref<25600xi32, #tpu.memory_space<vmem>>, vector<16xi32>,
      %swap3A_1018 = vector.shape_cast %swap3A_1017 : vector<16xi32> to vector<16xi32>
      %swap3A_1019 = vector.shape_cast %add3A_1015 : vector<16xi32> to vector<16xi32>
      tpu.vector_store %arg5[%swap3A_1016], %swap3A_1019 {strides = array<i32>} : memref<25600xi32, #tpu.memory_space<vmem>>, vector<16xi32>,
      %mul3A_1020 = arith.constant 128 : i32
      %mul3A_1021 = arith.muli %add3A_983, %mul3A_1020 : i32
      %add3A_1022 = arith.constant 48 : i32
      %add3A_1023 = arith.addi %mul3A_1021, %add3A_1022 : i32
      %get3A_1024 = arith.index_cast %add3A_1023 : i32 to index
      %get3A_1025 = tpu.vector_load %arg5[%get3A_1024] {strides = array<i32>} : memref<25600xi32, #tpu.memory_space<vmem>>, vector<16xi32>,
      %get3A_1026 = vector.shape_cast %get3A_1025 : vector<16xi32> to vector<16xi32>
      %add3A_1027 = arith.addi %get3A_1026, %mul3A_9 : vector<16xi32>
      %swap3A_1028 = arith.index_cast %add3A_1023 : i32 to index
      %swap3A_1029 = tpu.vector_load %arg5[%swap3A_1028] {strides = array<i32>} : memref<25600xi32, #tpu.memory_space<vmem>>, vector<16xi32>,
      %swap3A_1030 = vector.shape_cast %swap3A_1029 : vector<16xi32> to vector<16xi32>
      %swap3A_1031 = vector.shape_cast %add3A_1027 : vector<16xi32> to vector<16xi32>
      tpu.vector_store %arg5[%swap3A_1028], %swap3A_1031 {strides = array<i32>} : memref<25600xi32, #tpu.memory_space<vmem>>, vector<16xi32>,
      %mul3A_1032 = arith.constant 128 : i32
      %mul3A_1033 = arith.muli %add3A_983, %mul3A_1032 : i32
      %add3A_1034 = arith.constant 64 : i32
      %add3A_1035 = arith.addi %mul3A_1033, %add3A_1034 : i32
      %get3A_1036 = arith.index_cast %add3A_1035 : i32 to index
      %get3A_1037 = tpu.vector_load %arg5[%get3A_1036] {strides = array<i32>} : memref<25600xi32, #tpu.memory_space<vmem>>, vector<16xi32>,
      %get3A_1038 = vector.shape_cast %get3A_1037 : vector<16xi32> to vector<16xi32>
      %add3A_1039 = arith.addi %get3A_1038, %mul3A_9 : vector<16xi32>
      %swap3A_1040 = arith.index_cast %add3A_1035 : i32 to index
      %swap3A_1041 = tpu.vector_load %arg5[%swap3A_1040] {strides = array<i32>} : memref<25600xi32, #tpu.memory_space<vmem>>, vector<16xi32>,
      %swap3A_1042 = vector.shape_cast %swap3A_1041 : vector<16xi32> to vector<16xi32>
      %swap3A_1043 = vector.shape_cast %add3A_1039 : vector<16xi32> to vector<16xi32>
      tpu.vector_store %arg5[%swap3A_1040], %swap3A_1043 {strides = array<i32>} : memref<25600xi32, #tpu.memory_space<vmem>>, vector<16xi32>,
      %mul3A_1044 = arith.constant 128 : i32
      %mul3A_1045 = arith.muli %add3A_983, %mul3A_1044 : i32
      %add3A_1046 = arith.constant 80 : i32
      %add3A_1047 = arith.addi %mul3A_1045, %add3A_1046 : i32
      %get3A_1048 = arith.index_cast %add3A_1047 : i32 to index
      %get3A_1049 = tpu.vector_load %arg5[%get3A_1048] {strides = array<i32>} : memref<25600xi32, #tpu.memory_space<vmem>>, vector<16xi32>,
      %get3A_1050 = vector.shape_cast %get3A_1049 : vector<16xi32> to vector<16xi32>
      %add3A_1051 = arith.addi %get3A_1050, %mul3A_9 : vector<16xi32>
      %swap3A_1052 = arith.index_cast %add3A_1047 : i32 to index
      %swap3A_1053 = tpu.vector_load %arg5[%swap3A_1052] {strides = array<i32>} : memref<25600xi32, #tpu.memory_space<vmem>>, vector<16xi32>,
      %swap3A_1054 = vector.shape_cast %swap3A_1053 : vector<16xi32> to vector<16xi32>
      %swap3A_1055 = vector.shape_cast %add3A_1051 : vector<16xi32> to vector<16xi32>
      tpu.vector_store %arg5[%swap3A_1052], %swap3A_1055 {strides = array<i32>} : memref<25600xi32, #tpu.memory_space<vmem>>, vector<16xi32>,
      %mul3A_1056 = arith.constant 128 : i32
      %mul3A_1057 = arith.muli %add3A_983, %mul3A_1056 : i32
      %add3A_1058 = arith.constant 96 : i32
      %add3A_1059 = arith.addi %mul3A_1057, %add3A_1058 : i32
      %get3A_1060 = arith.index_cast %add3A_1059 : i32 to index
      %get3A_1061 = tpu.vector_load %arg5[%get3A_1060] {strides = array<i32>} : memref<25600xi32, #tpu.memory_space<vmem>>, vector<16xi32>,
      %get3A_1062 = vector.shape_cast %get3A_1061 : vector<16xi32> to vector<16xi32>
      %add3A_1063 = arith.addi %get3A_1062, %mul3A_9 : vector<16xi32>
      %swap3A_1064 = arith.index_cast %add3A_1059 : i32 to index
      %swap3A_1065 = tpu.vector_load %arg5[%swap3A_1064] {strides = array<i32>} : memref<25600xi32, #tpu.memory_space<vmem>>, vector<16xi32>,
      %swap3A_1066 = vector.shape_cast %swap3A_1065 : vector<16xi32> to vector<16xi32>
      %swap3A_1067 = vector.shape_cast %add3A_1063 : vector<16xi32> to vector<16xi32>
      tpu.vector_store %arg5[%swap3A_1064], %swap3A_1067 {strides = array<i32>} : memref<25600xi32, #tpu.memory_space<vmem>>, vector<16xi32>,
      %mul3A_1068 = arith.constant 128 : i32
      %mul3A_1069 = arith.muli %add3A_983, %mul3A_1068 : i32
      %add3A_1070 = arith.constant 112 : i32
      %add3A_1071 = arith.addi %mul3A_1069, %add3A_1070 : i32
      %get3A_1072 = arith.index_cast %add3A_1071 : i32 to index
      %get3A_1073 = tpu.vector_load %arg5[%get3A_1072] {strides = array<i32>} : memref<25600xi32, #tpu.memory_space<vmem>>, vector<16xi32>,
      %get3A_1074 = vector.shape_cast %get3A_1073 : vector<16xi32> to vector<16xi32>
      %add3A_1075 = arith.addi %get3A_1074, %mul3A_9 : vector<16xi32>
      %swap3A_1076 = arith.index_cast %add3A_1071 : i32 to index
      %swap3A_1077 = tpu.vector_load %arg5[%swap3A_1076] {strides = array<i32>} : memref<25600xi32, #tpu.memory_space<vmem>>, vector<16xi32>,
      %swap3A_1078 = vector.shape_cast %swap3A_1077 : vector<16xi32> to vector<16xi32>
      %swap3A_1079 = vector.shape_cast %add3A_1075 : vector<16xi32> to vector<16xi32>
      tpu.vector_store %arg5[%swap3A_1076], %swap3A_1079 {strides = array<i32>} : memref<25600xi32, #tpu.memory_space<vmem>>, vector<16xi32>,
      %mul3A_1080 = arith.constant 128 : i32
      %mul3A_1081 = arith.muli %add3A_983, %mul3A_1080 : i32
      %dma_start3A_1082 = arith.constant 1 : i32
      %dma_start3A_1083 = arith.constant 0 : i32
      %dma_start3A_1084 = arith.constant 0 : i32
      %dma_start3A_1085 = tpu.memref_slice %arg6[%dma_start3A_1082, %dma_start3A_1083, %dma_start3A_1084] : memref<4x128x128xf32, #tpu.memory_space<vmem>> -> memref<1x128x128xf32, #tpu.memory_space<vmem>>
      %dma_start3A_1086 = tpu.memref_squeeze %dma_start3A_1085 : memref<1x128x128xf32, #tpu.memory_space<vmem>> -> memref<128x128xf32, #tpu.memory_space<vmem>>
      %dma_start3A_1087 = tpu.memref_slice %arg5[%mul3A_1081] : memref<25600xi32, #tpu.memory_space<vmem>> -> memref<128xi32, #tpu.memory_space<vmem>>
      %dma_start3A_1088 = arith.constant 0 : i32
      %dma_start3A_1089 = arith.constant 0 : i32
      %dma_start3A_1090 = tpu.memref_slice %arg7[%dma_start3A_1088, %dma_start3A_1089] : memref<384x128xf32, #tpu.memory_space<vmem_shared>> -> memref<384x128xf32, #tpu.memory_space<vmem_shared>>
      tpu.enqueue_indirect_dma source(%dma_start3A_1090 : memref<384x128xf32, #tpu.memory_space<vmem_shared>>) target(%dma_start3A_1086 : memref<128x128xf32, #tpu.memory_space<vmem>>) offsets(%dma_start3A_1087 : memref<128xi32, #tpu.memory_space<vmem>>) semaphore(%arg9 : memref<!tpu.dma_semaphore, #tpu.memory_space<semaphore_mem>>)
      %dma_wait3A_1091 = arith.constant 0 : i32
      %dma_wait3A_1092 = arith.constant 0 : i32
      %dma_wait3A_1093 = arith.constant 0 : i32
      %dma_wait3A_1094 = tpu.memref_slice %arg6[%dma_wait3A_1091, %dma_wait3A_1092, %dma_wait3A_1093] : memref<4x128x128xf32, #tpu.memory_space<vmem>> -> memref<1x128x128xf32, #tpu.memory_space<vmem>>
      %dma_wait3A_1095 = tpu.memref_squeeze %dma_wait3A_1094 : memref<1x128x128xf32, #tpu.memory_space<vmem>> -> memref<128x128xf32, #tpu.memory_space<vmem>>
      %dma_wait3A_1096 = arith.constant 0 : i32
      %dma_wait3A_1097 = arith.constant 0 : i32
      %dma_wait3A_1098 = tpu.memref_slice %arg4[%dma_wait3A_1096, %dma_wait3A_1097] : memref<819200x128xf32, #tpu.memory_space<hbm>> -> memref<128x128xf32, #tpu.memory_space<hbm>>
      %dma_wait3A_1099 = arith.constant 0 : i32
      %dma_wait3A_1100 = arith.constant 0 : i32
      %dma_wait3A_1101 = tpu.memref_slice %arg6[%dma_wait3A_1091, %dma_wait3A_1099, %dma_wait3A_1100] : memref<4x128x128xf32, #tpu.memory_space<vmem>> -> memref<1x128x128xf32, #tpu.memory_space<vmem>>
      %dma_wait3A_1102 = tpu.memref_squeeze %dma_wait3A_1101 : memref<1x128x128xf32, #tpu.memory_space<vmem>> -> memref<128x128xf32, #tpu.memory_space<vmem>>
      %dma_wait3A_1103 = arith.constant 0 : i32
      %dma_wait3A_1104 = arith.constant 0 : i32
      %dma_wait3A_1105 = tpu.memref_slice %arg4[%dma_wait3A_1103, %dma_wait3A_1104] : memref<819200x128xf32, #tpu.memory_space<hbm>> -> memref<128x128xf32, #tpu.memory_space<hbm>>
      tpu.wait_dma2 semaphore(%arg8 : memref<!tpu.dma_semaphore, #tpu.memory_space<semaphore_mem>>) src(%dma_wait3A_1105 : memref<128x128xf32, #tpu.memory_space<hbm>>) dst(%dma_wait3A_1102 : memref<128x128xf32, #tpu.memory_space<vmem>>)
      %mul3A_1106 = arith.constant 128 : i32
      %mul3A_1107 = arith.muli %add3A_966, %mul3A_1106 : i32
      %add3A_1108 = arith.addi %mul3A_2, %mul3A_1107 : i32
      %dma_start3A_1109 = arith.constant 0 : i32
      %dma_start3A_1110 = arith.constant 0 : i32
      %dma_start3A_1111 = arith.constant 0 : i32
      %dma_start3A_1112 = tpu.memref_slice %arg6[%dma_start3A_1109, %dma_start3A_1110, %dma_start3A_1111] : memref<4x128x128xf32, #tpu.memory_space<vmem>> -> memref<1x128x128xf32, #tpu.memory_space<vmem>>
      %dma_start3A_1113 = tpu.memref_squeeze %dma_start3A_1112 : memref<1x128x128xf32, #tpu.memory_space<vmem>> -> memref<128x128xf32, #tpu.memory_space<vmem>>
      %dma_start3A_1114 = arith.constant 0 : i32
      %dma_start3A_1115 = tpu.memref_slice %arg4[%add3A_1108, %dma_start3A_1114] : memref<819200x128xf32, #tpu.memory_space<hbm>> -> memref<128x128xf32, #tpu.memory_space<hbm>>
      %dma_start3A_1116 = arith.constant 0 : i32
      %dma_start3A_1117 = tpu.memref_slice %arg4[%add3A_1108, %dma_start3A_1116] : memref<819200x128xf32, #tpu.memory_space<hbm>> -> memref<128x128xf32, #tpu.memory_space<hbm>>
      %dma_start3A_1118 = arith.constant 0 : i32
      %dma_start3A_1119 = arith.constant 0 : i32
      %dma_start3A_1120 = tpu.memref_slice %arg6[%dma_start3A_1109, %dma_start3A_1118, %dma_start3A_1119] : memref<4x128x128xf32, #tpu.memory_space<vmem>> -> memref<1x128x128xf32, #tpu.memory_space<vmem>>
      %dma_start3A_1121 = tpu.memref_squeeze %dma_start3A_1120 : memref<1x128x128xf32, #tpu.memory_space<vmem>> -> memref<128x128xf32, #tpu.memory_space<vmem>>
      tpu.enqueue_dma source(%dma_start3A_1121 : memref<128x128xf32, #tpu.memory_space<vmem>>) target(%dma_start3A_1117 : memref<128x128xf32, #tpu.memory_space<hbm>>) target_semaphore(%arg12 : memref<!tpu.dma_semaphore, #tpu.memory_space<semaphore_mem>>)
      %mul3A_1122 = arith.constant 4 : i32
      %mul3A_1123 = arith.muli %scan3A_962, %mul3A_1122 : i32
      %add3A_1124 = arith.constant 1 : i32
      %add3A_1125 = arith.addi %mul3A_1123, %add3A_1124 : i32
      %dma_wait3A_1126 = arith.constant 2 : i32
      %dma_wait3A_1127 = arith.constant 0 : i32
      %dma_wait3A_1128 = arith.constant 0 : i32
      %dma_wait3A_1129 = tpu.memref_slice %arg6[%dma_wait3A_1126, %dma_wait3A_1127, %dma_wait3A_1128] : memref<4x128x128xf32, #tpu.memory_space<vmem>> -> memref<1x128x128xf32, #tpu.memory_space<vmem>>
      %dma_wait3A_1130 = tpu.memref_squeeze %dma_wait3A_1129 : memref<1x128x128xf32, #tpu.memory_space<vmem>> -> memref<128x128xf32, #tpu.memory_space<vmem>>
      %dma_wait3A_1131 = arith.constant 0 : i32
      %dma_wait3A_1132 = arith.constant 0 : i32
      %dma_wait3A_1133 = tpu.memref_slice %arg4[%dma_wait3A_1131, %dma_wait3A_1132] : memref<819200x128xf32, #tpu.memory_space<hbm>> -> memref<128x128xf32, #tpu.memory_space<hbm>>
      %dma_wait3A_1134 = arith.constant 0 : i32
      %dma_wait3A_1135 = arith.constant 0 : i32
      %dma_wait3A_1136 = tpu.memref_slice %arg4[%dma_wait3A_1134, %dma_wait3A_1135] : memref<819200x128xf32, #tpu.memory_space<hbm>> -> memref<128x128xf32, #tpu.memory_space<hbm>>
      %dma_wait3A_1137 = arith.constant 0 : i32
      %dma_wait3A_1138 = arith.constant 0 : i32
      %dma_wait3A_1139 = tpu.memref_slice %arg6[%dma_wait3A_1126, %dma_wait3A_1137, %dma_wait3A_1138] : memref<4x128x128xf32, #tpu.memory_space<vmem>> -> memref<1x128x128xf32, #tpu.memory_space<vmem>>
      %dma_wait3A_1140 = tpu.memref_squeeze %dma_wait3A_1139 : memref<1x128x128xf32, #tpu.memory_space<vmem>> -> memref<128x128xf32, #tpu.memory_space<vmem>>
      tpu.wait_dma2 semaphore(%arg14 : memref<!tpu.dma_semaphore, #tpu.memory_space<semaphore_mem>>) src(%dma_wait3A_1140 : memref<128x128xf32, #tpu.memory_space<vmem>>) dst(%dma_wait3A_1136 : memref<128x128xf32, #tpu.memory_space<hbm>>)
      %add3A_1141 = arith.constant 1 : i32
      %add3A_1142 = arith.addi %add3A_1125, %add3A_1141 : i32
      %mul3A_1143 = arith.constant 128 : i32
      %mul3A_1144 = arith.muli %add3A_1142, %mul3A_1143 : i32
      %add3A_1145 = arith.constant 0 : i32
      %add3A_1146 = arith.addi %mul3A_1144, %add3A_1145 : i32
      %get3A_1147 = arith.index_cast %add3A_1146 : i32 to index
      %get3A_1148 = tpu.vector_load %arg5[%get3A_1147] {strides = array<i32>} : memref<25600xi32, #tpu.memory_space<vmem>>, vector<16xi32>,
      %get3A_1149 = vector.shape_cast %get3A_1148 : vector<16xi32> to vector<16xi32>
      %add3A_1150 = arith.addi %get3A_1149, %mul3A_9 : vector<16xi32>
      %swap3A_1151 = arith.index_cast %add3A_1146 : i32 to index
      %swap3A_1152 = tpu.vector_load %arg5[%swap3A_1151] {strides = array<i32>} : memref<25600xi32, #tpu.memory_space<vmem>>, vector<16xi32>,
      %swap3A_1153 = vector.shape_cast %swap3A_1152 : vector<16xi32> to vector<16xi32>
      %swap3A_1154 = vector.shape_cast %add3A_1150 : vector<16xi32> to vector<16xi32>
      tpu.vector_store %arg5[%swap3A_1151], %swap3A_1154 {strides = array<i32>} : memref<25600xi32, #tpu.memory_space<vmem>>, vector<16xi32>,
      %mul3A_1155 = arith.constant 128 : i32
      %mul3A_1156 = arith.muli %add3A_1142, %mul3A_1155 : i32
      %add3A_1157 = arith.constant 16 : i32
      %add3A_1158 = arith.addi %mul3A_1156, %add3A_1157 : i32
      %get3A_1159 = arith.index_cast %add3A_1158 : i32 to index
      %get3A_1160 = tpu.vector_load %arg5[%get3A_1159] {strides = array<i32>} : memref<25600xi32, #tpu.memory_space<vmem>>, vector<16xi32>,
      %get3A_1161 = vector.shape_cast %get3A_1160 : vector<16xi32> to vector<16xi32>
      %add3A_1162 = arith.addi %get3A_1161, %mul3A_9 : vector<16xi32>
      %swap3A_1163 = arith.index_cast %add3A_1158 : i32 to index
      %swap3A_1164 = tpu.vector_load %arg5[%swap3A_1163] {strides = array<i32>} : memref<25600xi32, #tpu.memory_space<vmem>>, vector<16xi32>,
      %swap3A_1165 = vector.shape_cast %swap3A_1164 : vector<16xi32> to vector<16xi32>
      %swap3A_1166 = vector.shape_cast %add3A_1162 : vector<16xi32> to vector<16xi32>
      tpu.vector_store %arg5[%swap3A_1163], %swap3A_1166 {strides = array<i32>} : memref<25600xi32, #tpu.memory_space<vmem>>, vector<16xi32>,
      %mul3A_1167 = arith.constant 128 : i32
      %mul3A_1168 = arith.muli %add3A_1142, %mul3A_1167 : i32
      %add3A_1169 = arith.constant 32 : i32
      %add3A_1170 = arith.addi %mul3A_1168, %add3A_1169 : i32
      %get3A_1171 = arith.index_cast %add3A_1170 : i32 to index
      %get3A_1172 = tpu.vector_load %arg5[%get3A_1171] {strides = array<i32>} : memref<25600xi32, #tpu.memory_space<vmem>>, vector<16xi32>,
      %get3A_1173 = vector.shape_cast %get3A_1172 : vector<16xi32> to vector<16xi32>
      %add3A_1174 = arith.addi %get3A_1173, %mul3A_9 : vector<16xi32>
      %swap3A_1175 = arith.index_cast %add3A_1170 : i32 to index
      %swap3A_1176 = tpu.vector_load %arg5[%swap3A_1175] {strides = array<i32>} : memref<25600xi32, #tpu.memory_space<vmem>>, vector<16xi32>,
      %swap3A_1177 = vector.shape_cast %swap3A_1176 : vector<16xi32> to vector<16xi32>
      %swap3A_1178 = vector.shape_cast %add3A_1174 : vector<16xi32> to vector<16xi32>
      tpu.vector_store %arg5[%swap3A_1175], %swap3A_1178 {strides = array<i32>} : memref<25600xi32, #tpu.memory_space<vmem>>, vector<16xi32>,
      %mul3A_1179 = arith.constant 128 : i32
      %mul3A_1180 = arith.muli %add3A_1142, %mul3A_1179 : i32
      %add3A_1181 = arith.constant 48 : i32
      %add3A_1182 = arith.addi %mul3A_1180, %add3A_1181 : i32
      %get3A_1183 = arith.index_cast %add3A_1182 : i32 to index
      %get3A_1184 = tpu.vector_load %arg5[%get3A_1183] {strides = array<i32>} : memref<25600xi32, #tpu.memory_space<vmem>>, vector<16xi32>,
      %get3A_1185 = vector.shape_cast %get3A_1184 : vector<16xi32> to vector<16xi32>
      %add3A_1186 = arith.addi %get3A_1185, %mul3A_9 : vector<16xi32>
      %swap3A_1187 = arith.index_cast %add3A_1182 : i32 to index
      %swap3A_1188 = tpu.vector_load %arg5[%swap3A_1187] {strides = array<i32>} : memref<25600xi32, #tpu.memory_space<vmem>>, vector<16xi32>,
      %swap3A_1189 = vector.shape_cast %swap3A_1188 : vector<16xi32> to vector<16xi32>
      %swap3A_1190 = vector.shape_cast %add3A_1186 : vector<16xi32> to vector<16xi32>
      tpu.vector_store %arg5[%swap3A_1187], %swap3A_1190 {strides = array<i32>} : memref<25600xi32, #tpu.memory_space<vmem>>, vector<16xi32>,
      %mul3A_1191 = arith.constant 128 : i32
      %mul3A_1192 = arith.muli %add3A_1142, %mul3A_1191 : i32
      %add3A_1193 = arith.constant 64 : i32
      %add3A_1194 = arith.addi %mul3A_1192, %add3A_1193 : i32
      %get3A_1195 = arith.index_cast %add3A_1194 : i32 to index
      %get3A_1196 = tpu.vector_load %arg5[%get3A_1195] {strides = array<i32>} : memref<25600xi32, #tpu.memory_space<vmem>>, vector<16xi32>,
      %get3A_1197 = vector.shape_cast %get3A_1196 : vector<16xi32> to vector<16xi32>
      %add3A_1198 = arith.addi %get3A_1197, %mul3A_9 : vector<16xi32>
      %swap3A_1199 = arith.index_cast %add3A_1194 : i32 to index
      %swap3A_1200 = tpu.vector_load %arg5[%swap3A_1199] {strides = array<i32>} : memref<25600xi32, #tpu.memory_space<vmem>>, vector<16xi32>,
      %swap3A_1201 = vector.shape_cast %swap3A_1200 : vector<16xi32> to vector<16xi32>
      %swap3A_1202 = vector.shape_cast %add3A_1198 : vector<16xi32> to vector<16xi32>
      tpu.vector_store %arg5[%swap3A_1199], %swap3A_1202 {strides = array<i32>} : memref<25600xi32, #tpu.memory_space<vmem>>, vector<16xi32>,
      %mul3A_1203 = arith.constant 128 : i32
      %mul3A_1204 = arith.muli %add3A_1142, %mul3A_1203 : i32
      %add3A_1205 = arith.constant 80 : i32
      %add3A_1206 = arith.addi %mul3A_1204, %add3A_1205 : i32
      %get3A_1207 = arith.index_cast %add3A_1206 : i32 to index
      %get3A_1208 = tpu.vector_load %arg5[%get3A_1207] {strides = array<i32>} : memref<25600xi32, #tpu.memory_space<vmem>>, vector<16xi32>,
      %get3A_1209 = vector.shape_cast %get3A_1208 : vector<16xi32> to vector<16xi32>
      %add3A_1210 = arith.addi %get3A_1209, %mul3A_9 : vector<16xi32>
      %swap3A_1211 = arith.index_cast %add3A_1206 : i32 to index
      %swap3A_1212 = tpu.vector_load %arg5[%swap3A_1211] {strides = array<i32>} : memref<25600xi32, #tpu.memory_space<vmem>>, vector<16xi32>,
      %swap3A_1213 = vector.shape_cast %swap3A_1212 : vector<16xi32> to vector<16xi32>
      %swap3A_1214 = vector.shape_cast %add3A_1210 : vector<16xi32> to vector<16xi32>
      tpu.vector_store %arg5[%swap3A_1211], %swap3A_1214 {strides = array<i32>} : memref<25600xi32, #tpu.memory_space<vmem>>, vector<16xi32>,
      %mul3A_1215 = arith.constant 128 : i32
      %mul3A_1216 = arith.muli %add3A_1142, %mul3A_1215 : i32
      %add3A_1217 = arith.constant 96 : i32
      %add3A_1218 = arith.addi %mul3A_1216, %add3A_1217 : i32
      %get3A_1219 = arith.index_cast %add3A_1218 : i32 to index
      %get3A_1220 = tpu.vector_load %arg5[%get3A_1219] {strides = array<i32>} : memref<25600xi32, #tpu.memory_space<vmem>>, vector<16xi32>,
      %get3A_1221 = vector.shape_cast %get3A_1220 : vector<16xi32> to vector<16xi32>
      %add3A_1222 = arith.addi %get3A_1221, %mul3A_9 : vector<16xi32>
      %swap3A_1223 = arith.index_cast %add3A_1218 : i32 to index
      %swap3A_1224 = tpu.vector_load %arg5[%swap3A_1223] {strides = array<i32>} : memref<25600xi32, #tpu.memory_space<vmem>>, vector<16xi32>,
      %swap3A_1225 = vector.shape_cast %swap3A_1224 : vector<16xi32> to vector<16xi32>
      %swap3A_1226 = vector.shape_cast %add3A_1222 : vector<16xi32> to vector<16xi32>
      tpu.vector_store %arg5[%swap3A_1223], %swap3A_1226 {strides = array<i32>} : memref<25600xi32, #tpu.memory_space<vmem>>, vector<16xi32>,
      %mul3A_1227 = arith.constant 128 : i32
      %mul3A_1228 = arith.muli %add3A_1142, %mul3A_1227 : i32
      %add3A_1229 = arith.constant 112 : i32
      %add3A_1230 = arith.addi %mul3A_1228, %add3A_1229 : i32
      %get3A_1231 = arith.index_cast %add3A_1230 : i32 to index
      %get3A_1232 = tpu.vector_load %arg5[%get3A_1231] {strides = array<i32>} : memref<25600xi32, #tpu.memory_space<vmem>>, vector<16xi32>,
      %get3A_1233 = vector.shape_cast %get3A_1232 : vector<16xi32> to vector<16xi32>
      %add3A_1234 = arith.addi %get3A_1233, %mul3A_9 : vector<16xi32>
      %swap3A_1235 = arith.index_cast %add3A_1230 : i32 to index
      %swap3A_1236 = tpu.vector_load %arg5[%swap3A_1235] {strides = array<i32>} : memref<25600xi32, #tpu.memory_space<vmem>>, vector<16xi32>,
      %swap3A_1237 = vector.shape_cast %swap3A_1236 : vector<16xi32> to vector<16xi32>
      %swap3A_1238 = vector.shape_cast %add3A_1234 : vector<16xi32> to vector<16xi32>
      tpu.vector_store %arg5[%swap3A_1235], %swap3A_1238 {strides = array<i32>} : memref<25600xi32, #tpu.memory_space<vmem>>, vector<16xi32>,
      %mul3A_1239 = arith.constant 128 : i32
      %mul3A_1240 = arith.muli %add3A_1142, %mul3A_1239 : i32
      %dma_start3A_1241 = arith.constant 2 : i32
      %dma_start3A_1242 = arith.constant 0 : i32
      %dma_start3A_1243 = arith.constant 0 : i32
      %dma_start3A_1244 = tpu.memref_slice %arg6[%dma_start3A_1241, %dma_start3A_1242, %dma_start3A_1243] : memref<4x128x128xf32, #tpu.memory_space<vmem>> -> memref<1x128x128xf32, #tpu.memory_space<vmem>>
      %dma_start3A_1245 = tpu.memref_squeeze %dma_start3A_1244 : memref<1x128x128xf32, #tpu.memory_space<vmem>> -> memref<128x128xf32, #tpu.memory_space<vmem>>
      %dma_start3A_1246 = tpu.memref_slice %arg5[%mul3A_1240] : memref<25600xi32, #tpu.memory_space<vmem>> -> memref<128xi32, #tpu.memory_space<vmem>>
      %dma_start3A_1247 = arith.constant 0 : i32
      %dma_start3A_1248 = arith.constant 0 : i32
      %dma_start3A_1249 = tpu.memref_slice %arg7[%dma_start3A_1247, %dma_start3A_1248] : memref<384x128xf32, #tpu.memory_space<vmem_shared>> -> memref<384x128xf32, #tpu.memory_space<vmem_shared>>
      tpu.enqueue_indirect_dma source(%dma_start3A_1249 : memref<384x128xf32, #tpu.memory_space<vmem_shared>>) target(%dma_start3A_1245 : memref<128x128xf32, #tpu.memory_space<vmem>>) offsets(%dma_start3A_1246 : memref<128xi32, #tpu.memory_space<vmem>>) semaphore(%arg10 : memref<!tpu.dma_semaphore, #tpu.memory_space<semaphore_mem>>)
      %dma_wait3A_1250 = arith.constant 1 : i32
      %dma_wait3A_1251 = arith.constant 0 : i32
      %dma_wait3A_1252 = arith.constant 0 : i32
      %dma_wait3A_1253 = tpu.memref_slice %arg6[%dma_wait3A_1250, %dma_wait3A_1251, %dma_wait3A_1252] : memref<4x128x128xf32, #tpu.memory_space<vmem>> -> memref<1x128x128xf32, #tpu.memory_space<vmem>>
      %dma_wait3A_1254 = tpu.memref_squeeze %dma_wait3A_1253 : memref<1x128x128xf32, #tpu.memory_space<vmem>> -> memref<128x128xf32, #tpu.memory_space<vmem>>
      %dma_wait3A_1255 = arith.constant 0 : i32
      %dma_wait3A_1256 = arith.constant 0 : i32
      %dma_wait3A_1257 = tpu.memref_slice %arg4[%dma_wait3A_1255, %dma_wait3A_1256] : memref<819200x128xf32, #tpu.memory_space<hbm>> -> memref<128x128xf32, #tpu.memory_space<hbm>>
      %dma_wait3A_1258 = arith.constant 0 : i32
      %dma_wait3A_1259 = arith.constant 0 : i32
      %dma_wait3A_1260 = tpu.memref_slice %arg6[%dma_wait3A_1250, %dma_wait3A_1258, %dma_wait3A_1259] : memref<4x128x128xf32, #tpu.memory_space<vmem>> -> memref<1x128x128xf32, #tpu.memory_space<vmem>>
      %dma_wait3A_1261 = tpu.memref_squeeze %dma_wait3A_1260 : memref<1x128x128xf32, #tpu.memory_space<vmem>> -> memref<128x128xf32, #tpu.memory_space<vmem>>
      %dma_wait3A_1262 = arith.constant 0 : i32
      %dma_wait3A_1263 = arith.constant 0 : i32
      %dma_wait3A_1264 = tpu.memref_slice %arg4[%dma_wait3A_1262, %dma_wait3A_1263] : memref<819200x128xf32, #tpu.memory_space<hbm>> -> memref<128x128xf32, #tpu.memory_space<hbm>>
      tpu.wait_dma2 semaphore(%arg9 : memref<!tpu.dma_semaphore, #tpu.memory_space<semaphore_mem>>) src(%dma_wait3A_1264 : memref<128x128xf32, #tpu.memory_space<hbm>>) dst(%dma_wait3A_1261 : memref<128x128xf32, #tpu.memory_space<vmem>>)
      %mul3A_1265 = arith.constant 128 : i32
      %mul3A_1266 = arith.muli %add3A_1125, %mul3A_1265 : i32
      %add3A_1267 = arith.addi %mul3A_2, %mul3A_1266 : i32
      %dma_start3A_1268 = arith.constant 1 : i32
      %dma_start3A_1269 = arith.constant 0 : i32
      %dma_start3A_1270 = arith.constant 0 : i32
      %dma_start3A_1271 = tpu.memref_slice %arg6[%dma_start3A_1268, %dma_start3A_1269, %dma_start3A_1270] : memref<4x128x128xf32, #tpu.memory_space<vmem>> -> memref<1x128x128xf32, #tpu.memory_space<vmem>>
      %dma_start3A_1272 = tpu.memref_squeeze %dma_start3A_1271 : memref<1x128x128xf32, #tpu.memory_space<vmem>> -> memref<128x128xf32, #tpu.memory_space<vmem>>
      %dma_start3A_1273 = arith.constant 0 : i32
      %dma_start3A_1274 = tpu.memref_slice %arg4[%add3A_1267, %dma_start3A_1273] : memref<819200x128xf32, #tpu.memory_space<hbm>> -> memref<128x128xf32, #tpu.memory_space<hbm>>
      %dma_start3A_1275 = arith.constant 0 : i32
      %dma_start3A_1276 = tpu.memref_slice %arg4[%add3A_1267, %dma_start3A_1275] : memref<819200x128xf32, #tpu.memory_space<hbm>> -> memref<128x128xf32, #tpu.memory_space<hbm>>
      %dma_start3A_1277 = arith.constant 0 : i32
      %dma_start3A_1278 = arith.constant 0 : i32
      %dma_start3A_1279 = tpu.memref_slice %arg6[%dma_start3A_1268, %dma_start3A_1277, %dma_start3A_1278] : memref<4x128x128xf32, #tpu.memory_space<vmem>> -> memref<1x128x128xf32, #tpu.memory_space<vmem>>
      %dma_start3A_1280 = tpu.memref_squeeze %dma_start3A_1279 : memref<1x128x128xf32, #tpu.memory_space<vmem>> -> memref<128x128xf32, #tpu.memory_space<vmem>>
      tpu.enqueue_dma source(%dma_start3A_1280 : memref<128x128xf32, #tpu.memory_space<vmem>>) target(%dma_start3A_1276 : memref<128x128xf32, #tpu.memory_space<hbm>>) target_semaphore(%arg13 : memref<!tpu.dma_semaphore, #tpu.memory_space<semaphore_mem>>)
      %mul3A_1281 = arith.constant 4 : i32
      %mul3A_1282 = arith.muli %scan3A_962, %mul3A_1281 : i32
      %add3A_1283 = arith.constant 2 : i32
      %add3A_1284 = arith.addi %mul3A_1282, %add3A_1283 : i32
      %dma_wait3A_1285 = arith.constant 3 : i32
      %dma_wait3A_1286 = arith.constant 0 : i32
      %dma_wait3A_1287 = arith.constant 0 : i32
      %dma_wait3A_1288 = tpu.memref_slice %arg6[%dma_wait3A_1285, %dma_wait3A_1286, %dma_wait3A_1287] : memref<4x128x128xf32, #tpu.memory_space<vmem>> -> memref<1x128x128xf32, #tpu.memory_space<vmem>>
      %dma_wait3A_1289 = tpu.memref_squeeze %dma_wait3A_1288 : memref<1x128x128xf32, #tpu.memory_space<vmem>> -> memref<128x128xf32, #tpu.memory_space<vmem>>
      %dma_wait3A_1290 = arith.constant 0 : i32
      %dma_wait3A_1291 = arith.constant 0 : i32
      %dma_wait3A_1292 = tpu.memref_slice %arg4[%dma_wait3A_1290, %dma_wait3A_1291] : memref<819200x128xf32, #tpu.memory_space<hbm>> -> memref<128x128xf32, #tpu.memory_space<hbm>>
      %dma_wait3A_1293 = arith.constant 0 : i32
      %dma_wait3A_1294 = arith.constant 0 : i32
      %dma_wait3A_1295 = tpu.memref_slice %arg4[%dma_wait3A_1293, %dma_wait3A_1294] : memref<819200x128xf32, #tpu.memory_space<hbm>> -> memref<128x128xf32, #tpu.memory_space<hbm>>
      %dma_wait3A_1296 = arith.constant 0 : i32
      %dma_wait3A_1297 = arith.constant 0 : i32
      %dma_wait3A_1298 = tpu.memref_slice %arg6[%dma_wait3A_1285, %dma_wait3A_1296, %dma_wait3A_1297] : memref<4x128x128xf32, #tpu.memory_space<vmem>> -> memref<1x128x128xf32, #tpu.memory_space<vmem>>
      %dma_wait3A_1299 = tpu.memref_squeeze %dma_wait3A_1298 : memref<1x128x128xf32, #tpu.memory_space<vmem>> -> memref<128x128xf32, #tpu.memory_space<vmem>>
      tpu.wait_dma2 semaphore(%arg15 : memref<!tpu.dma_semaphore, #tpu.memory_space<semaphore_mem>>) src(%dma_wait3A_1299 : memref<128x128xf32, #tpu.memory_space<vmem>>) dst(%dma_wait3A_1295 : memref<128x128xf32, #tpu.memory_space<hbm>>)
      %add3A_1300 = arith.constant 1 : i32
      %add3A_1301 = arith.addi %add3A_1284, %add3A_1300 : i32
      %mul3A_1302 = arith.constant 128 : i32
      %mul3A_1303 = arith.muli %add3A_1301, %mul3A_1302 : i32
      %add3A_1304 = arith.constant 0 : i32
      %add3A_1305 = arith.addi %mul3A_1303, %add3A_1304 : i32
      %get3A_1306 = arith.index_cast %add3A_1305 : i32 to index
      %get3A_1307 = tpu.vector_load %arg5[%get3A_1306] {strides = array<i32>} : memref<25600xi32, #tpu.memory_space<vmem>>, vector<16xi32>,
      %get3A_1308 = vector.shape_cast %get3A_1307 : vector<16xi32> to vector<16xi32>
      %add3A_1309 = arith.addi %get3A_1308, %mul3A_9 : vector<16xi32>
      %swap3A_1310 = arith.index_cast %add3A_1305 : i32 to index
      %swap3A_1311 = tpu.vector_load %arg5[%swap3A_1310] {strides = array<i32>} : memref<25600xi32, #tpu.memory_space<vmem>>, vector<16xi32>,
      %swap3A_1312 = vector.shape_cast %swap3A_1311 : vector<16xi32> to vector<16xi32>
      %swap3A_1313 = vector.shape_cast %add3A_1309 : vector<16xi32> to vector<16xi32>
      tpu.vector_store %arg5[%swap3A_1310], %swap3A_1313 {strides = array<i32>} : memref<25600xi32, #tpu.memory_space<vmem>>, vector<16xi32>,
      %mul3A_1314 = arith.constant 128 : i32
      %mul3A_1315 = arith.muli %add3A_1301, %mul3A_1314 : i32
      %add3A_1316 = arith.constant 16 : i32
      %add3A_1317 = arith.addi %mul3A_1315, %add3A_1316 : i32
      %get3A_1318 = arith.index_cast %add3A_1317 : i32 to index
      %get3A_1319 = tpu.vector_load %arg5[%get3A_1318] {strides = array<i32>} : memref<25600xi32, #tpu.memory_space<vmem>>, vector<16xi32>,
      %get3A_1320 = vector.shape_cast %get3A_1319 : vector<16xi32> to vector<16xi32>
      %add3A_1321 = arith.addi %get3A_1320, %mul3A_9 : vector<16xi32>
      %swap3A_1322 = arith.index_cast %add3A_1317 : i32 to index
      %swap3A_1323 = tpu.vector_load %arg5[%swap3A_1322] {strides = array<i32>} : memref<25600xi32, #tpu.memory_space<vmem>>, vector<16xi32>,
      %swap3A_1324 = vector.shape_cast %swap3A_1323 : vector<16xi32> to vector<16xi32>
      %swap3A_1325 = vector.shape_cast %add3A_1321 : vector<16xi32> to vector<16xi32>
      tpu.vector_store %arg5[%swap3A_1322], %swap3A_1325 {strides = array<i32>} : memref<25600xi32, #tpu.memory_space<vmem>>, vector<16xi32>,
      %mul3A_1326 = arith.constant 128 : i32
      %mul3A_1327 = arith.muli %add3A_1301, %mul3A_1326 : i32
      %add3A_1328 = arith.constant 32 : i32
      %add3A_1329 = arith.addi %mul3A_1327, %add3A_1328 : i32
      %get3A_1330 = arith.index_cast %add3A_1329 : i32 to index
      %get3A_1331 = tpu.vector_load %arg5[%get3A_1330] {strides = array<i32>} : memref<25600xi32, #tpu.memory_space<vmem>>, vector<16xi32>,
      %get3A_1332 = vector.shape_cast %get3A_1331 : vector<16xi32> to vector<16xi32>
      %add3A_1333 = arith.addi %get3A_1332, %mul3A_9 : vector<16xi32>
      %swap3A_1334 = arith.index_cast %add3A_1329 : i32 to index
      %swap3A_1335 = tpu.vector_load %arg5[%swap3A_1334] {strides = array<i32>} : memref<25600xi32, #tpu.memory_space<vmem>>, vector<16xi32>,
      %swap3A_1336 = vector.shape_cast %swap3A_1335 : vector<16xi32> to vector<16xi32>
      %swap3A_1337 = vector.shape_cast %add3A_1333 : vector<16xi32> to vector<16xi32>
      tpu.vector_store %arg5[%swap3A_1334], %swap3A_1337 {strides = array<i32>} : memref<25600xi32, #tpu.memory_space<vmem>>, vector<16xi32>,
      %mul3A_1338 = arith.constant 128 : i32
      %mul3A_1339 = arith.muli %add3A_1301, %mul3A_1338 : i32
      %add3A_1340 = arith.constant 48 : i32
      %add3A_1341 = arith.addi %mul3A_1339, %add3A_1340 : i32
      %get3A_1342 = arith.index_cast %add3A_1341 : i32 to index
      %get3A_1343 = tpu.vector_load %arg5[%get3A_1342] {strides = array<i32>} : memref<25600xi32, #tpu.memory_space<vmem>>, vector<16xi32>,
      %get3A_1344 = vector.shape_cast %get3A_1343 : vector<16xi32> to vector<16xi32>
      %add3A_1345 = arith.addi %get3A_1344, %mul3A_9 : vector<16xi32>
      %swap3A_1346 = arith.index_cast %add3A_1341 : i32 to index
      %swap3A_1347 = tpu.vector_load %arg5[%swap3A_1346] {strides = array<i32>} : memref<25600xi32, #tpu.memory_space<vmem>>, vector<16xi32>,
      %swap3A_1348 = vector.shape_cast %swap3A_1347 : vector<16xi32> to vector<16xi32>
      %swap3A_1349 = vector.shape_cast %add3A_1345 : vector<16xi32> to vector<16xi32>
      tpu.vector_store %arg5[%swap3A_1346], %swap3A_1349 {strides = array<i32>} : memref<25600xi32, #tpu.memory_space<vmem>>, vector<16xi32>,
      %mul3A_1350 = arith.constant 128 : i32
      %mul3A_1351 = arith.muli %add3A_1301, %mul3A_1350 : i32
      %add3A_1352 = arith.constant 64 : i32
      %add3A_1353 = arith.addi %mul3A_1351, %add3A_1352 : i32
      %get3A_1354 = arith.index_cast %add3A_1353 : i32 to index
      %get3A_1355 = tpu.vector_load %arg5[%get3A_1354] {strides = array<i32>} : memref<25600xi32, #tpu.memory_space<vmem>>, vector<16xi32>,
      %get3A_1356 = vector.shape_cast %get3A_1355 : vector<16xi32> to vector<16xi32>
      %add3A_1357 = arith.addi %get3A_1356, %mul3A_9 : vector<16xi32>
      %swap3A_1358 = arith.index_cast %add3A_1353 : i32 to index
      %swap3A_1359 = tpu.vector_load %arg5[%swap3A_1358] {strides = array<i32>} : memref<25600xi32, #tpu.memory_space<vmem>>, vector<16xi32>,
      %swap3A_1360 = vector.shape_cast %swap3A_1359 : vector<16xi32> to vector<16xi32>
      %swap3A_1361 = vector.shape_cast %add3A_1357 : vector<16xi32> to vector<16xi32>
      tpu.vector_store %arg5[%swap3A_1358], %swap3A_1361 {strides = array<i32>} : memref<25600xi32, #tpu.memory_space<vmem>>, vector<16xi32>,
      %mul3A_1362 = arith.constant 128 : i32
      %mul3A_1363 = arith.muli %add3A_1301, %mul3A_1362 : i32
      %add3A_1364 = arith.constant 80 : i32
      %add3A_1365 = arith.addi %mul3A_1363, %add3A_1364 : i32
      %get3A_1366 = arith.index_cast %add3A_1365 : i32 to index
      %get3A_1367 = tpu.vector_load %arg5[%get3A_1366] {strides = array<i32>} : memref<25600xi32, #tpu.memory_space<vmem>>, vector<16xi32>,
      %get3A_1368 = vector.shape_cast %get3A_1367 : vector<16xi32> to vector<16xi32>
      %add3A_1369 = arith.addi %get3A_1368, %mul3A_9 : vector<16xi32>
      %swap3A_1370 = arith.index_cast %add3A_1365 : i32 to index
      %swap3A_1371 = tpu.vector_load %arg5[%swap3A_1370] {strides = array<i32>} : memref<25600xi32, #tpu.memory_space<vmem>>, vector<16xi32>,
      %swap3A_1372 = vector.shape_cast %swap3A_1371 : vector<16xi32> to vector<16xi32>
      %swap3A_1373 = vector.shape_cast %add3A_1369 : vector<16xi32> to vector<16xi32>
      tpu.vector_store %arg5[%swap3A_1370], %swap3A_1373 {strides = array<i32>} : memref<25600xi32, #tpu.memory_space<vmem>>, vector<16xi32>,
      %mul3A_1374 = arith.constant 128 : i32
      %mul3A_1375 = arith.muli %add3A_1301, %mul3A_1374 : i32
      %add3A_1376 = arith.constant 96 : i32
      %add3A_1377 = arith.addi %mul3A_1375, %add3A_1376 : i32
      %get3A_1378 = arith.index_cast %add3A_1377 : i32 to index
      %get3A_1379 = tpu.vector_load %arg5[%get3A_1378] {strides = array<i32>} : memref<25600xi32, #tpu.memory_space<vmem>>, vector<16xi32>,
      %get3A_1380 = vector.shape_cast %get3A_1379 : vector<16xi32> to vector<16xi32>
      %add3A_1381 = arith.addi %get3A_1380, %mul3A_9 : vector<16xi32>
      %swap3A_1382 = arith.index_cast %add3A_1377 : i32 to index
      %swap3A_1383 = tpu.vector_load %arg5[%swap3A_1382] {strides = array<i32>} : memref<25600xi32, #tpu.memory_space<vmem>>, vector<16xi32>,
      %swap3A_1384 = vector.shape_cast %swap3A_1383 : vector<16xi32> to vector<16xi32>
      %swap3A_1385 = vector.shape_cast %add3A_1381 : vector<16xi32> to vector<16xi32>
      tpu.vector_store %arg5[%swap3A_1382], %swap3A_1385 {strides = array<i32>} : memref<25600xi32, #tpu.memory_space<vmem>>, vector<16xi32>,
      %mul3A_1386 = arith.constant 128 : i32
      %mul3A_1387 = arith.muli %add3A_1301, %mul3A_1386 : i32
      %add3A_1388 = arith.constant 112 : i32
      %add3A_1389 = arith.addi %mul3A_1387, %add3A_1388 : i32
      %get3A_1390 = arith.index_cast %add3A_1389 : i32 to index
      %get3A_1391 = tpu.vector_load %arg5[%get3A_1390] {strides = array<i32>} : memref<25600xi32, #tpu.memory_space<vmem>>, vector<16xi32>,
      %get3A_1392 = vector.shape_cast %get3A_1391 : vector<16xi32> to vector<16xi32>
      %add3A_1393 = arith.addi %get3A_1392, %mul3A_9 : vector<16xi32>
      %swap3A_1394 = arith.index_cast %add3A_1389 : i32 to index
      %swap3A_1395 = tpu.vector_load %arg5[%swap3A_1394] {strides = array<i32>} : memref<25600xi32, #tpu.memory_space<vmem>>, vector<16xi32>,
      %swap3A_1396 = vector.shape_cast %swap3A_1395 : vector<16xi32> to vector<16xi32>
      %swap3A_1397 = vector.shape_cast %add3A_1393 : vector<16xi32> to vector<16xi32>
      tpu.vector_store %arg5[%swap3A_1394], %swap3A_1397 {strides = array<i32>} : memref<25600xi32, #tpu.memory_space<vmem>>, vector<16xi32>,
      %mul3A_1398 = arith.constant 128 : i32
      %mul3A_1399 = arith.muli %add3A_1301, %mul3A_1398 : i32
      %dma_start3A_1400 = arith.constant 3 : i32
      %dma_start3A_1401 = arith.constant 0 : i32
      %dma_start3A_1402 = arith.constant 0 : i32
      %dma_start3A_1403 = tpu.memref_slice %arg6[%dma_start3A_1400, %dma_start3A_1401, %dma_start3A_1402] : memref<4x128x128xf32, #tpu.memory_space<vmem>> -> memref<1x128x128xf32, #tpu.memory_space<vmem>>
      %dma_start3A_1404 = tpu.memref_squeeze %dma_start3A_1403 : memref<1x128x128xf32, #tpu.memory_space<vmem>> -> memref<128x128xf32, #tpu.memory_space<vmem>>
      %dma_start3A_1405 = tpu.memref_slice %arg5[%mul3A_1399] : memref<25600xi32, #tpu.memory_space<vmem>> -> memref<128xi32, #tpu.memory_space<vmem>>
      %dma_start3A_1406 = arith.constant 0 : i32
      %dma_start3A_1407 = arith.constant 0 : i32
      %dma_start3A_1408 = tpu.memref_slice %arg7[%dma_start3A_1406, %dma_start3A_1407] : memref<384x128xf32, #tpu.memory_space<vmem_shared>> -> memref<384x128xf32, #tpu.memory_space<vmem_shared>>
      tpu.enqueue_indirect_dma source(%dma_start3A_1408 : memref<384x128xf32, #tpu.memory_space<vmem_shared>>) target(%dma_start3A_1404 : memref<128x128xf32, #tpu.memory_space<vmem>>) offsets(%dma_start3A_1405 : memref<128xi32, #tpu.memory_space<vmem>>) semaphore(%arg11 : memref<!tpu.dma_semaphore, #tpu.memory_space<semaphore_mem>>)
      %dma_wait3A_1409 = arith.constant 2 : i32
      %dma_wait3A_1410 = arith.constant 0 : i32
      %dma_wait3A_1411 = arith.constant 0 : i32
      %dma_wait3A_1412 = tpu.memref_slice %arg6[%dma_wait3A_1409, %dma_wait3A_1410, %dma_wait3A_1411] : memref<4x128x128xf32, #tpu.memory_space<vmem>> -> memref<1x128x128xf32, #tpu.memory_space<vmem>>
      %dma_wait3A_1413 = tpu.memref_squeeze %dma_wait3A_1412 : memref<1x128x128xf32, #tpu.memory_space<vmem>> -> memref<128x128xf32, #tpu.memory_space<vmem>>
      %dma_wait3A_1414 = arith.constant 0 : i32
      %dma_wait3A_1415 = arith.constant 0 : i32
      %dma_wait3A_1416 = tpu.memref_slice %arg4[%dma_wait3A_1414, %dma_wait3A_1415] : memref<819200x128xf32, #tpu.memory_space<hbm>> -> memref<128x128xf32, #tpu.memory_space<hbm>>
      %dma_wait3A_1417 = arith.constant 0 : i32
      %dma_wait3A_1418 = arith.constant 0 : i32
      %dma_wait3A_1419 = tpu.memref_slice %arg6[%dma_wait3A_1409, %dma_wait3A_1417, %dma_wait3A_1418] : memref<4x128x128xf32, #tpu.memory_space<vmem>> -> memref<1x128x128xf32, #tpu.memory_space<vmem>>
      %dma_wait3A_1420 = tpu.memref_squeeze %dma_wait3A_1419 : memref<1x128x128xf32, #tpu.memory_space<vmem>> -> memref<128x128xf32, #tpu.memory_space<vmem>>
      %dma_wait3A_1421 = arith.constant 0 : i32
      %dma_wait3A_1422 = arith.constant 0 : i32
      %dma_wait3A_1423 = tpu.memref_slice %arg4[%dma_wait3A_1421, %dma_wait3A_1422] : memref<819200x128xf32, #tpu.memory_space<hbm>> -> memref<128x128xf32, #tpu.memory_space<hbm>>
      tpu.wait_dma2 semaphore(%arg10 : memref<!tpu.dma_semaphore, #tpu.memory_space<semaphore_mem>>) src(%dma_wait3A_1423 : memref<128x128xf32, #tpu.memory_space<hbm>>) dst(%dma_wait3A_1420 : memref<128x128xf32, #tpu.memory_space<vmem>>)
      %mul3A_1424 = arith.constant 128 : i32
      %mul3A_1425 = arith.muli %add3A_1284, %mul3A_1424 : i32
      %add3A_1426 = arith.addi %mul3A_2, %mul3A_1425 : i32
      %dma_start3A_1427 = arith.constant 2 : i32
      %dma_start3A_1428 = arith.constant 0 : i32
      %dma_start3A_1429 = arith.constant 0 : i32
      %dma_start3A_1430 = tpu.memref_slice %arg6[%dma_start3A_1427, %dma_start3A_1428, %dma_start3A_1429] : memref<4x128x128xf32, #tpu.memory_space<vmem>> -> memref<1x128x128xf32, #tpu.memory_space<vmem>>
      %dma_start3A_1431 = tpu.memref_squeeze %dma_start3A_1430 : memref<1x128x128xf32, #tpu.memory_space<vmem>> -> memref<128x128xf32, #tpu.memory_space<vmem>>
      %dma_start3A_1432 = arith.constant 0 : i32
      %dma_start3A_1433 = tpu.memref_slice %arg4[%add3A_1426, %dma_start3A_1432] : memref<819200x128xf32, #tpu.memory_space<hbm>> -> memref<128x128xf32, #tpu.memory_space<hbm>>
      %dma_start3A_1434 = arith.constant 0 : i32
      %dma_start3A_1435 = tpu.memref_slice %arg4[%add3A_1426, %dma_start3A_1434] : memref<819200x128xf32, #tpu.memory_space<hbm>> -> memref<128x128xf32, #tpu.memory_space<hbm>>
      %dma_start3A_1436 = arith.constant 0 : i32
      %dma_start3A_1437 = arith.constant 0 : i32
      %dma_start3A_1438 = tpu.memref_slice %arg6[%dma_start3A_1427, %dma_start3A_1436, %dma_start3A_1437] : memref<4x128x128xf32, #tpu.memory_space<vmem>> -> memref<1x128x128xf32, #tpu.memory_space<vmem>>
      %dma_start3A_1439 = tpu.memref_squeeze %dma_start3A_1438 : memref<1x128x128xf32, #tpu.memory_space<vmem>> -> memref<128x128xf32, #tpu.memory_space<vmem>>
      tpu.enqueue_dma source(%dma_start3A_1439 : memref<128x128xf32, #tpu.memory_space<vmem>>) target(%dma_start3A_1435 : memref<128x128xf32, #tpu.memory_space<hbm>>) target_semaphore(%arg14 : memref<!tpu.dma_semaphore, #tpu.memory_space<semaphore_mem>>)
      %mul3A_1440 = arith.constant 4 : i32
      %mul3A_1441 = arith.muli %scan3A_962, %mul3A_1440 : i32
      %add3A_1442 = arith.constant 3 : i32
      %add3A_1443 = arith.addi %mul3A_1441, %add3A_1442 : i32
      %dma_wait3A_1444 = arith.constant 0 : i32
      %dma_wait3A_1445 = arith.constant 0 : i32
      %dma_wait3A_1446 = arith.constant 0 : i32
      %dma_wait3A_1447 = tpu.memref_slice %arg6[%dma_wait3A_1444, %dma_wait3A_1445, %dma_wait3A_1446] : memref<4x128x128xf32, #tpu.memory_space<vmem>> -> memref<1x128x128xf32, #tpu.memory_space<vmem>>
      %dma_wait3A_1448 = tpu.memref_squeeze %dma_wait3A_1447 : memref<1x128x128xf32, #tpu.memory_space<vmem>> -> memref<128x128xf32, #tpu.memory_space<vmem>>
      %dma_wait3A_1449 = arith.constant 0 : i32
      %dma_wait3A_1450 = arith.constant 0 : i32
      %dma_wait3A_1451 = tpu.memref_slice %arg4[%dma_wait3A_1449, %dma_wait3A_1450] : memref<819200x128xf32, #tpu.memory_space<hbm>> -> memref<128x128xf32, #tpu.memory_space<hbm>>
      %dma_wait3A_1452 = arith.constant 0 : i32
      %dma_wait3A_1453 = arith.constant 0 : i32
      %dma_wait3A_1454 = tpu.memref_slice %arg4[%dma_wait3A_1452, %dma_wait3A_1453] : memref<819200x128xf32, #tpu.memory_space<hbm>> -> memref<128x128xf32, #tpu.memory_space<hbm>>
      %dma_wait3A_1455 = arith.constant 0 : i32
      %dma_wait3A_1456 = arith.constant 0 : i32
      %dma_wait3A_1457 = tpu.memref_slice %arg6[%dma_wait3A_1444, %dma_wait3A_1455, %dma_wait3A_1456] : memref<4x128x128xf32, #tpu.memory_space<vmem>> -> memref<1x128x128xf32, #tpu.memory_space<vmem>>
      %dma_wait3A_1458 = tpu.memref_squeeze %dma_wait3A_1457 : memref<1x128x128xf32, #tpu.memory_space<vmem>> -> memref<128x128xf32, #tpu.memory_space<vmem>>
      tpu.wait_dma2 semaphore(%arg12 : memref<!tpu.dma_semaphore, #tpu.memory_space<semaphore_mem>>) src(%dma_wait3A_1458 : memref<128x128xf32, #tpu.memory_space<vmem>>) dst(%dma_wait3A_1454 : memref<128x128xf32, #tpu.memory_space<hbm>>)
      %add3A_1459 = arith.constant 1 : i32
      %add3A_1460 = arith.addi %add3A_1443, %add3A_1459 : i32
      %mul3A_1461 = arith.constant 128 : i32
      %mul3A_1462 = arith.muli %add3A_1460, %mul3A_1461 : i32
      %add3A_1463 = arith.constant 0 : i32
      %add3A_1464 = arith.addi %mul3A_1462, %add3A_1463 : i32
      %get3A_1465 = arith.index_cast %add3A_1464 : i32 to index
      %get3A_1466 = tpu.vector_load %arg5[%get3A_1465] {strides = array<i32>} : memref<25600xi32, #tpu.memory_space<vmem>>, vector<16xi32>,
      %get3A_1467 = vector.shape_cast %get3A_1466 : vector<16xi32> to vector<16xi32>
      %add3A_1468 = arith.addi %get3A_1467, %mul3A_9 : vector<16xi32>
      %swap3A_1469 = arith.index_cast %add3A_1464 : i32 to index
      %swap3A_1470 = tpu.vector_load %arg5[%swap3A_1469] {strides = array<i32>} : memref<25600xi32, #tpu.memory_space<vmem>>, vector<16xi32>,
      %swap3A_1471 = vector.shape_cast %swap3A_1470 : vector<16xi32> to vector<16xi32>
      %swap3A_1472 = vector.shape_cast %add3A_1468 : vector<16xi32> to vector<16xi32>
      tpu.vector_store %arg5[%swap3A_1469], %swap3A_1472 {strides = array<i32>} : memref<25600xi32, #tpu.memory_space<vmem>>, vector<16xi32>,
      %mul3A_1473 = arith.constant 128 : i32
      %mul3A_1474 = arith.muli %add3A_1460, %mul3A_1473 : i32
      %add3A_1475 = arith.constant 16 : i32
      %add3A_1476 = arith.addi %mul3A_1474, %add3A_1475 : i32
      %get3A_1477 = arith.index_cast %add3A_1476 : i32 to index
      %get3A_1478 = tpu.vector_load %arg5[%get3A_1477] {strides = array<i32>} : memref<25600xi32, #tpu.memory_space<vmem>>, vector<16xi32>,
      %get3A_1479 = vector.shape_cast %get3A_1478 : vector<16xi32> to vector<16xi32>
      %add3A_1480 = arith.addi %get3A_1479, %mul3A_9 : vector<16xi32>
      %swap3A_1481 = arith.index_cast %add3A_1476 : i32 to index
      %swap3A_1482 = tpu.vector_load %arg5[%swap3A_1481] {strides = array<i32>} : memref<25600xi32, #tpu.memory_space<vmem>>, vector<16xi32>,
      %swap3A_1483 = vector.shape_cast %swap3A_1482 : vector<16xi32> to vector<16xi32>
      %swap3A_1484 = vector.shape_cast %add3A_1480 : vector<16xi32> to vector<16xi32>
      tpu.vector_store %arg5[%swap3A_1481], %swap3A_1484 {strides = array<i32>} : memref<25600xi32, #tpu.memory_space<vmem>>, vector<16xi32>,
      %mul3A_1485 = arith.constant 128 : i32
      %mul3A_1486 = arith.muli %add3A_1460, %mul3A_1485 : i32
      %add3A_1487 = arith.constant 32 : i32
      %add3A_1488 = arith.addi %mul3A_1486, %add3A_1487 : i32
      %get3A_1489 = arith.index_cast %add3A_1488 : i32 to index
      %get3A_1490 = tpu.vector_load %arg5[%get3A_1489] {strides = array<i32>} : memref<25600xi32, #tpu.memory_space<vmem>>, vector<16xi32>,
      %get3A_1491 = vector.shape_cast %get3A_1490 : vector<16xi32> to vector<16xi32>
      %add3A_1492 = arith.addi %get3A_1491, %mul3A_9 : vector<16xi32>
      %swap3A_1493 = arith.index_cast %add3A_1488 : i32 to index
      %swap3A_1494 = tpu.vector_load %arg5[%swap3A_1493] {strides = array<i32>} : memref<25600xi32, #tpu.memory_space<vmem>>, vector<16xi32>,
      %swap3A_1495 = vector.shape_cast %swap3A_1494 : vector<16xi32> to vector<16xi32>
      %swap3A_1496 = vector.shape_cast %add3A_1492 : vector<16xi32> to vector<16xi32>
      tpu.vector_store %arg5[%swap3A_1493], %swap3A_1496 {strides = array<i32>} : memref<25600xi32, #tpu.memory_space<vmem>>, vector<16xi32>,
      %mul3A_1497 = arith.constant 128 : i32
      %mul3A_1498 = arith.muli %add3A_1460, %mul3A_1497 : i32
      %add3A_1499 = arith.constant 48 : i32
      %add3A_1500 = arith.addi %mul3A_1498, %add3A_1499 : i32
      %get3A_1501 = arith.index_cast %add3A_1500 : i32 to index
      %get3A_1502 = tpu.vector_load %arg5[%get3A_1501] {strides = array<i32>} : memref<25600xi32, #tpu.memory_space<vmem>>, vector<16xi32>,
      %get3A_1503 = vector.shape_cast %get3A_1502 : vector<16xi32> to vector<16xi32>
      %add3A_1504 = arith.addi %get3A_1503, %mul3A_9 : vector<16xi32>
      %swap3A_1505 = arith.index_cast %add3A_1500 : i32 to index
      %swap3A_1506 = tpu.vector_load %arg5[%swap3A_1505] {strides = array<i32>} : memref<25600xi32, #tpu.memory_space<vmem>>, vector<16xi32>,
      %swap3A_1507 = vector.shape_cast %swap3A_1506 : vector<16xi32> to vector<16xi32>
      %swap3A_1508 = vector.shape_cast %add3A_1504 : vector<16xi32> to vector<16xi32>
      tpu.vector_store %arg5[%swap3A_1505], %swap3A_1508 {strides = array<i32>} : memref<25600xi32, #tpu.memory_space<vmem>>, vector<16xi32>,
      %mul3A_1509 = arith.constant 128 : i32
      %mul3A_1510 = arith.muli %add3A_1460, %mul3A_1509 : i32
      %add3A_1511 = arith.constant 64 : i32
      %add3A_1512 = arith.addi %mul3A_1510, %add3A_1511 : i32
      %get3A_1513 = arith.index_cast %add3A_1512 : i32 to index
      %get3A_1514 = tpu.vector_load %arg5[%get3A_1513] {strides = array<i32>} : memref<25600xi32, #tpu.memory_space<vmem>>, vector<16xi32>,
      %get3A_1515 = vector.shape_cast %get3A_1514 : vector<16xi32> to vector<16xi32>
      %add3A_1516 = arith.addi %get3A_1515, %mul3A_9 : vector<16xi32>
      %swap3A_1517 = arith.index_cast %add3A_1512 : i32 to index
      %swap3A_1518 = tpu.vector_load %arg5[%swap3A_1517] {strides = array<i32>} : memref<25600xi32, #tpu.memory_space<vmem>>, vector<16xi32>,
      %swap3A_1519 = vector.shape_cast %swap3A_1518 : vector<16xi32> to vector<16xi32>
      %swap3A_1520 = vector.shape_cast %add3A_1516 : vector<16xi32> to vector<16xi32>
      tpu.vector_store %arg5[%swap3A_1517], %swap3A_1520 {strides = array<i32>} : memref<25600xi32, #tpu.memory_space<vmem>>, vector<16xi32>,
      %mul3A_1521 = arith.constant 128 : i32
      %mul3A_1522 = arith.muli %add3A_1460, %mul3A_1521 : i32
      %add3A_1523 = arith.constant 80 : i32
      %add3A_1524 = arith.addi %mul3A_1522, %add3A_1523 : i32
      %get3A_1525 = arith.index_cast %add3A_1524 : i32 to index
      %get3A_1526 = tpu.vector_load %arg5[%get3A_1525] {strides = array<i32>} : memref<25600xi32, #tpu.memory_space<vmem>>, vector<16xi32>,
      %get3A_1527 = vector.shape_cast %get3A_1526 : vector<16xi32> to vector<16xi32>
      %add3A_1528 = arith.addi %get3A_1527, %mul3A_9 : vector<16xi32>
      %swap3A_1529 = arith.index_cast %add3A_1524 : i32 to index
      %swap3A_1530 = tpu.vector_load %arg5[%swap3A_1529] {strides = array<i32>} : memref<25600xi32, #tpu.memory_space<vmem>>, vector<16xi32>,
      %swap3A_1531 = vector.shape_cast %swap3A_1530 : vector<16xi32> to vector<16xi32>
      %swap3A_1532 = vector.shape_cast %add3A_1528 : vector<16xi32> to vector<16xi32>
      tpu.vector_store %arg5[%swap3A_1529], %swap3A_1532 {strides = array<i32>} : memref<25600xi32, #tpu.memory_space<vmem>>, vector<16xi32>,
      %mul3A_1533 = arith.constant 128 : i32
      %mul3A_1534 = arith.muli %add3A_1460, %mul3A_1533 : i32
      %add3A_1535 = arith.constant 96 : i32
      %add3A_1536 = arith.addi %mul3A_1534, %add3A_1535 : i32
      %get3A_1537 = arith.index_cast %add3A_1536 : i32 to index
      %get3A_1538 = tpu.vector_load %arg5[%get3A_1537] {strides = array<i32>} : memref<25600xi32, #tpu.memory_space<vmem>>, vector<16xi32>,
      %get3A_1539 = vector.shape_cast %get3A_1538 : vector<16xi32> to vector<16xi32>
      %add3A_1540 = arith.addi %get3A_1539, %mul3A_9 : vector<16xi32>
      %swap3A_1541 = arith.index_cast %add3A_1536 : i32 to index
      %swap3A_1542 = tpu.vector_load %arg5[%swap3A_1541] {strides = array<i32>} : memref<25600xi32, #tpu.memory_space<vmem>>, vector<16xi32>,
      %swap3A_1543 = vector.shape_cast %swap3A_1542 : vector<16xi32> to vector<16xi32>
      %swap3A_1544 = vector.shape_cast %add3A_1540 : vector<16xi32> to vector<16xi32>
      tpu.vector_store %arg5[%swap3A_1541], %swap3A_1544 {strides = array<i32>} : memref<25600xi32, #tpu.memory_space<vmem>>, vector<16xi32>,
      %mul3A_1545 = arith.constant 128 : i32
      %mul3A_1546 = arith.muli %add3A_1460, %mul3A_1545 : i32
      %add3A_1547 = arith.constant 112 : i32
      %add3A_1548 = arith.addi %mul3A_1546, %add3A_1547 : i32
      %get3A_1549 = arith.index_cast %add3A_1548 : i32 to index
      %get3A_1550 = tpu.vector_load %arg5[%get3A_1549] {strides = array<i32>} : memref<25600xi32, #tpu.memory_space<vmem>>, vector<16xi32>,
      %get3A_1551 = vector.shape_cast %get3A_1550 : vector<16xi32> to vector<16xi32>
      %add3A_1552 = arith.addi %get3A_1551, %mul3A_9 : vector<16xi32>
      %swap3A_1553 = arith.index_cast %add3A_1548 : i32 to index
      %swap3A_1554 = tpu.vector_load %arg5[%swap3A_1553] {strides = array<i32>} : memref<25600xi32, #tpu.memory_space<vmem>>, vector<16xi32>,
      %swap3A_1555 = vector.shape_cast %swap3A_1554 : vector<16xi32> to vector<16xi32>
      %swap3A_1556 = vector.shape_cast %add3A_1552 : vector<16xi32> to vector<16xi32>
      tpu.vector_store %arg5[%swap3A_1553], %swap3A_1556 {strides = array<i32>} : memref<25600xi32, #tpu.memory_space<vmem>>, vector<16xi32>,
      %mul3A_1557 = arith.constant 128 : i32
      %mul3A_1558 = arith.muli %add3A_1460, %mul3A_1557 : i32
      %dma_start3A_1559 = arith.constant 0 : i32
      %dma_start3A_1560 = arith.constant 0 : i32
      %dma_start3A_1561 = arith.constant 0 : i32
      %dma_start3A_1562 = tpu.memref_slice %arg6[%dma_start3A_1559, %dma_start3A_1560, %dma_start3A_1561] : memref<4x128x128xf32, #tpu.memory_space<vmem>> -> memref<1x128x128xf32, #tpu.memory_space<vmem>>
      %dma_start3A_1563 = tpu.memref_squeeze %dma_start3A_1562 : memref<1x128x128xf32, #tpu.memory_space<vmem>> -> memref<128x128xf32, #tpu.memory_space<vmem>>
      %dma_start3A_1564 = tpu.memref_slice %arg5[%mul3A_1558] : memref<25600xi32, #tpu.memory_space<vmem>> -> memref<128xi32, #tpu.memory_space<vmem>>
      %dma_start3A_1565 = arith.constant 0 : i32
      %dma_start3A_1566 = arith.constant 0 : i32
      %dma_start3A_1567 = tpu.memref_slice %arg7[%dma_start3A_1565, %dma_start3A_1566] : memref<384x128xf32, #tpu.memory_space<vmem_shared>> -> memref<384x128xf32, #tpu.memory_space<vmem_shared>>
      tpu.enqueue_indirect_dma source(%dma_start3A_1567 : memref<384x128xf32, #tpu.memory_space<vmem_shared>>) target(%dma_start3A_1563 : memref<128x128xf32, #tpu.memory_space<vmem>>) offsets(%dma_start3A_1564 : memref<128xi32, #tpu.memory_space<vmem>>) semaphore(%arg8 : memref<!tpu.dma_semaphore, #tpu.memory_space<semaphore_mem>>)
      %dma_wait3A_1568 = arith.constant 3 : i32
      %dma_wait3A_1569 = arith.constant 0 : i32
      %dma_wait3A_1570 = arith.constant 0 : i32
      %dma_wait3A_1571 = tpu.memref_slice %arg6[%dma_wait3A_1568, %dma_wait3A_1569, %dma_wait3A_1570] : memref<4x128x128xf32, #tpu.memory_space<vmem>> -> memref<1x128x128xf32, #tpu.memory_space<vmem>>
      %dma_wait3A_1572 = tpu.memref_squeeze %dma_wait3A_1571 : memref<1x128x128xf32, #tpu.memory_space<vmem>> -> memref<128x128xf32, #tpu.memory_space<vmem>>
      %dma_wait3A_1573 = arith.constant 0 : i32
      %dma_wait3A_1574 = arith.constant 0 : i32
      %dma_wait3A_1575 = tpu.memref_slice %arg4[%dma_wait3A_1573, %dma_wait3A_1574] : memref<819200x128xf32, #tpu.memory_space<hbm>> -> memref<128x128xf32, #tpu.memory_space<hbm>>
      %dma_wait3A_1576 = arith.constant 0 : i32
      %dma_wait3A_1577 = arith.constant 0 : i32
      %dma_wait3A_1578 = tpu.memref_slice %arg6[%dma_wait3A_1568, %dma_wait3A_1576, %dma_wait3A_1577] : memref<4x128x128xf32, #tpu.memory_space<vmem>> -> memref<1x128x128xf32, #tpu.memory_space<vmem>>
      %dma_wait3A_1579 = tpu.memref_squeeze %dma_wait3A_1578 : memref<1x128x128xf32, #tpu.memory_space<vmem>> -> memref<128x128xf32, #tpu.memory_space<vmem>>
      %dma_wait3A_1580 = arith.constant 0 : i32
      %dma_wait3A_1581 = arith.constant 0 : i32
      %dma_wait3A_1582 = tpu.memref_slice %arg4[%dma_wait3A_1580, %dma_wait3A_1581] : memref<819200x128xf32, #tpu.memory_space<hbm>> -> memref<128x128xf32, #tpu.memory_space<hbm>>
      tpu.wait_dma2 semaphore(%arg11 : memref<!tpu.dma_semaphore, #tpu.memory_space<semaphore_mem>>) src(%dma_wait3A_1582 : memref<128x128xf32, #tpu.memory_space<hbm>>) dst(%dma_wait3A_1579 : memref<128x128xf32, #tpu.memory_space<vmem>>)
      %mul3A_1583 = arith.constant 128 : i32
      %mul3A_1584 = arith.muli %add3A_1443, %mul3A_1583 : i32
      %add3A_1585 = arith.addi %mul3A_2, %mul3A_1584 : i32
      %dma_start3A_1586 = arith.constant 3 : i32
      %dma_start3A_1587 = arith.constant 0 : i32
      %dma_start3A_1588 = arith.constant 0 : i32
      %dma_start3A_1589 = tpu.memref_slice %arg6[%dma_start3A_1586, %dma_start3A_1587, %dma_start3A_1588] : memref<4x128x128xf32, #tpu.memory_space<vmem>> -> memref<1x128x128xf32, #tpu.memory_space<vmem>>
      %dma_start3A_1590 = tpu.memref_squeeze %dma_start3A_1589 : memref<1x128x128xf32, #tpu.memory_space<vmem>> -> memref<128x128xf32, #tpu.memory_space<vmem>>
      %dma_start3A_1591 = arith.constant 0 : i32
      %dma_start3A_1592 = tpu.memref_slice %arg4[%add3A_1585, %dma_start3A_1591] : memref<819200x128xf32, #tpu.memory_space<hbm>> -> memref<128x128xf32, #tpu.memory_space<hbm>>
      %dma_start3A_1593 = arith.constant 0 : i32
      %dma_start3A_1594 = tpu.memref_slice %arg4[%add3A_1585, %dma_start3A_1593] : memref<819200x128xf32, #tpu.memory_space<hbm>> -> memref<128x128xf32, #tpu.memory_space<hbm>>
      %dma_start3A_1595 = arith.constant 0 : i32
      %dma_start3A_1596 = arith.constant 0 : i32
      %dma_start3A_1597 = tpu.memref_slice %arg6[%dma_start3A_1586, %dma_start3A_1595, %dma_start3A_1596] : memref<4x128x128xf32, #tpu.memory_space<vmem>> -> memref<1x128x128xf32, #tpu.memory_space<vmem>>
      %dma_start3A_1598 = tpu.memref_squeeze %dma_start3A_1597 : memref<1x128x128xf32, #tpu.memory_space<vmem>> -> memref<128x128xf32, #tpu.memory_space<vmem>>
      tpu.enqueue_dma source(%dma_start3A_1598 : memref<128x128xf32, #tpu.memory_space<vmem>>) target(%dma_start3A_1594 : memref<128x128xf32, #tpu.memory_space<hbm>>) target_semaphore(%arg15 : memref<!tpu.dma_semaphore, #tpu.memory_space<semaphore_mem>>)
    }
    %scan3A_514 = arith.constant 48 : i32
    %dma_wait3A_515 = arith.constant 1 : i32
    %dma_wait3A_516 = arith.constant 0 : i32
    %dma_wait3A_517 = arith.constant 0 : i32
    %dma_wait3A_518 = tpu.memref_slice %arg6[%dma_wait3A_515, %dma_wait3A_516, %dma_wait3A_517] : memref<4x128x128xf32, #tpu.memory_space<vmem>> -> memref<1x128x128xf32, #tpu.memory_space<vmem>>
    %dma_wait3A_519 = tpu.memref_squeeze %dma_wait3A_518 : memref<1x128x128xf32, #tpu.memory_space<vmem>> -> memref<128x128xf32, #tpu.memory_space<vmem>>
    %dma_wait3A_520 = arith.constant 0 : i32
    %dma_wait3A_521 = arith.constant 0 : i32
    %dma_wait3A_522 = tpu.memref_slice %arg4[%dma_wait3A_520, %dma_wait3A_521] : memref<819200x128xf32, #tpu.memory_space<hbm>> -> memref<128x128xf32, #tpu.memory_space<hbm>>
    %dma_wait3A_523 = arith.constant 0 : i32
    %dma_wait3A_524 = arith.constant 0 : i32
    %dma_wait3A_525 = tpu.memref_slice %arg4[%dma_wait3A_523, %dma_wait3A_524] : memref<819200x128xf32, #tpu.memory_space<hbm>> -> memref<128x128xf32, #tpu.memory_space<hbm>>
    %dma_wait3A_526 = arith.constant 0 : i32
    %dma_wait3A_527 = arith.constant 0 : i32
    %dma_wait3A_528 = tpu.memref_slice %arg6[%dma_wait3A_515, %dma_wait3A_526, %dma_wait3A_527] : memref<4x128x128xf32, #tpu.memory_space<vmem>> -> memref<1x128x128xf32, #tpu.memory_space<vmem>>
    %dma_wait3A_529 = tpu.memref_squeeze %dma_wait3A_528 : memref<1x128x128xf32, #tpu.memory_space<vmem>> -> memref<128x128xf32, #tpu.memory_space<vmem>>
    tpu.wait_dma2 semaphore(%arg13 : memref<!tpu.dma_semaphore, #tpu.memory_space<semaphore_mem>>) src(%dma_wait3A_529 : memref<128x128xf32, #tpu.memory_space<vmem>>) dst(%dma_wait3A_525 : memref<128x128xf32, #tpu.memory_space<hbm>>)
    %get3A_530 = arith.constant 25216 : index
    %get3A_531 = tpu.vector_load %arg5[%get3A_530] {strides = array<i32>} : memref<25600xi32, #tpu.memory_space<vmem>>, vector<16xi32>,
    %get3A_532 = vector.shape_cast %get3A_531 : vector<16xi32> to vector<16xi32>
    %add3A_533 = arith.addi %get3A_532, %mul3A_9 : vector<16xi32>
    %swap3A_534 = arith.constant 25216 : index
    %swap3A_535 = tpu.vector_load %arg5[%swap3A_534] {strides = array<i32>} : memref<25600xi32, #tpu.memory_space<vmem>>, vector<16xi32>,
    %swap3A_536 = vector.shape_cast %swap3A_535 : vector<16xi32> to vector<16xi32>
    %swap3A_537 = vector.shape_cast %add3A_533 : vector<16xi32> to vector<16xi32>
    tpu.vector_store %arg5[%swap3A_534], %swap3A_537 {strides = array<i32>} : memref<25600xi32, #tpu.memory_space<vmem>>, vector<16xi32>,
    %get3A_538 = arith.constant 25232 : index
    %get3A_539 = tpu.vector_load %arg5[%get3A_538] {strides = array<i32>} : memref<25600xi32, #tpu.memory_space<vmem>>, vector<16xi32>,
    %get3A_540 = vector.shape_cast %get3A_539 : vector<16xi32> to vector<16xi32>
    %add3A_541 = arith.addi %get3A_540, %mul3A_9 : vector<16xi32>
    %swap3A_542 = arith.constant 25232 : index
    %swap3A_543 = tpu.vector_load %arg5[%swap3A_542] {strides = array<i32>} : memref<25600xi32, #tpu.memory_space<vmem>>, vector<16xi32>,
    %swap3A_544 = vector.shape_cast %swap3A_543 : vector<16xi32> to vector<16xi32>
    %swap3A_545 = vector.shape_cast %add3A_541 : vector<16xi32> to vector<16xi32>
    tpu.vector_store %arg5[%swap3A_542], %swap3A_545 {strides = array<i32>} : memref<25600xi32, #tpu.memory_space<vmem>>, vector<16xi32>,
    %get3A_546 = arith.constant 25248 : index
    %get3A_547 = tpu.vector_load %arg5[%get3A_546] {strides = array<i32>} : memref<25600xi32, #tpu.memory_space<vmem>>, vector<16xi32>,
    %get3A_548 = vector.shape_cast %get3A_547 : vector<16xi32> to vector<16xi32>
    %add3A_549 = arith.addi %get3A_548, %mul3A_9 : vector<16xi32>
    %swap3A_550 = arith.constant 25248 : index
    %swap3A_551 = tpu.vector_load %arg5[%swap3A_550] {strides = array<i32>} : memref<25600xi32, #tpu.memory_space<vmem>>, vector<16xi32>,
    %swap3A_552 = vector.shape_cast %swap3A_551 : vector<16xi32> to vector<16xi32>
    %swap3A_553 = vector.shape_cast %add3A_549 : vector<16xi32> to vector<16xi32>
    tpu.vector_store %arg5[%swap3A_550], %swap3A_553 {strides = array<i32>} : memref<25600xi32, #tpu.memory_space<vmem>>, vector<16xi32>,
    %get3A_554 = arith.constant 25264 : index
    %get3A_555 = tpu.vector_load %arg5[%get3A_554] {strides = array<i32>} : memref<25600xi32, #tpu.memory_space<vmem>>, vector<16xi32>,
    %get3A_556 = vector.shape_cast %get3A_555 : vector<16xi32> to vector<16xi32>
    %add3A_557 = arith.addi %get3A_556, %mul3A_9 : vector<16xi32>
    %swap3A_558 = arith.constant 25264 : index
    %swap3A_559 = tpu.vector_load %arg5[%swap3A_558] {strides = array<i32>} : memref<25600xi32, #tpu.memory_space<vmem>>, vector<16xi32>,
    %swap3A_560 = vector.shape_cast %swap3A_559 : vector<16xi32> to vector<16xi32>
    %swap3A_561 = vector.shape_cast %add3A_557 : vector<16xi32> to vector<16xi32>
    tpu.vector_store %arg5[%swap3A_558], %swap3A_561 {strides = array<i32>} : memref<25600xi32, #tpu.memory_space<vmem>>, vector<16xi32>,
    %get3A_562 = arith.constant 25280 : index
    %get3A_563 = tpu.vector_load %arg5[%get3A_562] {strides = array<i32>} : memref<25600xi32, #tpu.memory_space<vmem>>, vector<16xi32>,
    %get3A_564 = vector.shape_cast %get3A_563 : vector<16xi32> to vector<16xi32>
    %add3A_565 = arith.addi %get3A_564, %mul3A_9 : vector<16xi32>
    %swap3A_566 = arith.constant 25280 : index
    %swap3A_567 = tpu.vector_load %arg5[%swap3A_566] {strides = array<i32>} : memref<25600xi32, #tpu.memory_space<vmem>>, vector<16xi32>,
    %swap3A_568 = vector.shape_cast %swap3A_567 : vector<16xi32> to vector<16xi32>
    %swap3A_569 = vector.shape_cast %add3A_565 : vector<16xi32> to vector<16xi32>
    tpu.vector_store %arg5[%swap3A_566], %swap3A_569 {strides = array<i32>} : memref<25600xi32, #tpu.memory_space<vmem>>, vector<16xi32>,
    %get3A_570 = arith.constant 25296 : index
    %get3A_571 = tpu.vector_load %arg5[%get3A_570] {strides = array<i32>} : memref<25600xi32, #tpu.memory_space<vmem>>, vector<16xi32>,
    %get3A_572 = vector.shape_cast %get3A_571 : vector<16xi32> to vector<16xi32>
    %add3A_573 = arith.addi %get3A_572, %mul3A_9 : vector<16xi32>
    %swap3A_574 = arith.constant 25296 : index
    %swap3A_575 = tpu.vector_load %arg5[%swap3A_574] {strides = array<i32>} : memref<25600xi32, #tpu.memory_space<vmem>>, vector<16xi32>,
    %swap3A_576 = vector.shape_cast %swap3A_575 : vector<16xi32> to vector<16xi32>
    %swap3A_577 = vector.shape_cast %add3A_573 : vector<16xi32> to vector<16xi32>
    tpu.vector_store %arg5[%swap3A_574], %swap3A_577 {strides = array<i32>} : memref<25600xi32, #tpu.memory_space<vmem>>, vector<16xi32>,
    %get3A_578 = arith.constant 25312 : index
    %get3A_579 = tpu.vector_load %arg5[%get3A_578] {strides = array<i32>} : memref<25600xi32, #tpu.memory_space<vmem>>, vector<16xi32>,
    %get3A_580 = vector.shape_cast %get3A_579 : vector<16xi32> to vector<16xi32>
    %add3A_581 = arith.addi %get3A_580, %mul3A_9 : vector<16xi32>
    %swap3A_582 = arith.constant 25312 : index
    %swap3A_583 = tpu.vector_load %arg5[%swap3A_582] {strides = array<i32>} : memref<25600xi32, #tpu.memory_space<vmem>>, vector<16xi32>,
    %swap3A_584 = vector.shape_cast %swap3A_583 : vector<16xi32> to vector<16xi32>
    %swap3A_585 = vector.shape_cast %add3A_581 : vector<16xi32> to vector<16xi32>
    tpu.vector_store %arg5[%swap3A_582], %swap3A_585 {strides = array<i32>} : memref<25600xi32, #tpu.memory_space<vmem>>, vector<16xi32>,
    %get3A_586 = arith.constant 25328 : index
    %get3A_587 = tpu.vector_load %arg5[%get3A_586] {strides = array<i32>} : memref<25600xi32, #tpu.memory_space<vmem>>, vector<16xi32>,
    %get3A_588 = vector.shape_cast %get3A_587 : vector<16xi32> to vector<16xi32>
    %add3A_589 = arith.addi %get3A_588, %mul3A_9 : vector<16xi32>
    %swap3A_590 = arith.constant 25328 : index
    %swap3A_591 = tpu.vector_load %arg5[%swap3A_590] {strides = array<i32>} : memref<25600xi32, #tpu.memory_space<vmem>>, vector<16xi32>,
    %swap3A_592 = vector.shape_cast %swap3A_591 : vector<16xi32> to vector<16xi32>
    %swap3A_593 = vector.shape_cast %add3A_589 : vector<16xi32> to vector<16xi32>
    tpu.vector_store %arg5[%swap3A_590], %swap3A_593 {strides = array<i32>} : memref<25600xi32, #tpu.memory_space<vmem>>, vector<16xi32>,
    %dma_start3A_594 = arith.constant 1 : i32
    %dma_start3A_595 = arith.constant 0 : i32
    %dma_start3A_596 = arith.constant 0 : i32
    %dma_start3A_597 = tpu.memref_slice %arg6[%dma_start3A_594, %dma_start3A_595, %dma_start3A_596] : memref<4x128x128xf32, #tpu.memory_space<vmem>> -> memref<1x128x128xf32, #tpu.memory_space<vmem>>
    %dma_start3A_598 = tpu.memref_squeeze %dma_start3A_597 : memref<1x128x128xf32, #tpu.memory_space<vmem>> -> memref<128x128xf32, #tpu.memory_space<vmem>>
    %dma_start3A_599 = arith.constant 25216 : i32
    %dma_start3A_600 = tpu.memref_slice %arg5[%dma_start3A_599] : memref<25600xi32, #tpu.memory_space<vmem>> -> memref<128xi32, #tpu.memory_space<vmem>>
    %dma_start3A_601 = arith.constant 0 : i32
    %dma_start3A_602 = arith.constant 0 : i32
    %dma_start3A_603 = tpu.memref_slice %arg7[%dma_start3A_601, %dma_start3A_602] : memref<384x128xf32, #tpu.memory_space<vmem_shared>> -> memref<384x128xf32, #tpu.memory_space<vmem_shared>>
    tpu.enqueue_indirect_dma source(%dma_start3A_603 : memref<384x128xf32, #tpu.memory_space<vmem_shared>>) target(%dma_start3A_598 : memref<128x128xf32, #tpu.memory_space<vmem>>) offsets(%dma_start3A_600 : memref<128xi32, #tpu.memory_space<vmem>>) semaphore(%arg9 : memref<!tpu.dma_semaphore, #tpu.memory_space<semaphore_mem>>)
    %dma_wait3A_604 = arith.constant 0 : i32
    %dma_wait3A_605 = arith.constant 0 : i32
    %dma_wait3A_606 = arith.constant 0 : i32
    %dma_wait3A_607 = tpu.memref_slice %arg6[%dma_wait3A_604, %dma_wait3A_605, %dma_wait3A_606] : memref<4x128x128xf32, #tpu.memory_space<vmem>> -> memref<1x128x128xf32, #tpu.memory_space<vmem>>
    %dma_wait3A_608 = tpu.memref_squeeze %dma_wait3A_607 : memref<1x128x128xf32, #tpu.memory_space<vmem>> -> memref<128x128xf32, #tpu.memory_space<vmem>>
    %dma_wait3A_609 = arith.constant 0 : i32
    %dma_wait3A_610 = arith.constant 0 : i32
    %dma_wait3A_611 = tpu.memref_slice %arg4[%dma_wait3A_609, %dma_wait3A_610] : memref<819200x128xf32, #tpu.memory_space<hbm>> -> memref<128x128xf32, #tpu.memory_space<hbm>>
    %dma_wait3A_612 = arith.constant 0 : i32
    %dma_wait3A_613 = arith.constant 0 : i32
    %dma_wait3A_614 = tpu.memref_slice %arg6[%dma_wait3A_604, %dma_wait3A_612, %dma_wait3A_613] : memref<4x128x128xf32, #tpu.memory_space<vmem>> -> memref<1x128x128xf32, #tpu.memory_space<vmem>>
    %dma_wait3A_615 = tpu.memref_squeeze %dma_wait3A_614 : memref<1x128x128xf32, #tpu.memory_space<vmem>> -> memref<128x128xf32, #tpu.memory_space<vmem>>
    %dma_wait3A_616 = arith.constant 0 : i32
    %dma_wait3A_617 = arith.constant 0 : i32
    %dma_wait3A_618 = tpu.memref_slice %arg4[%dma_wait3A_616, %dma_wait3A_617] : memref<819200x128xf32, #tpu.memory_space<hbm>> -> memref<128x128xf32, #tpu.memory_space<hbm>>
    tpu.wait_dma2 semaphore(%arg8 : memref<!tpu.dma_semaphore, #tpu.memory_space<semaphore_mem>>) src(%dma_wait3A_618 : memref<128x128xf32, #tpu.memory_space<hbm>>) dst(%dma_wait3A_615 : memref<128x128xf32, #tpu.memory_space<vmem>>)
    %add3A_619 = arith.constant 25088 : i32
    %add3A_620 = arith.addi %mul3A_2, %add3A_619 : i32
    %dma_start3A_621 = arith.constant 0 : i32
    %dma_start3A_622 = arith.constant 0 : i32
    %dma_start3A_623 = arith.constant 0 : i32
    %dma_start3A_624 = tpu.memref_slice %arg6[%dma_start3A_621, %dma_start3A_622, %dma_start3A_623] : memref<4x128x128xf32, #tpu.memory_space<vmem>> -> memref<1x128x128xf32, #tpu.memory_space<vmem>>
    %dma_start3A_625 = tpu.memref_squeeze %dma_start3A_624 : memref<1x128x128xf32, #tpu.memory_space<vmem>> -> memref<128x128xf32, #tpu.memory_space<vmem>>
    %dma_start3A_626 = arith.constant 0 : i32
    %dma_start3A_627 = tpu.memref_slice %arg4[%add3A_620, %dma_start3A_626] : memref<819200x128xf32, #tpu.memory_space<hbm>> -> memref<128x128xf32, #tpu.memory_space<hbm>>
    %dma_start3A_628 = arith.constant 0 : i32
    %dma_start3A_629 = tpu.memref_slice %arg4[%add3A_620, %dma_start3A_628] : memref<819200x128xf32, #tpu.memory_space<hbm>> -> memref<128x128xf32, #tpu.memory_space<hbm>>
    %dma_start3A_630 = arith.constant 0 : i32
    %dma_start3A_631 = arith.constant 0 : i32
    %dma_start3A_632 = tpu.memref_slice %arg6[%dma_start3A_621, %dma_start3A_630, %dma_start3A_631] : memref<4x128x128xf32, #tpu.memory_space<vmem>> -> memref<1x128x128xf32, #tpu.memory_space<vmem>>
    %dma_start3A_633 = tpu.memref_squeeze %dma_start3A_632 : memref<1x128x128xf32, #tpu.memory_space<vmem>> -> memref<128x128xf32, #tpu.memory_space<vmem>>
    tpu.enqueue_dma source(%dma_start3A_633 : memref<128x128xf32, #tpu.memory_space<vmem>>) target(%dma_start3A_629 : memref<128x128xf32, #tpu.memory_space<hbm>>) target_semaphore(%arg12 : memref<!tpu.dma_semaphore, #tpu.memory_space<semaphore_mem>>)
    %dma_wait3A_634 = arith.constant 2 : i32
    %dma_wait3A_635 = arith.constant 0 : i32
    %dma_wait3A_636 = arith.constant 0 : i32
    %dma_wait3A_637 = tpu.memref_slice %arg6[%dma_wait3A_634, %dma_wait3A_635, %dma_wait3A_636] : memref<4x128x128xf32, #tpu.memory_space<vmem>> -> memref<1x128x128xf32, #tpu.memory_space<vmem>>
    %dma_wait3A_638 = tpu.memref_squeeze %dma_wait3A_637 : memref<1x128x128xf32, #tpu.memory_space<vmem>> -> memref<128x128xf32, #tpu.memory_space<vmem>>
    %dma_wait3A_639 = arith.constant 0 : i32
    %dma_wait3A_640 = arith.constant 0 : i32
    %dma_wait3A_641 = tpu.memref_slice %arg4[%dma_wait3A_639, %dma_wait3A_640] : memref<819200x128xf32, #tpu.memory_space<hbm>> -> memref<128x128xf32, #tpu.memory_space<hbm>>
    %dma_wait3A_642 = arith.constant 0 : i32
    %dma_wait3A_643 = arith.constant 0 : i32
    %dma_wait3A_644 = tpu.memref_slice %arg4[%dma_wait3A_642, %dma_wait3A_643] : memref<819200x128xf32, #tpu.memory_space<hbm>> -> memref<128x128xf32, #tpu.memory_space<hbm>>
    %dma_wait3A_645 = arith.constant 0 : i32
    %dma_wait3A_646 = arith.constant 0 : i32
    %dma_wait3A_647 = tpu.memref_slice %arg6[%dma_wait3A_634, %dma_wait3A_645, %dma_wait3A_646] : memref<4x128x128xf32, #tpu.memory_space<vmem>> -> memref<1x128x128xf32, #tpu.memory_space<vmem>>
    %dma_wait3A_648 = tpu.memref_squeeze %dma_wait3A_647 : memref<1x128x128xf32, #tpu.memory_space<vmem>> -> memref<128x128xf32, #tpu.memory_space<vmem>>
    tpu.wait_dma2 semaphore(%arg14 : memref<!tpu.dma_semaphore, #tpu.memory_space<semaphore_mem>>) src(%dma_wait3A_648 : memref<128x128xf32, #tpu.memory_space<vmem>>) dst(%dma_wait3A_644 : memref<128x128xf32, #tpu.memory_space<hbm>>)
    %get3A_649 = arith.constant 25344 : index
    %get3A_650 = tpu.vector_load %arg5[%get3A_649] {strides = array<i32>} : memref<25600xi32, #tpu.memory_space<vmem>>, vector<16xi32>,
    %get3A_651 = vector.shape_cast %get3A_650 : vector<16xi32> to vector<16xi32>
    %add3A_652 = arith.addi %get3A_651, %mul3A_9 : vector<16xi32>
    %swap3A_653 = arith.constant 25344 : index
    %swap3A_654 = tpu.vector_load %arg5[%swap3A_653] {strides = array<i32>} : memref<25600xi32, #tpu.memory_space<vmem>>, vector<16xi32>,
    %swap3A_655 = vector.shape_cast %swap3A_654 : vector<16xi32> to vector<16xi32>
    %swap3A_656 = vector.shape_cast %add3A_652 : vector<16xi32> to vector<16xi32>
    tpu.vector_store %arg5[%swap3A_653], %swap3A_656 {strides = array<i32>} : memref<25600xi32, #tpu.memory_space<vmem>>, vector<16xi32>,
    %get3A_657 = arith.constant 25360 : index
    %get3A_658 = tpu.vector_load %arg5[%get3A_657] {strides = array<i32>} : memref<25600xi32, #tpu.memory_space<vmem>>, vector<16xi32>,
    %get3A_659 = vector.shape_cast %get3A_658 : vector<16xi32> to vector<16xi32>
    %add3A_660 = arith.addi %get3A_659, %mul3A_9 : vector<16xi32>
    %swap3A_661 = arith.constant 25360 : index
    %swap3A_662 = tpu.vector_load %arg5[%swap3A_661] {strides = array<i32>} : memref<25600xi32, #tpu.memory_space<vmem>>, vector<16xi32>,
    %swap3A_663 = vector.shape_cast %swap3A_662 : vector<16xi32> to vector<16xi32>
    %swap3A_664 = vector.shape_cast %add3A_660 : vector<16xi32> to vector<16xi32>
    tpu.vector_store %arg5[%swap3A_661], %swap3A_664 {strides = array<i32>} : memref<25600xi32, #tpu.memory_space<vmem>>, vector<16xi32>,
    %get3A_665 = arith.constant 25376 : index
    %get3A_666 = tpu.vector_load %arg5[%get3A_665] {strides = array<i32>} : memref<25600xi32, #tpu.memory_space<vmem>>, vector<16xi32>,
    %get3A_667 = vector.shape_cast %get3A_666 : vector<16xi32> to vector<16xi32>
    %add3A_668 = arith.addi %get3A_667, %mul3A_9 : vector<16xi32>
    %swap3A_669 = arith.constant 25376 : index
    %swap3A_670 = tpu.vector_load %arg5[%swap3A_669] {strides = array<i32>} : memref<25600xi32, #tpu.memory_space<vmem>>, vector<16xi32>,
    %swap3A_671 = vector.shape_cast %swap3A_670 : vector<16xi32> to vector<16xi32>
    %swap3A_672 = vector.shape_cast %add3A_668 : vector<16xi32> to vector<16xi32>
    tpu.vector_store %arg5[%swap3A_669], %swap3A_672 {strides = array<i32>} : memref<25600xi32, #tpu.memory_space<vmem>>, vector<16xi32>,
    %get3A_673 = arith.constant 25392 : index
    %get3A_674 = tpu.vector_load %arg5[%get3A_673] {strides = array<i32>} : memref<25600xi32, #tpu.memory_space<vmem>>, vector<16xi32>,
    %get3A_675 = vector.shape_cast %get3A_674 : vector<16xi32> to vector<16xi32>
    %add3A_676 = arith.addi %get3A_675, %mul3A_9 : vector<16xi32>
    %swap3A_677 = arith.constant 25392 : index
    %swap3A_678 = tpu.vector_load %arg5[%swap3A_677] {strides = array<i32>} : memref<25600xi32, #tpu.memory_space<vmem>>, vector<16xi32>,
    %swap3A_679 = vector.shape_cast %swap3A_678 : vector<16xi32> to vector<16xi32>
    %swap3A_680 = vector.shape_cast %add3A_676 : vector<16xi32> to vector<16xi32>
    tpu.vector_store %arg5[%swap3A_677], %swap3A_680 {strides = array<i32>} : memref<25600xi32, #tpu.memory_space<vmem>>, vector<16xi32>,
    %get3A_681 = arith.constant 25408 : index
    %get3A_682 = tpu.vector_load %arg5[%get3A_681] {strides = array<i32>} : memref<25600xi32, #tpu.memory_space<vmem>>, vector<16xi32>,
    %get3A_683 = vector.shape_cast %get3A_682 : vector<16xi32> to vector<16xi32>
    %add3A_684 = arith.addi %get3A_683, %mul3A_9 : vector<16xi32>
    %swap3A_685 = arith.constant 25408 : index
    %swap3A_686 = tpu.vector_load %arg5[%swap3A_685] {strides = array<i32>} : memref<25600xi32, #tpu.memory_space<vmem>>, vector<16xi32>,
    %swap3A_687 = vector.shape_cast %swap3A_686 : vector<16xi32> to vector<16xi32>
    %swap3A_688 = vector.shape_cast %add3A_684 : vector<16xi32> to vector<16xi32>
    tpu.vector_store %arg5[%swap3A_685], %swap3A_688 {strides = array<i32>} : memref<25600xi32, #tpu.memory_space<vmem>>, vector<16xi32>,
    %get3A_689 = arith.constant 25424 : index
    %get3A_690 = tpu.vector_load %arg5[%get3A_689] {strides = array<i32>} : memref<25600xi32, #tpu.memory_space<vmem>>, vector<16xi32>,
    %get3A_691 = vector.shape_cast %get3A_690 : vector<16xi32> to vector<16xi32>
    %add3A_692 = arith.addi %get3A_691, %mul3A_9 : vector<16xi32>
    %swap3A_693 = arith.constant 25424 : index
    %swap3A_694 = tpu.vector_load %arg5[%swap3A_693] {strides = array<i32>} : memref<25600xi32, #tpu.memory_space<vmem>>, vector<16xi32>,
    %swap3A_695 = vector.shape_cast %swap3A_694 : vector<16xi32> to vector<16xi32>
    %swap3A_696 = vector.shape_cast %add3A_692 : vector<16xi32> to vector<16xi32>
    tpu.vector_store %arg5[%swap3A_693], %swap3A_696 {strides = array<i32>} : memref<25600xi32, #tpu.memory_space<vmem>>, vector<16xi32>,
    %get3A_697 = arith.constant 25440 : index
    %get3A_698 = tpu.vector_load %arg5[%get3A_697] {strides = array<i32>} : memref<25600xi32, #tpu.memory_space<vmem>>, vector<16xi32>,
    %get3A_699 = vector.shape_cast %get3A_698 : vector<16xi32> to vector<16xi32>
    %add3A_700 = arith.addi %get3A_699, %mul3A_9 : vector<16xi32>
    %swap3A_701 = arith.constant 25440 : index
    %swap3A_702 = tpu.vector_load %arg5[%swap3A_701] {strides = array<i32>} : memref<25600xi32, #tpu.memory_space<vmem>>, vector<16xi32>,
    %swap3A_703 = vector.shape_cast %swap3A_702 : vector<16xi32> to vector<16xi32>
    %swap3A_704 = vector.shape_cast %add3A_700 : vector<16xi32> to vector<16xi32>
    tpu.vector_store %arg5[%swap3A_701], %swap3A_704 {strides = array<i32>} : memref<25600xi32, #tpu.memory_space<vmem>>, vector<16xi32>,
    %get3A_705 = arith.constant 25456 : index
    %get3A_706 = tpu.vector_load %arg5[%get3A_705] {strides = array<i32>} : memref<25600xi32, #tpu.memory_space<vmem>>, vector<16xi32>,
    %get3A_707 = vector.shape_cast %get3A_706 : vector<16xi32> to vector<16xi32>
    %add3A_708 = arith.addi %get3A_707, %mul3A_9 : vector<16xi32>
    %swap3A_709 = arith.constant 25456 : index
    %swap3A_710 = tpu.vector_load %arg5[%swap3A_709] {strides = array<i32>} : memref<25600xi32, #tpu.memory_space<vmem>>, vector<16xi32>,
    %swap3A_711 = vector.shape_cast %swap3A_710 : vector<16xi32> to vector<16xi32>
    %swap3A_712 = vector.shape_cast %add3A_708 : vector<16xi32> to vector<16xi32>
    tpu.vector_store %arg5[%swap3A_709], %swap3A_712 {strides = array<i32>} : memref<25600xi32, #tpu.memory_space<vmem>>, vector<16xi32>,
    %dma_start3A_713 = arith.constant 2 : i32
    %dma_start3A_714 = arith.constant 0 : i32
    %dma_start3A_715 = arith.constant 0 : i32
    %dma_start3A_716 = tpu.memref_slice %arg6[%dma_start3A_713, %dma_start3A_714, %dma_start3A_715] : memref<4x128x128xf32, #tpu.memory_space<vmem>> -> memref<1x128x128xf32, #tpu.memory_space<vmem>>
    %dma_start3A_717 = tpu.memref_squeeze %dma_start3A_716 : memref<1x128x128xf32, #tpu.memory_space<vmem>> -> memref<128x128xf32, #tpu.memory_space<vmem>>
    %dma_start3A_718 = arith.constant 25344 : i32
    %dma_start3A_719 = tpu.memref_slice %arg5[%dma_start3A_718] : memref<25600xi32, #tpu.memory_space<vmem>> -> memref<128xi32, #tpu.memory_space<vmem>>
    %dma_start3A_720 = arith.constant 0 : i32
    %dma_start3A_721 = arith.constant 0 : i32
    %dma_start3A_722 = tpu.memref_slice %arg7[%dma_start3A_720, %dma_start3A_721] : memref<384x128xf32, #tpu.memory_space<vmem_shared>> -> memref<384x128xf32, #tpu.memory_space<vmem_shared>>
    tpu.enqueue_indirect_dma source(%dma_start3A_722 : memref<384x128xf32, #tpu.memory_space<vmem_shared>>) target(%dma_start3A_717 : memref<128x128xf32, #tpu.memory_space<vmem>>) offsets(%dma_start3A_719 : memref<128xi32, #tpu.memory_space<vmem>>) semaphore(%arg10 : memref<!tpu.dma_semaphore, #tpu.memory_space<semaphore_mem>>)
    %dma_wait3A_723 = arith.constant 1 : i32
    %dma_wait3A_724 = arith.constant 0 : i32
    %dma_wait3A_725 = arith.constant 0 : i32
    %dma_wait3A_726 = tpu.memref_slice %arg6[%dma_wait3A_723, %dma_wait3A_724, %dma_wait3A_725] : memref<4x128x128xf32, #tpu.memory_space<vmem>> -> memref<1x128x128xf32, #tpu.memory_space<vmem>>
    %dma_wait3A_727 = tpu.memref_squeeze %dma_wait3A_726 : memref<1x128x128xf32, #tpu.memory_space<vmem>> -> memref<128x128xf32, #tpu.memory_space<vmem>>
    %dma_wait3A_728 = arith.constant 0 : i32
    %dma_wait3A_729 = arith.constant 0 : i32
    %dma_wait3A_730 = tpu.memref_slice %arg4[%dma_wait3A_728, %dma_wait3A_729] : memref<819200x128xf32, #tpu.memory_space<hbm>> -> memref<128x128xf32, #tpu.memory_space<hbm>>
    %dma_wait3A_731 = arith.constant 0 : i32
    %dma_wait3A_732 = arith.constant 0 : i32
    %dma_wait3A_733 = tpu.memref_slice %arg6[%dma_wait3A_723, %dma_wait3A_731, %dma_wait3A_732] : memref<4x128x128xf32, #tpu.memory_space<vmem>> -> memref<1x128x128xf32, #tpu.memory_space<vmem>>
    %dma_wait3A_734 = tpu.memref_squeeze %dma_wait3A_733 : memref<1x128x128xf32, #tpu.memory_space<vmem>> -> memref<128x128xf32, #tpu.memory_space<vmem>>
    %dma_wait3A_735 = arith.constant 0 : i32
    %dma_wait3A_736 = arith.constant 0 : i32
    %dma_wait3A_737 = tpu.memref_slice %arg4[%dma_wait3A_735, %dma_wait3A_736] : memref<819200x128xf32, #tpu.memory_space<hbm>> -> memref<128x128xf32, #tpu.memory_space<hbm>>
    tpu.wait_dma2 semaphore(%arg9 : memref<!tpu.dma_semaphore, #tpu.memory_space<semaphore_mem>>) src(%dma_wait3A_737 : memref<128x128xf32, #tpu.memory_space<hbm>>) dst(%dma_wait3A_734 : memref<128x128xf32, #tpu.memory_space<vmem>>)
    %add3A_738 = arith.constant 25216 : i32
    %add3A_739 = arith.addi %mul3A_2, %add3A_738 : i32
    %dma_start3A_740 = arith.constant 1 : i32
    %dma_start3A_741 = arith.constant 0 : i32
    %dma_start3A_742 = arith.constant 0 : i32
    %dma_start3A_743 = tpu.memref_slice %arg6[%dma_start3A_740, %dma_start3A_741, %dma_start3A_742] : memref<4x128x128xf32, #tpu.memory_space<vmem>> -> memref<1x128x128xf32, #tpu.memory_space<vmem>>
    %dma_start3A_744 = tpu.memref_squeeze %dma_start3A_743 : memref<1x128x128xf32, #tpu.memory_space<vmem>> -> memref<128x128xf32, #tpu.memory_space<vmem>>
    %dma_start3A_745 = arith.constant 0 : i32
    %dma_start3A_746 = tpu.memref_slice %arg4[%add3A_739, %dma_start3A_745] : memref<819200x128xf32, #tpu.memory_space<hbm>> -> memref<128x128xf32, #tpu.memory_space<hbm>>
    %dma_start3A_747 = arith.constant 0 : i32
    %dma_start3A_748 = tpu.memref_slice %arg4[%add3A_739, %dma_start3A_747] : memref<819200x128xf32, #tpu.memory_space<hbm>> -> memref<128x128xf32, #tpu.memory_space<hbm>>
    %dma_start3A_749 = arith.constant 0 : i32
    %dma_start3A_750 = arith.constant 0 : i32
    %dma_start3A_751 = tpu.memref_slice %arg6[%dma_start3A_740, %dma_start3A_749, %dma_start3A_750] : memref<4x128x128xf32, #tpu.memory_space<vmem>> -> memref<1x128x128xf32, #tpu.memory_space<vmem>>
    %dma_start3A_752 = tpu.memref_squeeze %dma_start3A_751 : memref<1x128x128xf32, #tpu.memory_space<vmem>> -> memref<128x128xf32, #tpu.memory_space<vmem>>
    tpu.enqueue_dma source(%dma_start3A_752 : memref<128x128xf32, #tpu.memory_space<vmem>>) target(%dma_start3A_748 : memref<128x128xf32, #tpu.memory_space<hbm>>) target_semaphore(%arg13 : memref<!tpu.dma_semaphore, #tpu.memory_space<semaphore_mem>>)
    %dma_wait3A_753 = arith.constant 3 : i32
    %dma_wait3A_754 = arith.constant 0 : i32
    %dma_wait3A_755 = arith.constant 0 : i32
    %dma_wait3A_756 = tpu.memref_slice %arg6[%dma_wait3A_753, %dma_wait3A_754, %dma_wait3A_755] : memref<4x128x128xf32, #tpu.memory_space<vmem>> -> memref<1x128x128xf32, #tpu.memory_space<vmem>>
    %dma_wait3A_757 = tpu.memref_squeeze %dma_wait3A_756 : memref<1x128x128xf32, #tpu.memory_space<vmem>> -> memref<128x128xf32, #tpu.memory_space<vmem>>
    %dma_wait3A_758 = arith.constant 0 : i32
    %dma_wait3A_759 = arith.constant 0 : i32
    %dma_wait3A_760 = tpu.memref_slice %arg4[%dma_wait3A_758, %dma_wait3A_759] : memref<819200x128xf32, #tpu.memory_space<hbm>> -> memref<128x128xf32, #tpu.memory_space<hbm>>
    %dma_wait3A_761 = arith.constant 0 : i32
    %dma_wait3A_762 = arith.constant 0 : i32
    %dma_wait3A_763 = tpu.memref_slice %arg4[%dma_wait3A_761, %dma_wait3A_762] : memref<819200x128xf32, #tpu.memory_space<hbm>> -> memref<128x128xf32, #tpu.memory_space<hbm>>
    %dma_wait3A_764 = arith.constant 0 : i32
    %dma_wait3A_765 = arith.constant 0 : i32
    %dma_wait3A_766 = tpu.memref_slice %arg6[%dma_wait3A_753, %dma_wait3A_764, %dma_wait3A_765] : memref<4x128x128xf32, #tpu.memory_space<vmem>> -> memref<1x128x128xf32, #tpu.memory_space<vmem>>
    %dma_wait3A_767 = tpu.memref_squeeze %dma_wait3A_766 : memref<1x128x128xf32, #tpu.memory_space<vmem>> -> memref<128x128xf32, #tpu.memory_space<vmem>>
    tpu.wait_dma2 semaphore(%arg15 : memref<!tpu.dma_semaphore, #tpu.memory_space<semaphore_mem>>) src(%dma_wait3A_767 : memref<128x128xf32, #tpu.memory_space<vmem>>) dst(%dma_wait3A_763 : memref<128x128xf32, #tpu.memory_space<hbm>>)
    %get3A_768 = arith.constant 25472 : index
    %get3A_769 = tpu.vector_load %arg5[%get3A_768] {strides = array<i32>} : memref<25600xi32, #tpu.memory_space<vmem>>, vector<16xi32>,
    %get3A_770 = vector.shape_cast %get3A_769 : vector<16xi32> to vector<16xi32>
    %add3A_771 = arith.addi %get3A_770, %mul3A_9 : vector<16xi32>
    %swap3A_772 = arith.constant 25472 : index
    %swap3A_773 = tpu.vector_load %arg5[%swap3A_772] {strides = array<i32>} : memref<25600xi32, #tpu.memory_space<vmem>>, vector<16xi32>,
    %swap3A_774 = vector.shape_cast %swap3A_773 : vector<16xi32> to vector<16xi32>
    %swap3A_775 = vector.shape_cast %add3A_771 : vector<16xi32> to vector<16xi32>
    tpu.vector_store %arg5[%swap3A_772], %swap3A_775 {strides = array<i32>} : memref<25600xi32, #tpu.memory_space<vmem>>, vector<16xi32>,
    %get3A_776 = arith.constant 25488 : index
    %get3A_777 = tpu.vector_load %arg5[%get3A_776] {strides = array<i32>} : memref<25600xi32, #tpu.memory_space<vmem>>, vector<16xi32>,
    %get3A_778 = vector.shape_cast %get3A_777 : vector<16xi32> to vector<16xi32>
    %add3A_779 = arith.addi %get3A_778, %mul3A_9 : vector<16xi32>
    %swap3A_780 = arith.constant 25488 : index
    %swap3A_781 = tpu.vector_load %arg5[%swap3A_780] {strides = array<i32>} : memref<25600xi32, #tpu.memory_space<vmem>>, vector<16xi32>,
    %swap3A_782 = vector.shape_cast %swap3A_781 : vector<16xi32> to vector<16xi32>
    %swap3A_783 = vector.shape_cast %add3A_779 : vector<16xi32> to vector<16xi32>
    tpu.vector_store %arg5[%swap3A_780], %swap3A_783 {strides = array<i32>} : memref<25600xi32, #tpu.memory_space<vmem>>, vector<16xi32>,
    %get3A_784 = arith.constant 25504 : index
    %get3A_785 = tpu.vector_load %arg5[%get3A_784] {strides = array<i32>} : memref<25600xi32, #tpu.memory_space<vmem>>, vector<16xi32>,
    %get3A_786 = vector.shape_cast %get3A_785 : vector<16xi32> to vector<16xi32>
    %add3A_787 = arith.addi %get3A_786, %mul3A_9 : vector<16xi32>
    %swap3A_788 = arith.constant 25504 : index
    %swap3A_789 = tpu.vector_load %arg5[%swap3A_788] {strides = array<i32>} : memref<25600xi32, #tpu.memory_space<vmem>>, vector<16xi32>,
    %swap3A_790 = vector.shape_cast %swap3A_789 : vector<16xi32> to vector<16xi32>
    %swap3A_791 = vector.shape_cast %add3A_787 : vector<16xi32> to vector<16xi32>
    tpu.vector_store %arg5[%swap3A_788], %swap3A_791 {strides = array<i32>} : memref<25600xi32, #tpu.memory_space<vmem>>, vector<16xi32>,
    %get3A_792 = arith.constant 25520 : index
    %get3A_793 = tpu.vector_load %arg5[%get3A_792] {strides = array<i32>} : memref<25600xi32, #tpu.memory_space<vmem>>, vector<16xi32>,
    %get3A_794 = vector.shape_cast %get3A_793 : vector<16xi32> to vector<16xi32>
    %add3A_795 = arith.addi %get3A_794, %mul3A_9 : vector<16xi32>
    %swap3A_796 = arith.constant 25520 : index
    %swap3A_797 = tpu.vector_load %arg5[%swap3A_796] {strides = array<i32>} : memref<25600xi32, #tpu.memory_space<vmem>>, vector<16xi32>,
    %swap3A_798 = vector.shape_cast %swap3A_797 : vector<16xi32> to vector<16xi32>
    %swap3A_799 = vector.shape_cast %add3A_795 : vector<16xi32> to vector<16xi32>
    tpu.vector_store %arg5[%swap3A_796], %swap3A_799 {strides = array<i32>} : memref<25600xi32, #tpu.memory_space<vmem>>, vector<16xi32>,
    %get3A_800 = arith.constant 25536 : index
    %get3A_801 = tpu.vector_load %arg5[%get3A_800] {strides = array<i32>} : memref<25600xi32, #tpu.memory_space<vmem>>, vector<16xi32>,
    %get3A_802 = vector.shape_cast %get3A_801 : vector<16xi32> to vector<16xi32>
    %add3A_803 = arith.addi %get3A_802, %mul3A_9 : vector<16xi32>
    %swap3A_804 = arith.constant 25536 : index
    %swap3A_805 = tpu.vector_load %arg5[%swap3A_804] {strides = array<i32>} : memref<25600xi32, #tpu.memory_space<vmem>>, vector<16xi32>,
    %swap3A_806 = vector.shape_cast %swap3A_805 : vector<16xi32> to vector<16xi32>
    %swap3A_807 = vector.shape_cast %add3A_803 : vector<16xi32> to vector<16xi32>
    tpu.vector_store %arg5[%swap3A_804], %swap3A_807 {strides = array<i32>} : memref<25600xi32, #tpu.memory_space<vmem>>, vector<16xi32>,
    %get3A_808 = arith.constant 25552 : index
    %get3A_809 = tpu.vector_load %arg5[%get3A_808] {strides = array<i32>} : memref<25600xi32, #tpu.memory_space<vmem>>, vector<16xi32>,
    %get3A_810 = vector.shape_cast %get3A_809 : vector<16xi32> to vector<16xi32>
    %add3A_811 = arith.addi %get3A_810, %mul3A_9 : vector<16xi32>
    %swap3A_812 = arith.constant 25552 : index
    %swap3A_813 = tpu.vector_load %arg5[%swap3A_812] {strides = array<i32>} : memref<25600xi32, #tpu.memory_space<vmem>>, vector<16xi32>,
    %swap3A_814 = vector.shape_cast %swap3A_813 : vector<16xi32> to vector<16xi32>
    %swap3A_815 = vector.shape_cast %add3A_811 : vector<16xi32> to vector<16xi32>
    tpu.vector_store %arg5[%swap3A_812], %swap3A_815 {strides = array<i32>} : memref<25600xi32, #tpu.memory_space<vmem>>, vector<16xi32>,
    %get3A_816 = arith.constant 25568 : index
    %get3A_817 = tpu.vector_load %arg5[%get3A_816] {strides = array<i32>} : memref<25600xi32, #tpu.memory_space<vmem>>, vector<16xi32>,
    %get3A_818 = vector.shape_cast %get3A_817 : vector<16xi32> to vector<16xi32>
    %add3A_819 = arith.addi %get3A_818, %mul3A_9 : vector<16xi32>
    %swap3A_820 = arith.constant 25568 : index
    %swap3A_821 = tpu.vector_load %arg5[%swap3A_820] {strides = array<i32>} : memref<25600xi32, #tpu.memory_space<vmem>>, vector<16xi32>,
    %swap3A_822 = vector.shape_cast %swap3A_821 : vector<16xi32> to vector<16xi32>
    %swap3A_823 = vector.shape_cast %add3A_819 : vector<16xi32> to vector<16xi32>
    tpu.vector_store %arg5[%swap3A_820], %swap3A_823 {strides = array<i32>} : memref<25600xi32, #tpu.memory_space<vmem>>, vector<16xi32>,
    %get3A_824 = arith.constant 25584 : index
    %get3A_825 = tpu.vector_load %arg5[%get3A_824] {strides = array<i32>} : memref<25600xi32, #tpu.memory_space<vmem>>, vector<16xi32>,
    %get3A_826 = vector.shape_cast %get3A_825 : vector<16xi32> to vector<16xi32>
    %add3A_827 = arith.addi %get3A_826, %mul3A_9 : vector<16xi32>
    %swap3A_828 = arith.constant 25584 : index
    %swap3A_829 = tpu.vector_load %arg5[%swap3A_828] {strides = array<i32>} : memref<25600xi32, #tpu.memory_space<vmem>>, vector<16xi32>,
    %swap3A_830 = vector.shape_cast %swap3A_829 : vector<16xi32> to vector<16xi32>
    %swap3A_831 = vector.shape_cast %add3A_827 : vector<16xi32> to vector<16xi32>
    tpu.vector_store %arg5[%swap3A_828], %swap3A_831 {strides = array<i32>} : memref<25600xi32, #tpu.memory_space<vmem>>, vector<16xi32>,
    %dma_start3A_832 = arith.constant 3 : i32
    %dma_start3A_833 = arith.constant 0 : i32
    %dma_start3A_834 = arith.constant 0 : i32
    %dma_start3A_835 = tpu.memref_slice %arg6[%dma_start3A_832, %dma_start3A_833, %dma_start3A_834] : memref<4x128x128xf32, #tpu.memory_space<vmem>> -> memref<1x128x128xf32, #tpu.memory_space<vmem>>
    %dma_start3A_836 = tpu.memref_squeeze %dma_start3A_835 : memref<1x128x128xf32, #tpu.memory_space<vmem>> -> memref<128x128xf32, #tpu.memory_space<vmem>>
    %dma_start3A_837 = arith.constant 25472 : i32
    %dma_start3A_838 = tpu.memref_slice %arg5[%dma_start3A_837] : memref<25600xi32, #tpu.memory_space<vmem>> -> memref<128xi32, #tpu.memory_space<vmem>>
    %dma_start3A_839 = arith.constant 0 : i32
    %dma_start3A_840 = arith.constant 0 : i32
    %dma_start3A_841 = tpu.memref_slice %arg7[%dma_start3A_839, %dma_start3A_840] : memref<384x128xf32, #tpu.memory_space<vmem_shared>> -> memref<384x128xf32, #tpu.memory_space<vmem_shared>>
    tpu.enqueue_indirect_dma source(%dma_start3A_841 : memref<384x128xf32, #tpu.memory_space<vmem_shared>>) target(%dma_start3A_836 : memref<128x128xf32, #tpu.memory_space<vmem>>) offsets(%dma_start3A_838 : memref<128xi32, #tpu.memory_space<vmem>>) semaphore(%arg11 : memref<!tpu.dma_semaphore, #tpu.memory_space<semaphore_mem>>)
    %dma_wait3A_842 = arith.constant 2 : i32
    %dma_wait3A_843 = arith.constant 0 : i32
    %dma_wait3A_844 = arith.constant 0 : i32
    %dma_wait3A_845 = tpu.memref_slice %arg6[%dma_wait3A_842, %dma_wait3A_843, %dma_wait3A_844] : memref<4x128x128xf32, #tpu.memory_space<vmem>> -> memref<1x128x128xf32, #tpu.memory_space<vmem>>
    %dma_wait3A_846 = tpu.memref_squeeze %dma_wait3A_845 : memref<1x128x128xf32, #tpu.memory_space<vmem>> -> memref<128x128xf32, #tpu.memory_space<vmem>>
    %dma_wait3A_847 = arith.constant 0 : i32
    %dma_wait3A_848 = arith.constant 0 : i32
    %dma_wait3A_849 = tpu.memref_slice %arg4[%dma_wait3A_847, %dma_wait3A_848] : memref<819200x128xf32, #tpu.memory_space<hbm>> -> memref<128x128xf32, #tpu.memory_space<hbm>>
    %dma_wait3A_850 = arith.constant 0 : i32
    %dma_wait3A_851 = arith.constant 0 : i32
    %dma_wait3A_852 = tpu.memref_slice %arg6[%dma_wait3A_842, %dma_wait3A_850, %dma_wait3A_851] : memref<4x128x128xf32, #tpu.memory_space<vmem>> -> memref<1x128x128xf32, #tpu.memory_space<vmem>>
    %dma_wait3A_853 = tpu.memref_squeeze %dma_wait3A_852 : memref<1x128x128xf32, #tpu.memory_space<vmem>> -> memref<128x128xf32, #tpu.memory_space<vmem>>
    %dma_wait3A_854 = arith.constant 0 : i32
    %dma_wait3A_855 = arith.constant 0 : i32
    %dma_wait3A_856 = tpu.memref_slice %arg4[%dma_wait3A_854, %dma_wait3A_855] : memref<819200x128xf32, #tpu.memory_space<hbm>> -> memref<128x128xf32, #tpu.memory_space<hbm>>
    tpu.wait_dma2 semaphore(%arg10 : memref<!tpu.dma_semaphore, #tpu.memory_space<semaphore_mem>>) src(%dma_wait3A_856 : memref<128x128xf32, #tpu.memory_space<hbm>>) dst(%dma_wait3A_853 : memref<128x128xf32, #tpu.memory_space<vmem>>)
    %add3A_857 = arith.constant 25344 : i32
    %add3A_858 = arith.addi %mul3A_2, %add3A_857 : i32
    %dma_start3A_859 = arith.constant 2 : i32
    %dma_start3A_860 = arith.constant 0 : i32
    %dma_start3A_861 = arith.constant 0 : i32
    %dma_start3A_862 = tpu.memref_slice %arg6[%dma_start3A_859, %dma_start3A_860, %dma_start3A_861] : memref<4x128x128xf32, #tpu.memory_space<vmem>> -> memref<1x128x128xf32, #tpu.memory_space<vmem>>
    %dma_start3A_863 = tpu.memref_squeeze %dma_start3A_862 : memref<1x128x128xf32, #tpu.memory_space<vmem>> -> memref<128x128xf32, #tpu.memory_space<vmem>>
    %dma_start3A_864 = arith.constant 0 : i32
    %dma_start3A_865 = tpu.memref_slice %arg4[%add3A_858, %dma_start3A_864] : memref<819200x128xf32, #tpu.memory_space<hbm>> -> memref<128x128xf32, #tpu.memory_space<hbm>>
    %dma_start3A_866 = arith.constant 0 : i32
    %dma_start3A_867 = tpu.memref_slice %arg4[%add3A_858, %dma_start3A_866] : memref<819200x128xf32, #tpu.memory_space<hbm>> -> memref<128x128xf32, #tpu.memory_space<hbm>>
    %dma_start3A_868 = arith.constant 0 : i32
    %dma_start3A_869 = arith.constant 0 : i32
    %dma_start3A_870 = tpu.memref_slice %arg6[%dma_start3A_859, %dma_start3A_868, %dma_start3A_869] : memref<4x128x128xf32, #tpu.memory_space<vmem>> -> memref<1x128x128xf32, #tpu.memory_space<vmem>>
    %dma_start3A_871 = tpu.memref_squeeze %dma_start3A_870 : memref<1x128x128xf32, #tpu.memory_space<vmem>> -> memref<128x128xf32, #tpu.memory_space<vmem>>
    tpu.enqueue_dma source(%dma_start3A_871 : memref<128x128xf32, #tpu.memory_space<vmem>>) target(%dma_start3A_867 : memref<128x128xf32, #tpu.memory_space<hbm>>) target_semaphore(%arg14 : memref<!tpu.dma_semaphore, #tpu.memory_space<semaphore_mem>>)
    %dma_wait3A_872 = arith.constant 3 : i32
    %dma_wait3A_873 = arith.constant 0 : i32
    %dma_wait3A_874 = arith.constant 0 : i32
    %dma_wait3A_875 = tpu.memref_slice %arg6[%dma_wait3A_872, %dma_wait3A_873, %dma_wait3A_874] : memref<4x128x128xf32, #tpu.memory_space<vmem>> -> memref<1x128x128xf32, #tpu.memory_space<vmem>>
    %dma_wait3A_876 = tpu.memref_squeeze %dma_wait3A_875 : memref<1x128x128xf32, #tpu.memory_space<vmem>> -> memref<128x128xf32, #tpu.memory_space<vmem>>
    %dma_wait3A_877 = arith.constant 0 : i32
    %dma_wait3A_878 = arith.constant 0 : i32
    %dma_wait3A_879 = tpu.memref_slice %arg4[%dma_wait3A_877, %dma_wait3A_878] : memref<819200x128xf32, #tpu.memory_space<hbm>> -> memref<128x128xf32, #tpu.memory_space<hbm>>
    %dma_wait3A_880 = arith.constant 0 : i32
    %dma_wait3A_881 = arith.constant 0 : i32
    %dma_wait3A_882 = tpu.memref_slice %arg6[%dma_wait3A_872, %dma_wait3A_880, %dma_wait3A_881] : memref<4x128x128xf32, #tpu.memory_space<vmem>> -> memref<1x128x128xf32, #tpu.memory_space<vmem>>
    %dma_wait3A_883 = tpu.memref_squeeze %dma_wait3A_882 : memref<1x128x128xf32, #tpu.memory_space<vmem>> -> memref<128x128xf32, #tpu.memory_space<vmem>>
    %dma_wait3A_884 = arith.constant 0 : i32
    %dma_wait3A_885 = arith.constant 0 : i32
    %dma_wait3A_886 = tpu.memref_slice %arg4[%dma_wait3A_884, %dma_wait3A_885] : memref<819200x128xf32, #tpu.memory_space<hbm>> -> memref<128x128xf32, #tpu.memory_space<hbm>>
    tpu.wait_dma2 semaphore(%arg11 : memref<!tpu.dma_semaphore, #tpu.memory_space<semaphore_mem>>) src(%dma_wait3A_886 : memref<128x128xf32, #tpu.memory_space<hbm>>) dst(%dma_wait3A_883 : memref<128x128xf32, #tpu.memory_space<vmem>>)
    %add3A_887 = arith.constant 25472 : i32
    %add3A_888 = arith.addi %mul3A_2, %add3A_887 : i32
    %dma_start3A_889 = arith.constant 3 : i32
    %dma_start3A_890 = arith.constant 0 : i32
    %dma_start3A_891 = arith.constant 0 : i32
    %dma_start3A_892 = tpu.memref_slice %arg6[%dma_start3A_889, %dma_start3A_890, %dma_start3A_891] : memref<4x128x128xf32, #tpu.memory_space<vmem>> -> memref<1x128x128xf32, #tpu.memory_space<vmem>>
    %dma_start3A_893 = tpu.memref_squeeze %dma_start3A_892 : memref<1x128x128xf32, #tpu.memory_space<vmem>> -> memref<128x128xf32, #tpu.memory_space<vmem>>
    %dma_start3A_894 = arith.constant 0 : i32
    %dma_start3A_895 = tpu.memref_slice %arg4[%add3A_888, %dma_start3A_894] : memref<819200x128xf32, #tpu.memory_space<hbm>> -> memref<128x128xf32, #tpu.memory_space<hbm>>
    %dma_start3A_896 = arith.constant 0 : i32
    %dma_start3A_897 = tpu.memref_slice %arg4[%add3A_888, %dma_start3A_896] : memref<819200x128xf32, #tpu.memory_space<hbm>> -> memref<128x128xf32, #tpu.memory_space<hbm>>
    %dma_start3A_898 = arith.constant 0 : i32
    %dma_start3A_899 = arith.constant 0 : i32
    %dma_start3A_900 = tpu.memref_slice %arg6[%dma_start3A_889, %dma_start3A_898, %dma_start3A_899] : memref<4x128x128xf32, #tpu.memory_space<vmem>> -> memref<1x128x128xf32, #tpu.memory_space<vmem>>
    %dma_start3A_901 = tpu.memref_squeeze %dma_start3A_900 : memref<1x128x128xf32, #tpu.memory_space<vmem>> -> memref<128x128xf32, #tpu.memory_space<vmem>>
    tpu.enqueue_dma source(%dma_start3A_901 : memref<128x128xf32, #tpu.memory_space<vmem>>) target(%dma_start3A_897 : memref<128x128xf32, #tpu.memory_space<hbm>>) target_semaphore(%arg15 : memref<!tpu.dma_semaphore, #tpu.memory_space<semaphore_mem>>)
    %dma_wait3A_902 = arith.constant 0 : i32
    %dma_wait3A_903 = arith.constant 0 : i32
    %dma_wait3A_904 = arith.constant 0 : i32
    %dma_wait3A_905 = tpu.memref_slice %arg6[%dma_wait3A_902, %dma_wait3A_903, %dma_wait3A_904] : memref<4x128x128xf32, #tpu.memory_space<vmem>> -> memref<1x128x128xf32, #tpu.memory_space<vmem>>
    %dma_wait3A_906 = tpu.memref_squeeze %dma_wait3A_905 : memref<1x128x128xf32, #tpu.memory_space<vmem>> -> memref<128x128xf32, #tpu.memory_space<vmem>>
    %dma_wait3A_907 = arith.constant 0 : i32
    %dma_wait3A_908 = arith.constant 0 : i32
    %dma_wait3A_909 = tpu.memref_slice %arg4[%dma_wait3A_907, %dma_wait3A_908] : memref<819200x128xf32, #tpu.memory_space<hbm>> -> memref<128x128xf32, #tpu.memory_space<hbm>>
    %dma_wait3A_910 = arith.constant 0 : i32
    %dma_wait3A_911 = arith.constant 0 : i32
    %dma_wait3A_912 = tpu.memref_slice %arg4[%dma_wait3A_910, %dma_wait3A_911] : memref<819200x128xf32, #tpu.memory_space<hbm>> -> memref<128x128xf32, #tpu.memory_space<hbm>>
    %dma_wait3A_913 = arith.constant 0 : i32
    %dma_wait3A_914 = arith.constant 0 : i32
    %dma_wait3A_915 = tpu.memref_slice %arg6[%dma_wait3A_902, %dma_wait3A_913, %dma_wait3A_914] : memref<4x128x128xf32, #tpu.memory_space<vmem>> -> memref<1x128x128xf32, #tpu.memory_space<vmem>>
    %dma_wait3A_916 = tpu.memref_squeeze %dma_wait3A_915 : memref<1x128x128xf32, #tpu.memory_space<vmem>> -> memref<128x128xf32, #tpu.memory_space<vmem>>
    tpu.wait_dma2 semaphore(%arg12 : memref<!tpu.dma_semaphore, #tpu.memory_space<semaphore_mem>>) src(%dma_wait3A_916 : memref<128x128xf32, #tpu.memory_space<vmem>>) dst(%dma_wait3A_912 : memref<128x128xf32, #tpu.memory_space<hbm>>)
    %dma_wait3A_917 = arith.constant 1 : i32
    %dma_wait3A_918 = arith.constant 0 : i32
    %dma_wait3A_919 = arith.constant 0 : i32
    %dma_wait3A_920 = tpu.memref_slice %arg6[%dma_wait3A_917, %dma_wait3A_918, %dma_wait3A_919] : memref<4x128x128xf32, #tpu.memory_space<vmem>> -> memref<1x128x128xf32, #tpu.memory_space<vmem>>
    %dma_wait3A_921 = tpu.memref_squeeze %dma_wait3A_920 : memref<1x128x128xf32, #tpu.memory_space<vmem>> -> memref<128x128xf32, #tpu.memory_space<vmem>>
    %dma_wait3A_922 = arith.constant 0 : i32
    %dma_wait3A_923 = arith.constant 0 : i32
    %dma_wait3A_924 = tpu.memref_slice %arg4[%dma_wait3A_922, %dma_wait3A_923] : memref<819200x128xf32, #tpu.memory_space<hbm>> -> memref<128x128xf32, #tpu.memory_space<hbm>>
    %dma_wait3A_925 = arith.constant 0 : i32
    %dma_wait3A_926 = arith.constant 0 : i32
    %dma_wait3A_927 = tpu.memref_slice %arg4[%dma_wait3A_925, %dma_wait3A_926] : memref<819200x128xf32, #tpu.memory_space<hbm>> -> memref<128x128xf32, #tpu.memory_space<hbm>>
    %dma_wait3A_928 = arith.constant 0 : i32
    %dma_wait3A_929 = arith.constant 0 : i32
    %dma_wait3A_930 = tpu.memref_slice %arg6[%dma_wait3A_917, %dma_wait3A_928, %dma_wait3A_929] : memref<4x128x128xf32, #tpu.memory_space<vmem>> -> memref<1x128x128xf32, #tpu.memory_space<vmem>>
    %dma_wait3A_931 = tpu.memref_squeeze %dma_wait3A_930 : memref<1x128x128xf32, #tpu.memory_space<vmem>> -> memref<128x128xf32, #tpu.memory_space<vmem>>
    tpu.wait_dma2 semaphore(%arg13 : memref<!tpu.dma_semaphore, #tpu.memory_space<semaphore_mem>>) src(%dma_wait3A_931 : memref<128x128xf32, #tpu.memory_space<vmem>>) dst(%dma_wait3A_927 : memref<128x128xf32, #tpu.memory_space<hbm>>)
    %dma_wait3A_932 = arith.constant 2 : i32
    %dma_wait3A_933 = arith.constant 0 : i32
    %dma_wait3A_934 = arith.constant 0 : i32
    %dma_wait3A_935 = tpu.memref_slice %arg6[%dma_wait3A_932, %dma_wait3A_933, %dma_wait3A_934] : memref<4x128x128xf32, #tpu.memory_space<vmem>> -> memref<1x128x128xf32, #tpu.memory_space<vmem>>
    %dma_wait3A_936 = tpu.memref_squeeze %dma_wait3A_935 : memref<1x128x128xf32, #tpu.memory_space<vmem>> -> memref<128x128xf32, #tpu.memory_space<vmem>>
    %dma_wait3A_937 = arith.constant 0 : i32
    %dma_wait3A_938 = arith.constant 0 : i32
    %dma_wait3A_939 = tpu.memref_slice %arg4[%dma_wait3A_937, %dma_wait3A_938] : memref<819200x128xf32, #tpu.memory_space<hbm>> -> memref<128x128xf32, #tpu.memory_space<hbm>>
    %dma_wait3A_940 = arith.constant 0 : i32
    %dma_wait3A_941 = arith.constant 0 : i32
    %dma_wait3A_942 = tpu.memref_slice %arg4[%dma_wait3A_940, %dma_wait3A_941] : memref<819200x128xf32, #tpu.memory_space<hbm>> -> memref<128x128xf32, #tpu.memory_space<hbm>>
    %dma_wait3A_943 = arith.constant 0 : i32
    %dma_wait3A_944 = arith.constant 0 : i32
    %dma_wait3A_945 = tpu.memref_slice %arg6[%dma_wait3A_932, %dma_wait3A_943, %dma_wait3A_944] : memref<4x128x128xf32, #tpu.memory_space<vmem>> -> memref<1x128x128xf32, #tpu.memory_space<vmem>>
    %dma_wait3A_946 = tpu.memref_squeeze %dma_wait3A_945 : memref<1x128x128xf32, #tpu.memory_space<vmem>> -> memref<128x128xf32, #tpu.memory_space<vmem>>
    tpu.wait_dma2 semaphore(%arg14 : memref<!tpu.dma_semaphore, #tpu.memory_space<semaphore_mem>>) src(%dma_wait3A_946 : memref<128x128xf32, #tpu.memory_space<vmem>>) dst(%dma_wait3A_942 : memref<128x128xf32, #tpu.memory_space<hbm>>)
    %dma_wait3A_947 = arith.constant 3 : i32
    %dma_wait3A_948 = arith.constant 0 : i32
    %dma_wait3A_949 = arith.constant 0 : i32
    %dma_wait3A_950 = tpu.memref_slice %arg6[%dma_wait3A_947, %dma_wait3A_948, %dma_wait3A_949] : memref<4x128x128xf32, #tpu.memory_space<vmem>> -> memref<1x128x128xf32, #tpu.memory_space<vmem>>
    %dma_wait3A_951 = tpu.memref_squeeze %dma_wait3A_950 : memref<1x128x128xf32, #tpu.memory_space<vmem>> -> memref<128x128xf32, #tpu.memory_space<vmem>>
    %dma_wait3A_952 = arith.constant 0 : i32
    %dma_wait3A_953 = arith.constant 0 : i32
    %dma_wait3A_954 = tpu.memref_slice %arg4[%dma_wait3A_952, %dma_wait3A_953] : memref<819200x128xf32, #tpu.memory_space<hbm>> -> memref<128x128xf32, #tpu.memory_space<hbm>>
    %dma_wait3A_955 = arith.constant 0 : i32
    %dma_wait3A_956 = arith.constant 0 : i32
    %dma_wait3A_957 = tpu.memref_slice %arg4[%dma_wait3A_955, %dma_wait3A_956] : memref<819200x128xf32, #tpu.memory_space<hbm>> -> memref<128x128xf32, #tpu.memory_space<hbm>>
    %dma_wait3A_958 = arith.constant 0 : i32
    %dma_wait3A_959 = arith.constant 0 : i32
    %dma_wait3A_960 = tpu.memref_slice %arg6[%dma_wait3A_947, %dma_wait3A_958, %dma_wait3A_959] : memref<4x128x128xf32, #tpu.memory_space<vmem>> -> memref<1x128x128xf32, #tpu.memory_space<vmem>>
    %dma_wait3A_961 = tpu.memref_squeeze %dma_wait3A_960 : memref<1x128x128xf32, #tpu.memory_space<vmem>> -> memref<128x128xf32, #tpu.memory_space<vmem>>
    tpu.wait_dma2 semaphore(%arg15 : memref<!tpu.dma_semaphore, #tpu.memory_space<semaphore_mem>>) src(%dma_wait3A_961 : memref<128x128xf32, #tpu.memory_space<vmem>>) dst(%dma_wait3A_957 : memref<128x128xf32, #tpu.memory_space<hbm>>)
    return
  }
}

</mosaic_0001>

<sc_bundles>
// kernel: kernel.3.cloned.1.call-start
scs
__scs_entry_jumppad:
0x0: {  	(pc) =	sbr.rel $0x88, $3  }
0x1: {  	(tag) =	ssettag $0x0;
	lr =	simm.s32 $0x1  }
0x2: {  	[smem:$0x3F9F] =	sst lr;
	_ =	strace $0xD0000000  }
0x3: {  	_ = 	snop  }
0x4: {  	_ = 	snop  }
0x5: {  	_ = 	snop  }
0x6: {  	_ = 	snop  }
0x7: {  	_ = 	snop  }
__scs_overlays_trampoline_lowered:
0x8: {  	[smem:$0x3FAE] =	sst s0  }
0x9: {  	[smem:$0x3FAF] =	sst s1  }
0xa: {  	[smem:$0x3FB0] =	sst s2  }
0xb: {  	[smem:$0x3FB1] =	sst s3  }
0xc: {  	[smem:$0x3FB2] =	sst s4  }
0xd: {  	[smem:$0x3FB3] =	sst s5  }
0xe: {  	[smem:$0x3FB4] =	sst s6  }
0xf: {  	[smem:$0x3FB5] =	sst s7  }
0x10: {  	[smem:$0x3FB6] =	sst s8  }
0x11: {  	[smem:$0x3FB7] =	sst s9;
	s0 =	simm.s32 @!p0 $0x0  }
0x12: {  	s1 =	sld [smem:$0x3F9D];
	s0 =	simm.s32 @p0 $0x1  }
0x13: {  	[smem:$0x3FB8] =	sst s0;
	s0 =	simm.s32 @!p1 $0x0  }
0x14: {  	s2 =	sld [smem:$0x3F9C];
	s0 =	simm.s32 @p1 $0x1  }
0x15: {  	[smem:$0x3FB9] =	sst s0;
	s0 =	simm.s32 @!p2 $0x0  }
0x16: {  	s3 =	sld [smem:$0x3FDB];
	s0 =	simm.s32 @p2 $0x1  }
0x17: {  	s4 =	simm.s32 $0x1BF5;
	[smem:$0x3FBB] =	sst s0  }
0x18: {  	s0 =	sld [smem:$0x3F9E];
	_ =	swait.ge [sflag:s4], $0x0  }
0x19: {  	s7 =	sld [smem:$0x3F9F]  }
0x1a: {  	s8 =	sadd.s32 $0xFFFFE003, lr  }
0x1b: {  	s9 =	sadd.s32 $0xFFFFFEF7, lr;
	s5 =	simm.s32 $0xFFFFFFFF;
	p2 =	slt.u32 s8, $0xFFFFF086  }
0x1c: {  	p1 =	slt.u32 s9, $0xF7A;
	s5 =	simm.s32 @!p2 $0x0  }
0x1d: {  	s5 =	simm.s32 @p1 $0x1;
	p0 =	seq.s32 s7, s2  }
0x1e: {  	s7 =	smul.u32 @!p0 $0xF7A, s2;
	p2 =	seq.s32 @!p0 s5, $0x0  }
0x1f: {  	s9 =	smul.u32 $0xF7A, s1;
	s8 =	simm.s32 @!p0 $0x1BF5;
	p2 =	por !p2, p0  }
0x20: {  	[sflag:s8] =	ssyncset.s32 @!p0 $0xFFFFF086;
	s6 =	sadd.s32 @!p0 s3, s7;
	s7 =	simm.s32 @!p0 $0x108  }
0x21: {  	s3 =	sadd.s32 s3, s9;
	s6 =	sadd.s32 @!p0 $0x88, s6;
	s7 =	simm.s32 @p2 $0x1082  }
0x22: {  	[simem:s7], [sflag:s8] =	dma.local @!p0 [hbm:s6], $0xF7A  }
0x23: {  	s9 =	sor.u32 $0xD0000000, s2;
	s6 =	simm.s32 $0x108;
	_ =	swait.ge @!p0 [sflag:s8], $0x0  }
0x24: {  	s3 =	sadd.s32 $0x88, s3;
	s6 =	simm.s32 @!p1 $0x1082;
	[sflag:s4] =	ssyncset.s32 $0xFFFFF086  }
0x25: {  	[simem:s6], [sflag:s4] =	dma.local [hbm:s3], $0xF7A  }
0x26: {  	[smem:$0x3F9F] =	sst s1;
	(tag) =	ssettag s2;
	_ =	strace s9  }
0x27: {  	s1 =	sld [smem:$0x3FAF]  }
0x28: {  	s2 =	sld [smem:$0x3FB0]  }
0x29: {  	s4 =	sld [smem:$0x3FB2]  }
0x2a: {  	p0 =	seq.s32 s5, $0x0;
	s5 =	sld [smem:$0x3FB3]  }
0x2b: {  	s6 =	sld [smem:$0x3FB4]  }
0x2c: {  	s7 =	sld [smem:$0x3FB5]  }
0x2d: {  	s3 =	simm.s32 $0x108;
	s8 =	sld [smem:$0x3FB6]  }
0x2e: {  	s3 =	simm.s32 @!p0 $0x1082;
	s9 =	sld [smem:$0x3FB7]  }
0x2f: {  	lr =	sadd.s32 s0, s3;
	s0 =	sld [smem:$0x3FAE]  }
0x30: {  	s3 =	sld [smem:$0x3FB1]  }
0x31: {  	[smem:$0x3FBA] =	sst s10  }
0x32: {  	s10 =	sld [smem:$0x3FB8];
	_ =	sdelay $0x3  }
0x33: {  	p0 =	seq.s32 s10, $0x1;
	s10 =	sld [smem:$0x3FBA];
	_ =	sdelay $0x3  }
0x34: {  	[smem:$0x3FBA] =	sst s10  }
0x35: {  	s10 =	sld [smem:$0x3FB9];
	_ =	sdelay $0x3  }
0x36: {  	p1 =	seq.s32 s10, $0x1;
	s10 =	sld [smem:$0x3FBA];
	_ =	sdelay $0x3  }
0x37: {  	[smem:$0x3FBA] =	sst s10  }
0x38: {  	s10 =	sld [smem:$0x3FBB]  }
0x39: {  	_ = 	snop;
	(pc) =	sbr.ind lr, $3  }
0x3a: {  	_ = 	snop  }
0x3b: {  	_ = 	snop  }
0x3c: {  	p2 =	seq.s32 s10, $0x1;
	s10 =	sld [smem:$0x3FBA]  }
0x3d: {  	_ =	shalt  }
0x3e: {  	_ =	shalt  }
0x3f: {  	_ =	shalt  }
0x40: {  	_ =	shalt  }
0x41: {  	_ =	shalt  }
0x42: {  	_ =	shalt  }
0x43: {  	_ =	shalt  }
0x44: {  	_ =	shalt  }
0x45: {  	_ =	shalt  }
0x46: {  	_ =	shalt  }
0x47: {  	_ =	shalt  }
0x48: {  	_ =	shalt  }
0x49: {  	_ =	shalt  }
0x4a: {  	_ =	shalt  }
0x4b: {  	_ =	shalt  }
0x4c: {  	_ =	shalt  }
0x4d: {  	_ =	shalt  }
0x4e: {  	_ =	shalt  }
0x4f: {  	_ =	shalt  }
0x50: {  	_ =	shalt  }
0x51: {  	_ =	shalt  }
0x52: {  	_ =	shalt  }
0x53: {  	_ =	shalt  }
0x54: {  	_ =	shalt  }
0x55: {  	_ =	shalt  }
0x56: {  	_ =	shalt  }
0x57: {  	_ =	shalt  }
0x58: {  	_ =	shalt  }
0x59: {  	_ =	shalt  }
0x5a: {  	_ =	shalt  }
0x5b: {  	_ =	shalt  }
0x5c: {  	_ =	shalt  }
0x5d: {  	_ =	shalt  }
0x5e: {  	_ =	shalt  }
0x5f: {  	_ =	shalt  }
0x60: {  	_ =	shalt  }
0x61: {  	_ =	shalt  }
0x62: {  	_ =	shalt  }
0x63: {  	_ =	shalt  }
0x64: {  	_ =	shalt  }
0x65: {  	_ =	shalt  }
0x66: {  	_ =	shalt  }
0x67: {  	_ =	shalt  }
0x68: {  	_ =	shalt  }
0x69: {  	_ =	shalt  }
0x6a: {  	_ =	shalt  }
0x6b: {  	_ =	shalt  }
0x6c: {  	_ =	shalt  }
0x6d: {  	_ =	shalt  }
0x6e: {  	_ =	shalt  }
0x6f: {  	_ =	shalt  }
0x70: {  	_ =	shalt  }
0x71: {  	_ =	shalt  }
0x72: {  	_ =	shalt  }
0x73: {  	_ =	shalt  }
0x74: {  	_ =	shalt  }
0x75: {  	_ =	shalt  }
0x76: {  	_ =	shalt  }
0x77: {  	_ =	shalt  }
0x78: {  	_ =	shalt  }
0x79: {  	_ =	shalt  }
0x7a: {  	_ =	shalt  }
0x7b: {  	_ =	shalt  }
0x7c: {  	_ =	shalt  }
0x7d: {  	_ =	shalt  }
0x7e: {  	_ =	shalt  }
0x7f: {  	_ =	shalt  }
0x80: {  	_ =	shalt  }
0x81: {  	_ =	shalt  }
0x82: {  	_ =	shalt  }
0x83: {  	_ =	shalt  }
0x84: {  	_ =	shalt  }
0x85: {  	_ =	shalt  }
0x86: {  	_ =	shalt  }
0x87: {  	_ =	shalt  }
.Lfunc_end0:
.L_simem_size_0:
called_computation_lowered:
.L_overlay_start_0:
0x88: {  	s2 =	sld [smem:$0x3FD9]  }
0x89: {  	s3 =	sld [smem:$0x3FFE];
	_ =	sdelay $0x1  }
0x8a: {  	s1 =	srdreg.scid  }
0x8b: {  	s0 =	sand.u32 $0x1, s1  }
0x8c: {  	s17 =	sshll.u32 s0, $0xA;
	s2 =	sadd.s32 s3, s2  }
0x8d: {  	s2 =	sadd.s32 s2, s17  }
0x8e: {  	[smem:$0x3FC6] =	sst s2  }
0x8f: {  	_ = 	snop  }
0x90: {  	s2 =	sld [smem:$0x3FD0];
	(tm) =	ssettm $0x1  }
0x91: {  	s18 =	sld [smem:$0x3FFB];
	_ =	sdelay $0x3  }
0x92: {  	_ =	strace s18  }
0x93: {  	s3 =	sld [smem:$0x3FFC];
	_ =	sdelay $0x3  }
0x94: {  	_ =	strace s3  }
0x95: {  	s3 =	sld [smem:$0x3FFD];
	_ =	sdelay $0x3  }
0x96: {  	_ =	strace s3  }
0x97: {  	_ =	strace $0x8FFFFFFF  }
0x98: {  	s19 =	sld [smem:$0x3FDB];
	_ =	sdelay $0x1  }
0x99: {  	s4 =	simm.s32 $_scs_section_size  }
0x9a: {  	s5 =	simm.s32 $_size__tile_overlayer_lowered;
	s6 =	simm.s32 $_tile_overlayer_lowered  }
0x9b: {  	s22 =	simm.s32 $0x1BFF;
	s21 =	sshll.u32 s6, $0x1;
	s3 =	sadd.s32 s4, s19  }
0x9c: {  	s7 =	simm.s32 $0x0;
	s20 =	sshll.u32 s5, $0x1;
	s5 =	sadd.s32 s21, s3  }
0x9d: {  	[timem:s7], [sflag:s22] =	dma.local [hbm:s5], s20  }
0x9e: {  	_ =	swait.ge [sflag:s22], s20  }
0x9f: {  	s4 =	ssub.s32 $0x0, s20;
	[sflag:s22] =	ssyncset.done $0x0  }
0xa0: {  	[sflag:s22] =	ssyncadd.s32 s4;
	_ =	sdelay $0x1  }
0xa1: {  	s23 =	simm.s32 $0x1B8B  }
0xa2: {  	_ =	swait.ge [sflag:s23], $0x1  }
0xa3: {  	[sflag:s23] =	ssyncset.done $0x0  }
0xa4: {  	s25 =	simm.s32 $0x1B8E;
	s24 =	sld [smem:$0x3FFE];
	[sflag:s23] =	ssyncadd.s32 $0xFFFFFFFF  }
0xa5: {  	s26 =	simm.s32 $execute0_lowered;
	[smem:$0x3FD2] =	sst s25  }
0xa6: {  	s5 =	sshll.u32 s26, $0x1;
	_ =	strace $0x80000046;
	[dreg:$0x1] =	wrdreg $0xFFFFFFFF  }
0xa7: {  	s28 =	simm.s32 $_size_execute0_lowered;
	s3 =	sadd.s32 s3, s5;
	[dreg:$0x0] =	wrdreg $0x0  }
0xa8: {  	s5 =	sshll.u32 s28, $0x1;
	[dreg:$0x2] =	wrdreg s3  }
0xa9: {  	[dreg:$0x3] =	wrdreg s5  }
0xaa: {  	[dreg:$0x4] =	wrdreg $0xC0  }
0xab: {  	_ =	task [dreg:s7], $0x5FFFF  }
0xac: {  	[dreg:$0x1] =	wrdreg $0xFFFFFFFF  }
0xad: {  	[dreg:$0x0] =	wrdreg $0x60  }
0xae: {  	[dreg:$0x2] =	wrdreg s24  }
0xaf: {  	[dreg:$0x3] =	wrdreg s2  }
0xb0: {  	[dreg:$0x4] =	wrdreg $0x164000  }
0xb1: {  	[dreg:$0x5] =	wrdreg $0x9  }
0xb2: {  	_ =	task.clear_ibuf [dreg:s7], $0x6FFFF;
	_ =	strace $0x90000046  }
0xb3: {  	s29 =	simm.s32 $0x9;
	_ =	strace $0x80000048  }
0xb4: {  	_ =	swait.ge [sflag:s29], $0x1  }
0xb5: {  	[sflag:s29] =	ssyncadd.s32 $0xFFFFFFFF  }
0xb6: {  	_ =	strace $0x90000048  }
0xb7: {  	_ =	sfence  }
0xb8: {  	s30 =	sld [smem:$0x0];
	_ =	sdelay $0x2  }
0xb9: {  	s31 =	sshll.u32 s1, $0xD;
	s1 =	sshrl.u32 s1, $0x2  }
0xba: {  	s3 =	sand.u32 $0x4000, s31;
	s1 =	sadd.s32 s1, s30  }
0xbb: {  	s0 =	sor.u32 s3, s0;
	s1 =	sshll.u32 s1, $0x11  }
0xbc: {  	s0 =	sor.u32 s1, s0  }
0xbd: {  	s0 =	sadd.s32 $0x8F2B, s0  }
0xbe: {  	[sflag:s0] =	ssyncadd.remote.s32 $0x1  }
0xbf: {  	_ =	sfence.sel $0xFFFF  }
0xc0: {  	[dreg:$0x0] =	wrdreg $0xFFFFFFFF;
	(pc) =	sbr.abs _section_cstart, $3  }
0xc1: {  	[dreg:$0x1] =	wrdreg $0xFFFFFFFF  }
0xc2: {  	_ =	task.clear_ibuf [dreg:s7], $0x2FFFF;
	_ =	strace $0x9FFFFFFF  }
0xc3: {  	(tm) =	ssettm $0x7FFFFFFF  }
tec
execute0_lowered:
.L_overlay_start_1:
0x0: {  	(tag) =	ssettag $0x1  }
0x1: {  	s0 =	rddreg [dreg:$0x0]  }
0x2: {  	s1 =	srdreg.scid;
	s11 =	stileid.u32  }
0x3: {  	s4 =	rddreg [dreg:$0x1];
	s7 =	smul.u32 $0x180, s11  }
0x4: {  	s2 =	rddreg [dreg:$0x2];
	s29 =	simm.s32 $0x12400;
	s8 =	smul.u32 $0x3000, s11  }
0x5: {  	s30 =	simm.s32 $0x3;
	s31 =	simm.s32 $0x5;
	s19 =	smul.u32 $0x640000, s11  }
0x6: {  	s1 =	sand.u32 $0x1, s1;
	s3 =	sshll.u32 s11, $0x1;
	s24 =	smul.u32 $0xC8000, s11  }
0x7: {  	s28 =	simm.s32 $0x7;
	s6 =	sor.u32 s1, s3;
	s21 =	smul.u32 $0x320000, s1  }
0x8: {  	s3 =	simm.s32 $0x0;
	s12 =	ssub.s32 $0x2, s1;
	s1 =	smul.u32 $0x64000, s1  }
0x9: {  	s14 =	sshll.u32 s11, $0x6;
	s5 =	smul.u32 $0x6400, s6;
	[smem:$0x7FF] =	sst s3  }
0xa: {  	s13 =	sshrl.u32 s12, $0x1;
	s8 =	sshrl.u32 s8, $0x2;
	s10 =	smul.u32 $0x64000, s6  }
0xb: {  	s6 =	smul.u32 $0x320000, s6;
	s26 =	sadd.s32 s24, s4;
	s24 =	simm.s32 $0x6  }
0xc: {  	_ =	strace $0x80000047;
	s8 =	sadd.s32 s8, s2;
	s1 =	sadd.s32 s1, s26  }
0xd: {  	s26 =	simm.s32 $0x2;
	s5 =	sshrl.u32 s5, $0x3;
	s18 =	sshrl.u32 s6, $0x3  }
0xe: {  	s6 =	sadd.s32 s21, s19;
	s9 =	sadd.s32 s5, s0;
	s0 =	sadd.s32 s7, s0  }
0xf: {  	s19 =	simm.s32 $0x9;
	s21 =	simm.s32 $0x6400;
	s0 =	sadd.s32 $0x400, s0  }
0x10: {  	s5 =	sadd.s32 s4, s10;
	s15 =	sadd.s32 $0x1C00, s9;
	[dreg:$0x4] =	wrdreg s0  }
0x11: {  	s7 =	ssub.s32 s12, s13;
	s16 =	sadd.s32 $0x800, s5;
	[dreg:$0x6] =	wrdreg s15  }
0x12: {  	s25 =	sor.u32 $0x10000, s6;
	s17 =	sadd.s32 $0x1000, s5;
	[dreg:$0x7] =	wrdreg s16  }
0x13: {  	s10 =	sadd.s32 $0x3800, s1;
	s20 =	sadd.s32 $0x1800, s5;
	[dreg:$0x8] =	wrdreg s17  }
0x14: {  	s1 =	simm.s32 $0x8;
	s0 =	sor.u32 $0x1C09, s14;
	[dreg:$0x9] =	wrdreg s20  }
0x15: {  	s15 =	smax.u32 s7, $0x1;
	[dreg:$0x5] =	wrdreg s0;
	s0 =	sadd.s32 s4, s18  }
0x16: {  	s20 =	simm.s32 $0x80;
	s18 =	sshrl.u32 s8, $0x3;
	s22 =	sadd.s32 $0x62000, s0  }
0x17: {  	s23 =	sadd.s32 $0x62800, s0;
	s13 =	sadd.s32 $0x63000, s0;
	s14 =	sadd.s32 $0x63800, s0  }
0x18: {  	s0 =	sshrl.u32 s25, $0x3;
	s25 =	simm.s32 $0xE400;
	[dreg:$0xa] =	wrdreg s22  }
0x19: {  	v0 =	vlaneseq.u32;
	[dreg:$0xb] =	wrdreg s23;
	s9 =	sadd.s32 s0, s4;
	s22 =	simm.s32 $0xA400  }
0x1a: {  	v0 =	vmul.u32 $0x3, v0;
	s23 =	simm.s32 $0x1;
	s0 =	simm.s32 $0x4;
	s4 =	simm.s32 $0x0  }
.LBB2_1:
0x1b: {  	s6 =	rddreg [dreg:$0x4]  }
0x1c: {  	s7 =	rddreg [dreg:$0x5]  }
0x1d: {  	[spmem:s18], [sflag:s7] =	dma.local [hbm:s6], $0x180  }
0x1e: {  	_ =	swait.ge [sflag:s19], $0x180  }
0x1f: {  	[sflag:s19] =	ssyncset.done $0x0  }
0x20: {  	s11 =	rddreg [dreg:$0x6];
	[sflag:s19] =	ssyncadd.s32 $0xFFFFFE80  }
0x21: {  	[tilespmem:s3], [sflag:$0x9] =	stream.linear.gather [hbm4b:s11+s3], $0x6400, $0x38;
	[tilespmem:$0x17000] =	vst v63  }
0x22: {  	_ =	swait.ge [sflag:s19], $0x6400  }
0x23: {  	[sflag:s19] =	ssyncset.done $0x0  }
0x24: {  	[sflag:s19] =	ssyncadd.s32 $0xFFFF9C00  }
0x25: {  	[bflag:$0x0] =	sbarrier.arrive $0xFFFF  }
0x26: {  	v1 =	vld [tilespmem:$0x0]  }
0x27: {  	v2 =	vld [tilespmem:$0x10]  }
0x28: {  	v3 =	vld [tilespmem:$0x20]  }
0x29: {  	v4 =	vld [tilespmem:$0x30]  }
0x2a: {  	v5 =	vld [tilespmem:$0x40]  }
0x2b: {  	v6 =	vld [tilespmem:$0x50];
	v1 =	vadd.s32 v0, v1  }
0x2c: {  	[tilespmem:$0x0] =	vst v1;
	v1 =	vadd.s32 v0, v2;
	v2 =	vld [tilespmem:$0x60]  }
0x2d: {  	[tilespmem:$0x10] =	vst v1;
	v1 =	vadd.s32 v0, v3;
	v3 =	vld [tilespmem:$0x70]  }
0x2e: {  	[tilespmem:$0x20] =	vst v1;
	v1 =	vadd.s32 v0, v4  }
0x2f: {  	[tilespmem:$0x30] =	vst v1;
	v1 =	vadd.s32 v0, v5  }
0x30: {  	[tilespmem:$0x40] =	vst v1;
	v1 =	vadd.s32 v0, v6  }
0x31: {  	[tilespmem:$0x50] =	vst v1;
	v1 =	vadd.s32 v0, v2  }
0x32: {  	[tilespmem:$0x60] =	vst v1;
	v1 =	vadd.s32 v0, v3  }
0x33: {  	[tilespmem:$0x70] =	vst v1  }
0x34: {  	[tilespmem:s21], [sflag:$0x1] =	stream.indirect.gather [spmem:s2], $0x80, s3, s20, $0xb8;
	[tilespmem:$0x17000] =	vst v63  }
0x35: {  	v1 =	vld [tilespmem:$0x80]  }
0x36: {  	v2 =	vld [tilespmem:$0x90]  }
0x37: {  	v3 =	vld [tilespmem:$0xA0]  }
0x38: {  	v45 =	vld [tilespmem:$0xB0]  }
0x39: {  	v46 =	vld [tilespmem:$0xC0]  }
0x3a: {  	v47 =	vld [tilespmem:$0xD0];
	v1 =	vadd.s32 v0, v1  }
0x3b: {  	[tilespmem:$0x80] =	vst v1;
	v1 =	vadd.s32 v0, v2;
	v2 =	vld [tilespmem:$0xE0]  }
0x3c: {  	[tilespmem:$0x90] =	vst v1;
	v1 =	vadd.s32 v0, v3;
	v3 =	vld [tilespmem:$0xF0]  }
0x3d: {  	[tilespmem:$0xA0] =	vst v1;
	v1 =	vadd.s32 v0, v45  }
0x3e: {  	[tilespmem:$0xB0] =	vst v1;
	v1 =	vadd.s32 v0, v46  }
0x3f: {  	[tilespmem:$0xC0] =	vst v1;
	v1 =	vadd.s32 v0, v47  }
0x40: {  	[tilespmem:$0xD0] =	vst v1;
	v1 =	vadd.s32 v0, v2  }
0x41: {  	[tilespmem:$0xE0] =	vst v1;
	v1 =	vadd.s32 v0, v3  }
0x42: {  	[tilespmem:$0xF0] =	vst v1  }
0x43: {  	[tilespmem:s22], [sflag:$0x2] =	stream.indirect.gather [spmem:s2], $0x80, s20, s20, $0xb8;
	[tilespmem:$0x17000] =	vst v63  }
0x44: {  	_ =	swait.ge [sflag:s23], $0x4000  }
0x45: {  	[sflag:s23] =	ssyncset.done $0x0  }
0x46: {  	[sflag:s23] =	ssyncadd.s32 $0xFFFFC000  }
0x47: {  	[hbm4b:s5+s3] =	stream.linear.scatter [tilespmem:s21], [sflag:$0x5], $0x4000, $0x38;
	[tilespmem:$0x17000] =	vst v63  }
0x48: {  	v1 =	vld [tilespmem:$0x100]  }
0x49: {  	v2 =	vld [tilespmem:$0x110]  }
0x4a: {  	v3 =	vld [tilespmem:$0x120]  }
0x4b: {  	v48 =	vld [tilespmem:$0x130]  }
0x4c: {  	v49 =	vld [tilespmem:$0x140]  }
0x4d: {  	v50 =	vld [tilespmem:$0x150];
	v1 =	vadd.s32 v0, v1  }
0x4e: {  	[tilespmem:$0x100] =	vst v1;
	v1 =	vadd.s32 v0, v2;
	v2 =	vld [tilespmem:$0x160]  }
0x4f: {  	[tilespmem:$0x110] =	vst v1;
	v1 =	vadd.s32 v0, v3;
	v3 =	vld [tilespmem:$0x170]  }
0x50: {  	[tilespmem:$0x120] =	vst v1;
	v1 =	vadd.s32 v0, v48  }
0x51: {  	[tilespmem:$0x130] =	vst v1;
	v1 =	vadd.s32 v0, v49  }
0x52: {  	[tilespmem:$0x140] =	vst v1;
	v1 =	vadd.s32 v0, v50  }
0x53: {  	[tilespmem:$0x150] =	vst v1;
	v1 =	vadd.s32 v0, v2  }
0x54: {  	[tilespmem:$0x160] =	vst v1;
	v1 =	vadd.s32 v0, v3  }
0x55: {  	s12 =	simm.s32 $0x100;
	[tilespmem:$0x170] =	vst v1  }
0x56: {  	[tilespmem:s25], [sflag:$0x3] =	stream.indirect.gather [spmem:s2], $0x80, s12, s20, $0xb8;
	[tilespmem:$0x17000] =	vst v63  }
0x57: {  	_ =	swait.ge [sflag:s26], $0x4000  }
0x58: {  	[sflag:s26] =	ssyncset.done $0x0  }
0x59: {  	s16 =	rddreg [dreg:$0x7];
	[sflag:s26] =	ssyncadd.s32 $0xFFFFC000  }
0x5a: {  	[hbm4b:s16+s3] =	stream.linear.scatter [tilespmem:s22], [sflag:$0x6], $0x4000, $0x38;
	[tilespmem:$0x17000] =	vst v63  }
0x5b: {  	v1 =	vld [tilespmem:$0x180]  }
0x5c: {  	v2 =	vld [tilespmem:$0x190]  }
0x5d: {  	v3 =	vld [tilespmem:$0x1A0]  }
0x5e: {  	v51 =	vld [tilespmem:$0x1B0]  }
0x5f: {  	v52 =	vld [tilespmem:$0x1C0]  }
0x60: {  	v53 =	vld [tilespmem:$0x1D0];
	v1 =	vadd.s32 v0, v1  }
0x61: {  	[tilespmem:$0x180] =	vst v1;
	v1 =	vadd.s32 v0, v2;
	v2 =	vld [tilespmem:$0x1E0]  }
0x62: {  	[tilespmem:$0x190] =	vst v1;
	v1 =	vadd.s32 v0, v3;
	v3 =	vld [tilespmem:$0x1F0]  }
0x63: {  	[tilespmem:$0x1A0] =	vst v1;
	v1 =	vadd.s32 v0, v51  }
0x64: {  	[tilespmem:$0x1B0] =	vst v1;
	v1 =	vadd.s32 v0, v52  }
0x65: {  	[tilespmem:$0x1C0] =	vst v1;
	v1 =	vadd.s32 v0, v53  }
0x66: {  	[tilespmem:$0x1D0] =	vst v1;
	v1 =	vadd.s32 v0, v2  }
0x67: {  	[tilespmem:$0x1E0] =	vst v1;
	v1 =	vadd.s32 v0, v3  }
0x68: {  	s17 =	simm.s32 $0x180;
	[tilespmem:$0x1F0] =	vst v1  }
0x69: {  	[tilespmem:s29], [sflag:$0x4] =	stream.indirect.gather [spmem:s2], $0x80, s17, s20, $0xb8;
	[tilespmem:$0x17000] =	vst v63  }
0x6a: {  	_ =	swait.ge [sflag:s30], $0x4000  }
0x6b: {  	[sflag:s30] =	ssyncset.done $0x0  }
0x6c: {  	s7 =	rddreg [dreg:$0x8];
	[sflag:s30] =	ssyncadd.s32 $0xFFFFC000  }
0x6d: {  	[hbm4b:s7+s3] =	stream.linear.scatter [tilespmem:s25], [sflag:$0x7], $0x4000, $0x38;
	[tilespmem:$0x17000] =	vst v63  }
0x6e: {  	_ =	swait.ge [sflag:s31], $0x4000  }
0x6f: {  	[sflag:s31] =	ssyncset.done $0x0  }
0x70: {  	[sflag:s31] =	ssyncadd.s32 $0xFFFFC000  }
0x71: {  	v1 =	vld [tilespmem:$0x200]  }
0x72: {  	v2 =	vld [tilespmem:$0x210]  }
0x73: {  	v3 =	vld [tilespmem:$0x220]  }
0x74: {  	v54 =	vld [tilespmem:$0x230]  }
0x75: {  	v55 =	vld [tilespmem:$0x240]  }
0x76: {  	v56 =	vld [tilespmem:$0x250];
	v1 =	vadd.s32 v0, v1  }
0x77: {  	[tilespmem:$0x200] =	vst v1;
	v1 =	vadd.s32 v0, v2;
	v2 =	vld [tilespmem:$0x260]  }
0x78: {  	[tilespmem:$0x210] =	vst v1;
	v1 =	vadd.s32 v0, v3;
	v3 =	vld [tilespmem:$0x270]  }
0x79: {  	[tilespmem:$0x220] =	vst v1;
	v1 =	vadd.s32 v0, v54  }
0x7a: {  	[tilespmem:$0x230] =	vst v1;
	v1 =	vadd.s32 v0, v55  }
0x7b: {  	[tilespmem:$0x240] =	vst v1;
	v1 =	vadd.s32 v0, v56  }
0x7c: {  	[tilespmem:$0x250] =	vst v1;
	v1 =	vadd.s32 v0, v2  }
0x7d: {  	[tilespmem:$0x260] =	vst v1;
	v1 =	vadd.s32 v0, v3  }
0x7e: {  	s8 =	simm.s32 $0x200;
	[tilespmem:$0x270] =	vst v1  }
0x7f: {  	[tilespmem:s21], [sflag:$0x1] =	stream.indirect.gather [spmem:s2], $0x80, s8, s20, $0xb8;
	[tilespmem:$0x17000] =	vst v63  }
0x80: {  	_ =	swait.ge [sflag:s0], $0x4000  }
0x81: {  	[sflag:s0] =	ssyncset.done $0x0  }
0x82: {  	s11 =	rddreg [dreg:$0x9];
	[sflag:s0] =	ssyncadd.s32 $0xFFFFC000  }
0x83: {  	[hbm4b:s11+s3] =	stream.linear.scatter [tilespmem:s29], [sflag:$0x8], $0x4000, $0x38;
	[tilespmem:$0x17000] =	vst v63  }
0x84: {  	_ =	swait.ge [sflag:s24], $0x4000  }
0x85: {  	[sflag:s24] =	ssyncset.done $0x0  }
0x86: {  	s6 =	simm.s32 $0x0;
	[sflag:s24] =	ssyncadd.s32 $0xFFFFC000  }
0x87: {  	v2 =	vld [tilespmem:s6+$0x2C0]  }
0x88: {  	v1 =	vld [tilespmem:s6+$0x2B0]  }
0x89: {  	v3 =	vld [tilespmem:s6+$0x280]  }
0x8a: {  	v59 =	vld [tilespmem:s6+$0x290]  }
0x8b: {  	v58 =	vld [tilespmem:s6+$0x2A0]  }
0x8c: {  	v7 =	vld [tilespmem:s6+$0x2E0];
	v2 =	vadd.s32 v0, v2  }
0x8d: {  	v57 =	vld [tilespmem:s6+$0x2D0];
	v1 =	vadd.s32 v0, v1;
	[tilespmem:s6+$0x2C0] =	vst v2  }
0x8e: {  	v2 =	vadd.s32 v0, v3;
	v3 =	vld [tilespmem:s6+$0x2F0];
	[tilespmem:s6+$0x2B0] =	vst v1  }
0x8f: {  	v1 =	vadd.s32 v0, v59;
	[tilespmem:s6+$0x280] =	vst v2  }
0x90: {  	v2 =	vadd.s32 v0, v58;
	[tilespmem:s6+$0x290] =	vst v1  }
0x91: {  	v1 =	vadd.s32 v0, v7;
	[tilespmem:s6+$0x2A0] =	vst v2  }
0x92: {  	[tilespmem:s6+$0x2E0] =	vst v1;
	v2 =	vadd.s32 v0, v57  }
0x93: {  	[tilespmem:s6+$0x2D0] =	vst v2;
	v1 =	vadd.s32 v0, v3  }
0x94: {  	s12 =	simm.s32 $0x280;
	[tilespmem:s6+$0x2F0] =	vst v1  }
0x95: {  	[tilespmem:s22], [sflag:$0x2] =	stream.indirect.gather [spmem:s2], $0x80, s12, s20, $0xb8;
	[tilespmem:$0x17000] =	vst v63  }
0x96: {  	_ =	swait.ge [sflag:s23], $0x4000  }
0x97: {  	[sflag:s23] =	ssyncset.done $0x0  }
0x98: {  	[sflag:s23] =	ssyncadd.s32 $0xFFFFC000  }
0x99: {  	[hbm4b:s9+s3] =	stream.linear.scatter [tilespmem:s21], [sflag:$0x5], $0x4000, $0x38;
	[tilespmem:$0x17000] =	vst v63  }
0x9a: {  	_ =	swait.ge [sflag:s28], $0x4000  }
0x9b: {  	[sflag:s28] =	ssyncset.done $0x0  }
0x9c: {  	[sflag:s28] =	ssyncadd.s32 $0xFFFFC000  }
0x9d: {  	v1 =	vld [tilespmem:s6+$0x320]  }
0x9e: {  	v2 =	vld [tilespmem:s6+$0x310]  }
0x9f: {  	v3 =	vld [tilespmem:s6+$0x300]  }
0xa0: {  	v62 =	vld [tilespmem:s6+$0x350];
	_ =	sdelay $0x1  }
0xa1: {  	v60 =	vld [tilespmem:s6+$0x330]  }
0xa2: {  	v61 =	vld [tilespmem:s6+$0x370];
	v1 =	vadd.s32 v0, v1  }
0xa3: {  	[tilespmem:s6+$0x320] =	vst v1;
	v1 =	vadd.s32 v0, v2;
	v2 =	vld [tilespmem:s6+$0x360]  }
0xa4: {  	v63 =	vadd.s32 v0, v62;
	[tilespmem:s6+$0x310] =	vst v1;
	v1 =	vadd.s32 v0, v3;
	v3 =	vld [tilespmem:s6+$0x340]  }
0xa5: {  	[tilespmem:s6+$0x350] =	vst v63  }
0xa6: {  	[tilespmem:s6+$0x300] =	vst v1;
	v1 =	vadd.s32 v0, v60  }
0xa7: {  	[tilespmem:s6+$0x330] =	vst v1;
	v1 =	vadd.s32 v0, v61  }
0xa8: {  	[tilespmem:s6+$0x370] =	vst v1;
	v1 =	vadd.s32 v0, v2  }
0xa9: {  	v2 =	vadd.s32 v0, v3;
	[tilespmem:s6+$0x360] =	vst v1  }
0xaa: {  	s16 =	simm.s32 $0x300;
	[tilespmem:s6+$0x340] =	vst v2  }
0xab: {  	[tilespmem:s25], [sflag:$0x3] =	stream.indirect.gather [spmem:s2], $0x80, s16, s20, $0xb8;
	[tilespmem:$0x17000] =	vst v63  }
0xac: {  	_ =	swait.ge [sflag:s26], $0x4000  }
0xad: {  	s17 =	sadd.s32 $0xFFFFF000, s10;
	[sflag:s26] =	ssyncset.done $0x0  }
0xae: {  	s7 =	smov.u32 s10;
	s8 =	simm.s32 $0x800;
	[sflag:s26] =	ssyncadd.s32 $0xFFFFC000  }
0xaf: {  	[hbm4b:s17+s3] =	stream.linear.scatter [tilespmem:s22], [sflag:$0x6], $0x4000, $0x38;
	[tilespmem:$0x17000] =	vst v63  }
0xb0: {  	s16 =	smov.u32 s9;
	s17 =	smov.u32 s10;
	_ =	swait.ge [sflag:s1], $0x4000  }
.LBB2_2:
0xb1: {  	[sflag:s1] =	ssyncset.done $0x0  }
0xb2: {  	s16 =	sadd.s32 $0x2000, s16;
	s7 =	sadd.s32 $0x2000, s7;
	s11 =	smov.u32 s8  }
0xb3: {  	p0 =	sne.s32 s8, $0x17800;
	s8 =	sadd.s32 $0x800, s8;
	[sflag:s1] =	ssyncadd.s32 $0xFFFFC000  }
0xb4: {  	v1 =	vld [tilespmem:s6+$0x3C0]  }
0xb5: {  	v2 =	vld [tilespmem:s6+$0x3B0]  }
0xb6: {  	v3 =	vld [tilespmem:s6+$0x3E0]  }
0xb7: {  	v4 =	vld [tilespmem:s6+$0x3D0]  }
0xb8: {  	v5 =	vld [tilespmem:s6+$0x3A0]  }
0xb9: {  	v1 =	vadd.s32 v0, v1;
	v6 =	vld [tilespmem:s6+$0x3F0]  }
0xba: {  	v7 =	vld [tilespmem:s6+$0x390];
	v2 =	vadd.s32 v0, v2;
	[tilespmem:s6+$0x3C0] =	vst v1  }
0xbb: {  	v1 =	vld [tilespmem:s6+$0x380];
	[tilespmem:s6+$0x3B0] =	vst v2  }
0xbc: {  	v3 =	vadd.s32 v0, v3;
	v2 =	vadd.s32 v0, v4  }
0xbd: {  	v4 =	vadd.s32 v0, v5;
	[tilespmem:s6+$0x3D0] =	vst v2  }
0xbe: {  	[tilespmem:s6+$0x3A0] =	vst v4;
	v2 =	vadd.s32 v0, v6  }
0xbf: {  	v4 =	vadd.s32 v0, v7;
	[tilespmem:s6+$0x3E0] =	vst v3  }
0xc0: {  	v1 =	vadd.s32 v0, v1;
	[tilespmem:s6+$0x390] =	vst v4  }
0xc1: {  	[tilespmem:s6+$0x380] =	vst v1  }
0xc2: {  	s12 =	sadd.s32 $0x380, s6;
	[tilespmem:s6+$0x3F0] =	vst v2  }
0xc3: {  	[tilespmem:s29], [sflag:$0x4] =	stream.indirect.gather [spmem:s2], $0x80, s12, s20, $0xb8;
	[tilespmem:$0x17000] =	vst v63  }
0xc4: {  	_ =	swait.ge [sflag:s30], $0x4000  }
0xc5: {  	[sflag:s30] =	ssyncset.done $0x0  }
0xc6: {  	s12 =	sadd.s32 $0xFFFFF800, s17;
	[sflag:s30] =	ssyncadd.s32 $0xFFFFC000  }
0xc7: {  	[hbm4b:s12+s3] =	stream.linear.scatter [tilespmem:s25], [sflag:$0x7], $0x4000, $0x38;
	[tilespmem:$0x17000] =	vst v63  }
0xc8: {  	_ =	swait.ge [sflag:s31], $0x4000  }
0xc9: {  	[sflag:s31] =	ssyncset.done $0x0  }
0xca: {  	[sflag:s31] =	ssyncadd.s32 $0xFFFFC000  }
0xcb: {  	v1 =	vld [tilespmem:s6+$0x400]  }
0xcc: {  	v2 =	vld [tilespmem:s6+$0x410]  }
0xcd: {  	v3 =	vld [tilespmem:s6+$0x420]  }
0xce: {  	v4 =	vld [tilespmem:s6+$0x440]  }
0xcf: {  	v5 =	vld [tilespmem:s6+$0x450]  }
0xd0: {  	v1 =	vadd.s32 v0, v1;
	v6 =	vld [tilespmem:s6+$0x460]  }
0xd1: {  	[tilespmem:s6+$0x400] =	vst v1;
	v1 =	vadd.s32 v0, v2;
	v2 =	vld [tilespmem:s6+$0x470]  }
0xd2: {  	[tilespmem:s6+$0x410] =	vst v1;
	v1 =	vadd.s32 v0, v3;
	v3 =	vld [tilespmem:s6+$0x430]  }
0xd3: {  	[tilespmem:s6+$0x420] =	vst v1;
	v1 =	vadd.s32 v0, v4  }
0xd4: {  	[tilespmem:s6+$0x440] =	vst v1;
	v1 =	vadd.s32 v0, v5  }
0xd5: {  	[tilespmem:s6+$0x450] =	vst v1;
	v1 =	vadd.s32 v0, v6  }
0xd6: {  	[tilespmem:s6+$0x460] =	vst v1;
	v1 =	vadd.s32 v0, v2  }
0xd7: {  	v2 =	vadd.s32 v0, v3;
	[tilespmem:s6+$0x470] =	vst v1  }
0xd8: {  	s12 =	sadd.s32 $0x400, s6;
	[tilespmem:s6+$0x430] =	vst v2  }
0xd9: {  	[tilespmem:s21], [sflag:$0x1] =	stream.indirect.gather [spmem:s2], $0x80, s12, s20, $0xb8;
	[tilespmem:$0x17000] =	vst v63  }
0xda: {  	_ =	swait.ge [sflag:s0], $0x4000  }
0xdb: {  	[sflag:s0] =	ssyncset.done $0x0  }
0xdc: {  	[sflag:s0] =	ssyncadd.s32 $0xFFFFC000  }
0xdd: {  	[hbm4b:s17+s3] =	stream.linear.scatter [tilespmem:s29], [sflag:$0x8], $0x4000, $0x38;
	[tilespmem:$0x17000] =	vst v63  }
0xde: {  	s17 =	smov.u32 s7;
	_ =	swait.ge [sflag:s24], $0x4000  }
0xdf: {  	[sflag:s24] =	ssyncset.done $0x0  }
0xe0: {  	s6 =	sshra.s32 s11, $0x2;
	[sflag:s24] =	ssyncadd.s32 $0xFFFFC000  }
0xe1: {  	v1 =	vld [tilespmem:s6+$0x2B0]  }
0xe2: {  	v2 =	vld [tilespmem:s6+$0x2C0]  }
0xe3: {  	v3 =	vld [tilespmem:s6+$0x280]  }
0xe4: {  	v4 =	vld [tilespmem:s6+$0x2D0]  }
0xe5: {  	v5 =	vld [tilespmem:s6+$0x2A0]  }
0xe6: {  	v6 =	vld [tilespmem:s6+$0x290]  }
0xe7: {  	v2 =	vadd.s32 v0, v2;
	v7 =	vld [tilespmem:s6+$0x2E0]  }
0xe8: {  	v1 =	vadd.s32 v0, v1;
	v3 =	vadd.s32 v0, v3;
	[tilespmem:s6+$0x2C0] =	vst v2;
	v2 =	vld [tilespmem:s6+$0x2F0]  }
0xe9: {  	[tilespmem:s6+$0x280] =	vst v3;
	v3 =	vadd.s32 v0, v4  }
0xea: {  	v4 =	vadd.s32 v0, v5;
	[tilespmem:s6+$0x2B0] =	vst v1  }
0xeb: {  	v1 =	vadd.s32 v0, v6;
	[tilespmem:s6+$0x2A0] =	vst v4  }
0xec: {  	[tilespmem:s6+$0x290] =	vst v1;
	v1 =	vadd.s32 v0, v7  }
0xed: {  	[tilespmem:s6+$0x2E0] =	vst v1;
	v1 =	vadd.s32 v0, v2  }
0xee: {  	[tilespmem:s6+$0x2F0] =	vst v1  }
0xef: {  	s11 =	sadd.s32 $0x280, s6;
	[tilespmem:s6+$0x2D0] =	vst v3  }
0xf0: {  	[tilespmem:s22], [sflag:$0x2] =	stream.indirect.gather [spmem:s2], $0x80, s11, s20, $0xb8;
	[tilespmem:$0x17000] =	vst v63  }
0xf1: {  	_ =	swait.ge [sflag:s23], $0x4000  }
0xf2: {  	[sflag:s23] =	ssyncset.done $0x0  }
0xf3: {  	[sflag:s23] =	ssyncadd.s32 $0xFFFFC000  }
0xf4: {  	[hbm4b:s16+s3] =	stream.linear.scatter [tilespmem:s21], [sflag:$0x5], $0x4000, $0x38;
	[tilespmem:$0x17000] =	vst v63  }
0xf5: {  	_ =	swait.ge [sflag:s28], $0x4000  }
0xf6: {  	[sflag:s28] =	ssyncset.done $0x0  }
0xf7: {  	[sflag:s28] =	ssyncadd.s32 $0xFFFFC000  }
0xf8: {  	v1 =	vld [tilespmem:s6+$0x320]  }
0xf9: {  	v2 =	vld [tilespmem:s6+$0x310]  }
0xfa: {  	v3 =	vld [tilespmem:s6+$0x300]  }
0xfb: {  	v4 =	vld [tilespmem:s6+$0x330]  }
0xfc: {  	v5 =	vld [tilespmem:s6+$0x370]  }
0xfd: {  	v1 =	vadd.s32 v0, v1;
	v6 =	vld [tilespmem:s6+$0x350]  }
0xfe: {  	v2 =	vadd.s32 v0, v2;
	[tilespmem:s6+$0x320] =	vst v1;
	v1 =	vld [tilespmem:s6+$0x360]  }
0xff: {  	v3 =	vadd.s32 v0, v3;
	[tilespmem:s6+$0x310] =	vst v2;
	v2 =	vld [tilespmem:s6+$0x340]  }
0x100: {  	[tilespmem:s6+$0x300] =	vst v3;
	v3 =	vadd.s32 v0, v4  }
0x101: {  	[tilespmem:s6+$0x330] =	vst v3;
	v3 =	vadd.s32 v0, v5  }
0x102: {  	v4 =	vadd.s32 v0, v6;
	[tilespmem:s6+$0x370] =	vst v3  }
0x103: {  	[tilespmem:s6+$0x350] =	vst v4;
	v1 =	vadd.s32 v0, v1  }
0x104: {  	v2 =	vadd.s32 v0, v2;
	[tilespmem:s6+$0x360] =	vst v1  }
0x105: {  	s11 =	sadd.s32 $0x300, s6;
	[tilespmem:s6+$0x340] =	vst v2  }
0x106: {  	[tilespmem:s25], [sflag:$0x3] =	stream.indirect.gather [spmem:s2], $0x80, s11, s20, $0xb8;
	[tilespmem:$0x17000] =	vst v63  }
.Ltmp0:
0x107: {  	_ =	swait.ge [sflag:s26], $0x4000;
	(pc) =	sbr.rel @p0 .LBB2_2-.Ltmp0, $4  }
0x108: {  	[sflag:s26] =	ssyncset.done $0x0  }
0x109: {  	s11 =	sadd.s32 $0xFFFFF000, s7;
	[sflag:s26] =	ssyncadd.s32 $0xFFFFC000  }
0x10a: {  	[hbm4b:s11+s3] =	stream.linear.scatter [tilespmem:s22], [sflag:$0x6], $0x4000, $0x38;
	[tilespmem:$0x17000] =	vst v63  }
0x10b: {  	_ =	swait.ge [sflag:s1], $0x4000  }
0x10c: {  	[sflag:s1] =	ssyncset.done $0x0  }
0x10d: {  	[sflag:s1] =	ssyncadd.s32 $0xFFFFC000  }
0x10e: {  	v1 =	vld [tilespmem:s6+$0x3C0]  }
0x10f: {  	v2 =	vld [tilespmem:s6+$0x3B0]  }
0x110: {  	v5 =	vld [tilespmem:s6+$0x3A0];
	_ =	sdelay $0x1  }
0x111: {  	v4 =	vld [tilespmem:s6+$0x3D0]  }
0x112: {  	v3 =	vld [tilespmem:s6+$0x3E0]  }
0x113: {  	v7 =	vld [tilespmem:s6+$0x390];
	v1 =	vadd.s32 v0, v1  }
0x114: {  	v51 =	vadd.s32 v0, v5;
	[tilespmem:s6+$0x3C0] =	vst v1;
	v1 =	vadd.s32 v0, v2;
	v2 =	vld [tilespmem:s6+$0x380]  }
0x115: {  	v6 =	vld [tilespmem:s6+$0x3F0];
	[tilespmem:s6+$0x3A0] =	vst v51  }
0x116: {  	[tilespmem:s6+$0x3B0] =	vst v1;
	v1 =	vadd.s32 v0, v4  }
0x117: {  	[tilespmem:s6+$0x3D0] =	vst v1;
	v1 =	vadd.s32 v0, v3  }
0x118: {  	v3 =	vadd.s32 v0, v7;
	[tilespmem:s6+$0x3E0] =	vst v1  }
0x119: {  	[tilespmem:s6+$0x390] =	vst v3;
	v1 =	vadd.s32 v0, v2  }
0x11a: {  	v2 =	vadd.s32 v0, v6;
	[tilespmem:s6+$0x380] =	vst v1  }
0x11b: {  	s7 =	sadd.s32 $0x380, s6;
	[tilespmem:s6+$0x3F0] =	vst v2  }
0x11c: {  	[tilespmem:s29], [sflag:$0x4] =	stream.indirect.gather [spmem:s2], $0x80, s7, s20, $0xb8;
	[tilespmem:$0x17000] =	vst v63  }
0x11d: {  	_ =	swait.ge [sflag:s30], $0x4000  }
0x11e: {  	[sflag:s30] =	ssyncset.done $0x0  }
0x11f: {  	s16 =	sadd.s32 $0xFFFFF800, s17;
	[sflag:s30] =	ssyncadd.s32 $0xFFFFC000  }
0x120: {  	[hbm4b:s16+s3] =	stream.linear.scatter [tilespmem:s25], [sflag:$0x7], $0x4000, $0x38;
	[tilespmem:$0x17000] =	vst v63  }
0x121: {  	_ =	swait.ge [sflag:s31], $0x4000  }
0x122: {  	[sflag:s31] =	ssyncset.done $0x0  }
0x123: {  	[sflag:s31] =	ssyncadd.s32 $0xFFFFC000  }
0x124: {  	v1 =	vld [tilespmem:s6+$0x400]  }
0x125: {  	v2 =	vld [tilespmem:s6+$0x410]  }
0x126: {  	v3 =	vld [tilespmem:s6+$0x420]  }
0x127: {  	v52 =	vld [tilespmem:s6+$0x440]  }
0x128: {  	v53 =	vld [tilespmem:s6+$0x450]  }
0x129: {  	v54 =	vld [tilespmem:s6+$0x460];
	v1 =	vadd.s32 v0, v1  }
0x12a: {  	[tilespmem:s6+$0x400] =	vst v1;
	v1 =	vadd.s32 v0, v2;
	v2 =	vld [tilespmem:s6+$0x470]  }
0x12b: {  	[tilespmem:s6+$0x410] =	vst v1;
	v1 =	vadd.s32 v0, v3;
	v3 =	vld [tilespmem:s6+$0x430]  }
0x12c: {  	[tilespmem:s6+$0x420] =	vst v1;
	v1 =	vadd.s32 v0, v52  }
0x12d: {  	[tilespmem:s6+$0x440] =	vst v1;
	v1 =	vadd.s32 v0, v53  }
0x12e: {  	[tilespmem:s6+$0x450] =	vst v1;
	v1 =	vadd.s32 v0, v54  }
0x12f: {  	[tilespmem:s6+$0x460] =	vst v1;
	v1 =	vadd.s32 v0, v2  }
0x130: {  	v2 =	vadd.s32 v0, v3;
	[tilespmem:s6+$0x470] =	vst v1  }
0x131: {  	s7 =	sadd.s32 $0x400, s6;
	[tilespmem:s6+$0x430] =	vst v2  }
0x132: {  	[tilespmem:s21], [sflag:$0x1] =	stream.indirect.gather [spmem:s2], $0x80, s7, s20, $0xb8;
	[tilespmem:$0x17000] =	vst v63  }
0x133: {  	_ =	swait.ge [sflag:s0], $0x4000  }
0x134: {  	[sflag:s0] =	ssyncset.done $0x0  }
0x135: {  	[sflag:s0] =	ssyncadd.s32 $0xFFFFC000  }
0x136: {  	[hbm4b:s17+s3] =	stream.linear.scatter [tilespmem:s29], [sflag:$0x8], $0x4000, $0x38;
	[tilespmem:$0x17000] =	vst v63  }
0x137: {  	_ =	swait.ge [sflag:s24], $0x4000  }
0x138: {  	[sflag:s24] =	ssyncset.done $0x0  }
0x139: {  	[sflag:s24] =	ssyncadd.s32 $0xFFFFC000  }
0x13a: {  	v1 =	vld [tilespmem:$0x6280]  }
0x13b: {  	v2 =	vld [tilespmem:$0x6290]  }
0x13c: {  	v3 =	vld [tilespmem:$0x62A0]  }
0x13d: {  	v55 =	vld [tilespmem:$0x62B0]  }
0x13e: {  	v56 =	vld [tilespmem:$0x62C0]  }
0x13f: {  	v57 =	vld [tilespmem:$0x62D0];
	v1 =	vadd.s32 v0, v1  }
0x140: {  	[tilespmem:$0x6280] =	vst v1;
	v1 =	vadd.s32 v0, v2;
	v2 =	vld [tilespmem:$0x62E0]  }
0x141: {  	[tilespmem:$0x6290] =	vst v1;
	v1 =	vadd.s32 v0, v3;
	v3 =	vld [tilespmem:$0x62F0]  }
0x142: {  	[tilespmem:$0x62A0] =	vst v1;
	v1 =	vadd.s32 v0, v55  }
0x143: {  	[tilespmem:$0x62B0] =	vst v1;
	v1 =	vadd.s32 v0, v56  }
0x144: {  	[tilespmem:$0x62C0] =	vst v1;
	v1 =	vadd.s32 v0, v57  }
0x145: {  	[tilespmem:$0x62D0] =	vst v1;
	v1 =	vadd.s32 v0, v2  }
0x146: {  	[tilespmem:$0x62E0] =	vst v1;
	v1 =	vadd.s32 v0, v3  }
0x147: {  	s8 =	simm.s32 $0x6280;
	[tilespmem:$0x62F0] =	vst v1  }
0x148: {  	[tilespmem:s22], [sflag:$0x2] =	stream.indirect.gather [spmem:s2], $0x80, s8, s20, $0xb8;
	[tilespmem:$0x17000] =	vst v63  }
0x149: {  	_ =	swait.ge [sflag:s23], $0x4000  }
0x14a: {  	[sflag:s23] =	ssyncset.done $0x0  }
0x14b: {  	s11 =	rddreg [dreg:$0xa];
	[sflag:s23] =	ssyncadd.s32 $0xFFFFC000  }
0x14c: {  	[hbm4b:s11+s3] =	stream.linear.scatter [tilespmem:s21], [sflag:$0x5], $0x4000, $0x38;
	[tilespmem:$0x17000] =	vst v63  }
0x14d: {  	_ =	swait.ge [sflag:s28], $0x4000  }
0x14e: {  	[sflag:s28] =	ssyncset.done $0x0  }
0x14f: {  	[sflag:s28] =	ssyncadd.s32 $0xFFFFC000  }
0x150: {  	v1 =	vld [tilespmem:$0x6300]  }
0x151: {  	v2 =	vld [tilespmem:$0x6310]  }
0x152: {  	v3 =	vld [tilespmem:$0x6320]  }
0x153: {  	v58 =	vld [tilespmem:$0x6330]  }
0x154: {  	v59 =	vld [tilespmem:$0x6340]  }
0x155: {  	v60 =	vld [tilespmem:$0x6350];
	v1 =	vadd.s32 v0, v1  }
0x156: {  	[tilespmem:$0x6300] =	vst v1;
	v1 =	vadd.s32 v0, v2;
	v2 =	vld [tilespmem:$0x6360]  }
0x157: {  	[tilespmem:$0x6310] =	vst v1;
	v1 =	vadd.s32 v0, v3;
	v3 =	vld [tilespmem:$0x6370]  }
0x158: {  	[tilespmem:$0x6320] =	vst v1;
	v1 =	vadd.s32 v0, v58  }
0x159: {  	[tilespmem:$0x6330] =	vst v1;
	v1 =	vadd.s32 v0, v59  }
0x15a: {  	[tilespmem:$0x6340] =	vst v1;
	v1 =	vadd.s32 v0, v60  }
0x15b: {  	[tilespmem:$0x6350] =	vst v1;
	v1 =	vadd.s32 v0, v2  }
0x15c: {  	[tilespmem:$0x6360] =	vst v1;
	v1 =	vadd.s32 v0, v3  }
0x15d: {  	s12 =	simm.s32 $0x6300;
	[tilespmem:$0x6370] =	vst v1  }
0x15e: {  	[tilespmem:s25], [sflag:$0x3] =	stream.indirect.gather [spmem:s2], $0x80, s12, s20, $0xb8;
	[tilespmem:$0x17000] =	vst v63  }
0x15f: {  	_ =	swait.ge [sflag:s26], $0x4000  }
0x160: {  	[sflag:s26] =	ssyncset.done $0x0  }
0x161: {  	s16 =	rddreg [dreg:$0xb];
	[sflag:s26] =	ssyncadd.s32 $0xFFFFC000  }
0x162: {  	[hbm4b:s16+s3] =	stream.linear.scatter [tilespmem:s22], [sflag:$0x6], $0x4000, $0x38;
	[tilespmem:$0x17000] =	vst v63  }
0x163: {  	_ =	swait.ge [sflag:s1], $0x4000  }
0x164: {  	[sflag:s1] =	ssyncset.done $0x0  }
0x165: {  	[sflag:s1] =	ssyncadd.s32 $0xFFFFC000  }
0x166: {  	v1 =	vld [tilespmem:$0x6380]  }
0x167: {  	v2 =	vld [tilespmem:$0x6390]  }
0x168: {  	v3 =	vld [tilespmem:$0x63A0]  }
0x169: {  	v61 =	vld [tilespmem:$0x63B0]  }
0x16a: {  	v62 =	vld [tilespmem:$0x63C0]  }
0x16b: {  	v63 =	vld [tilespmem:$0x63D0];
	v1 =	vadd.s32 v0, v1  }
0x16c: {  	[tilespmem:$0x6380] =	vst v1;
	v1 =	vadd.s32 v0, v2;
	v2 =	vld [tilespmem:$0x63E0]  }
0x16d: {  	[tilespmem:$0x6390] =	vst v1;
	v1 =	vadd.s32 v0, v3;
	v3 =	vld [tilespmem:$0x63F0]  }
0x16e: {  	[tilespmem:$0x63A0] =	vst v1;
	v1 =	vadd.s32 v0, v61  }
0x16f: {  	[tilespmem:$0x63B0] =	vst v1;
	v1 =	vadd.s32 v0, v62  }
0x170: {  	[tilespmem:$0x63C0] =	vst v1;
	v1 =	vadd.s32 v0, v63  }
0x171: {  	[tilespmem:$0x63D0] =	vst v1;
	v1 =	vadd.s32 v0, v2  }
0x172: {  	[tilespmem:$0x63E0] =	vst v1;
	v1 =	vadd.s32 v0, v3  }
0x173: {  	s17 =	simm.s32 $0x6380;
	[tilespmem:$0x63F0] =	vst v1  }
0x174: {  	[tilespmem:s29], [sflag:$0x4] =	stream.indirect.gather [spmem:s2], $0x80, s17, s20, $0xb8;
	[tilespmem:$0x17000] =	vst v63  }
0x175: {  	_ =	swait.ge [sflag:s30], $0x4000  }
0x176: {  	[sflag:s30] =	ssyncset.done $0x0  }
0x177: {  	[sflag:s30] =	ssyncadd.s32 $0xFFFFC000  }
0x178: {  	[hbm4b:s13+s3] =	stream.linear.scatter [tilespmem:s25], [sflag:$0x7], $0x4000, $0x38;
	[tilespmem:$0x17000] =	vst v63  }
0x179: {  	_ =	swait.ge [sflag:s0], $0x4000  }
0x17a: {  	[sflag:s0] =	ssyncset.done $0x0  }
0x17b: {  	[sflag:s0] =	ssyncadd.s32 $0xFFFFC000  }
0x17c: {  	[hbm4b:s14+s3] =	stream.linear.scatter [tilespmem:s29], [sflag:$0x8], $0x4000, $0x38;
	[tilespmem:$0x17000] =	vst v63  }
0x17d: {  	_ =	swait.ge [sflag:s31], $0x4000  }
0x17e: {  	[sflag:s31] =	ssyncset.done $0x0  }
0x17f: {  	[sflag:s31] =	ssyncadd.s32 $0xFFFFC000  }
0x180: {  	_ =	swait.ge [sflag:s24], $0x4000  }
0x181: {  	[sflag:s24] =	ssyncset.done $0x0  }
0x182: {  	s4 =	sadd.s32 $0x1, s4;
	[sflag:s24] =	ssyncadd.s32 $0xFFFFC000  }
0x183: {  	p0 =	sne.s32 s4, s15;
	_ =	swait.ge [sflag:s28], $0x4000  }
.Ltmp1:
0x184: {  	[sflag:s28] =	ssyncset.done $0x0;
	(pc) =	sbr.rel @p0 .LBB2_1-.Ltmp1, $4  }
0x185: {  	[sflag:s28] =	ssyncadd.s32 $0xFFFFC000  }
0x186: {  	_ =	swait.ge [sflag:s1], $0x4000  }
0x187: {  	[sflag:s1] =	ssyncset.done $0x0  }
0x188: {  	[sflag:s1] =	ssyncadd.s32 $0xFFFFC000  }
0x189: {  	_ =	sfence.sel $0x180000  }
0x18a: {  	[bflag:$0x0] =	sbarrier.arrive $0xFFFF  }
0x18b: {  	_ =	strace $0x90000047  }
0x18c: {  	s0 =	stileid.u32;
	[bflag:$0x2] =	sbarrier.arrive $0xFFFF  }
0x18d: {  	p0 =	sne.s32 s0, $0x0;
	s0 =	rddreg [dreg:$0x3]  }
0x18e: {  	s0 =	sadd.s32 @!p0 $0x100000, s0  }
0x18f: {  	[sflag:s0] =	ssyncadd.tile.s32 @!p0 $0x1;
	_ =	shalt  }
.Lfunc_end2:
_tile_overlayer_lowered:
.L_overlay_start_2:
0x190: {  	(tag) =	ssettag $0x2  }
0x191: {  	s0 =	rddreg [dreg:$0x0];
	s2 =	stileid.u32  }
0x192: {  	s1 =	rddreg [dreg:$0x1];
	p0 =	sne.s32 s2, $0x0  }
0x193: {  	s3 =	rddreg [dreg:$0x2];
	[bflag:$0x3] =	sbarrier.arrive $0xFFFF;
	s2 =	simm.s32 @!p0 $0x1C09  }
0x194: {  	[timem:s3], [sflag:s2] =	dma.local @!p0 [hbm:s0], s1  }
0x195: {  	s0 =	simm.s32 @!p0 $0x9  }
0x196: {  	_ =	swait.ge @!p0 [sflag:s0], s1  }
0x197: {  	s1 =	ssub.s32 @!p0 $0x0, s1;
	[sflag:s0] =	ssyncset.done @!p0 $0x0  }
0x198: {  	[sflag:s0] =	ssyncadd.s32 @!p0 s1  }
0x199: {  	[bflag:$0x3] =	sbarrier.arrive $0xFFFF  }
0x19a: {  	_ =	shalt  }

</sc_bundles>
